<compile_context>
chip_gen: v7x
topology: tpu7x:2x2x1
jax: 0.10.2.dev20260603
libtpu: 0.0.44.dev20260713+nightly
codegen_flags: <defaults>
</compile_context>

<pallas_src>
import dataclasses
import functools

import jax
import jax.numpy as jnp
from jax import lax
from jax.experimental import pallas as pl
from jax.experimental.pallas import tpu as pltpu
from jax.experimental.pallas import tpu_sc as plsc

N = 10000
E = 320000
D_IN = 128
HID = 256
NC = 2
NS = 16
NW = NC * NS
SEG_EDGES = 2560
NSEGS = E // SEG_EDGES
ZROWS = 624
TAIL = N - NS * ZROWS
BLK = 1000



def _make_sc_agg(dc: int, col_split: bool, with_counts: bool,
                 chunk: int, nbuf: int, seg_edges: int, dbuf: bool):
    mesh = plsc.VectorSubcoreMesh(core_axis_name="c", subcore_axis_name="s")
    if with_counts:
        out_type = [jax.ShapeDtypeStruct((NC, N, dc), jnp.float32),
                    jax.ShapeDtypeStruct((NW * N,), jnp.float32)]
    else:
        out_type = jax.ShapeDtypeStruct((NC, N, dc), jnp.float32)
    n_tiles = NS if col_split else NW
    nseg = seg_edges // chunk
    nsegs = E // seg_edges
    n_pairs = (nsegs + n_tiles - 1) // n_tiles
    n_pairs = (n_pairs + 1) // 2
    n_ibuf = 2 if dbuf else 1
    scratch_types = [pltpu.VMEM((nseg, chunk), jnp.int32)] * (2 * n_ibuf)
    scratch_types += [
        pltpu.VMEM((8, dc), jnp.float32),
        pltpu.VMEM_SHARED((N, dc), jnp.float32),
    ]
    scratch_types += [pltpu.VMEM((chunk, dc), jnp.float32)] * nbuf
    scratch_types += [pltpu.SemaphoreType.DMA] * (2 * nbuf + 3)
    if with_counts:
        scratch_types.append(pltpu.VMEM((N,), jnp.float32))

    def body(table_hbm, src_hbm, dst_hbm, *refs):
        if with_counts:
            out_hbm, cnt_hbm = refs[0], refs[1]
            refs = refs[2:]
            cnt_v = refs[-1]
            refs = refs[:-1]
        else:
            out_hbm = refs[0]
            refs = refs[1:]
        if dbuf:
            src_segs = (refs[0], refs[2])
            dst_segs = (refs[1], refs[3])
            refs = refs[4:]
        else:
            src_segs = (refs[0], refs[0])
            dst_segs = (refs[1], refs[1])
            refs = refs[2:]
        zbuf, acc = refs[0], refs[1]
        rows = refs[2:2 + nbuf]
        gsems = refs[2 + nbuf:2 + 2 * nbuf]
        ssems = refs[2 + 2 * nbuf:2 + 3 * nbuf]
        zsem = refs[2 + 3 * nbuf]
        isems = refs[2 + 3 * nbuf + 1:2 + 3 * nbuf + 3]
        cid = lax.axis_index("c")
        sid = lax.axis_index("s")
        zvec = jnp.zeros((16,), jnp.float32)
        ones = jnp.ones((16,), jnp.float32)

        @pl.loop(0, 8)
        def _(r):
            @pl.loop(0, dc, step=16)
            def _(c0):
                zbuf[r, pl.ds(c0, 16)] = zvec

        zbase = sid * ZROWS

        @pl.loop(0, ZROWS, step=8)
        def _(j):
            pltpu.async_copy(zbuf, acc.at[pl.ds(zbase + j, 8)], zsem)

        @pl.loop(0, ZROWS, step=8)
        def _(j):
            pltpu.make_async_copy(zbuf, acc.at[pl.ds(zbase, 8)], zsem).wait()

        @pl.when(sid == NS - 1)
        def _():
            @pl.loop(0, TAIL, step=8)
            def _(j):
                pltpu.sync_copy(zbuf, acc.at[pl.ds(NS * ZROWS + j, 8)])

        if with_counts:
            @pl.loop(0, N, step=16)
            def _(i):
                cnt_v[pl.ds(i, 16)] = zvec

        plsc.subcore_barrier()

        t = sid if col_split else sid * NC + cid
        off = cid * N

        def hist(idx_2d, r):
            if with_counts:
                @pl.loop(0, chunk, step=16)
                def _(k):
                    plsc.addupdate_scatter(cnt_v, [idx_2d[r, pl.ds(k, 16)]],
                                           ones)

        def issue_idx(seg, par):
            ch0 = seg * nseg
            pltpu.async_copy(src_hbm.at[pl.ds(ch0, nseg)], src_segs[par],
                             isems[par])
            pltpu.async_copy(dst_hbm.at[pl.ds(ch0, nseg)], dst_segs[par],
                             isems[par])

        def wait_idx(par):
            pltpu.make_async_copy(src_hbm.at[pl.ds(0, nseg)], src_segs[par],
                                  isems[par]).wait()
            pltpu.make_async_copy(dst_hbm.at[pl.ds(0, nseg)], dst_segs[par],
                                  isems[par]).wait()

        def process_segment(par):
            src_seg, dst_seg = src_segs[par], dst_segs[par]
            if col_split:
                @pl.loop(0, nseg)
                def _(r):
                    @pl.loop(0, chunk, step=16)
                    def _(k):
                        src_seg[r, pl.ds(k, 16)] = (
                            src_seg[r, pl.ds(k, 16)] + off)

            for b in range(nbuf):
                pltpu.async_copy(table_hbm.at[src_seg.at[b]], rows[b],
                                 gsems[b])

            @pl.loop(0, nseg, step=nbuf)
            def _(j):
                for b in range(nbuf):
                    pltpu.make_async_copy(table_hbm.at[src_seg.at[0]],
                                          rows[b], gsems[b]).wait()
                    pltpu.async_copy(rows[b], acc.at[dst_seg.at[j + b]],
                                     ssems[b], add=True)
                    hist(dst_seg, j + b)
                for b in range(nbuf):
                    @pl.when(j + nbuf + b < nseg)
                    def _():
                        pltpu.make_async_copy(rows[b], acc.at[dst_seg.at[0]],
                                              ssems[b]).wait()
                        pltpu.async_copy(table_hbm.at[src_seg.at[j + nbuf + b]],
                                         rows[b], gsems[b])

            for b in range(nbuf):
                pltpu.make_async_copy(rows[b], acc.at[dst_seg.at[0]],
                                      ssems[b]).wait()

        if dbuf:
            issue_idx(t, 0)

            @pl.loop(0, n_pairs)
            def _(ip):
                for par in range(2):
                    seg = t + (2 * ip + par) * n_tiles

                    @pl.when(seg < nsegs)
                    def _():
                        wait_idx(par)

                        @pl.when(seg + n_tiles < nsegs)
                        def _():
                            issue_idx(seg + n_tiles, 1 - par)

                        process_segment(par)
        else:
            @pl.loop(t, nsegs, step=n_tiles)
            def _(seg):
                issue_idx(seg, 0)
                wait_idx(0)
                process_segment(0)

        plsc.subcore_barrier()

        pltpu.sync_copy(acc.at[pl.ds(zbase, ZROWS)],
                        out_hbm.at[cid].at[pl.ds(zbase, ZROWS)])

        @pl.when(sid == NS - 1)
        def _():
            pltpu.sync_copy(acc.at[pl.ds(NS * ZROWS, TAIL)],
                            out_hbm.at[cid].at[pl.ds(NS * ZROWS, TAIL)])

        if with_counts:
            wid = sid * NC + cid
            pltpu.sync_copy(cnt_v, cnt_hbm.at[pl.ds(wid * N, N)])

    cp = pltpu.CompilerParams()
    if "needs_layout_passes" in pltpu.CompilerParams.__dataclass_fields__:
        cp = dataclasses.replace(cp, needs_layout_passes=False)
    return pl.kernel(body, out_type=out_type, mesh=mesh,
                     scratch_types=scratch_types, compiler_params=cp)



def _tc1a_body(x_ref, w1r_ref, b1_ref, o_ref):
    o_ref[...] = (jnp.dot(x_ref[...], w1r_ref[...],
                          preferred_element_type=jnp.float32)
                  + b1_ref[...])


def _tc1b_body(s1_ref, cnt_ref, xr_ref, w1l_ref, o_ref):
    cnt = jnp.sum(cnt_ref[...], axis=1)
    r = 1.0 / jnp.maximum(cnt, 1.0)
    agg = (s1_ref[0] + s1_ref[1]) * r[:, None]
    h = (jnp.dot(agg, w1l_ref[...], preferred_element_type=jnp.float32)
         + xr_ref[...])
    h = jnp.maximum(h, 0.0)
    o_ref[0] = h[:, :HID // 2]
    o_ref[1] = h[:, HID // 2:]


def _tc2a_body(h1_ref, w2ra_ref, w2rb_ref, b2_ref, o_ref):
    o_ref[...] = (jnp.dot(h1_ref[0], w2ra_ref[...],
                          preferred_element_type=jnp.float32)
                  + jnp.dot(h1_ref[1], w2rb_ref[...],
                            preferred_element_type=jnp.float32)
                  + b2_ref[...])


def _tc2b_body(s2_ref, cnt_ref, hr2_ref, w2la_ref, w2lb_ref, wo_ref,
               bo_ref, o_ref):
    cnt = jnp.sum(cnt_ref[...], axis=1)
    r = 1.0 / jnp.maximum(cnt, 1.0)
    h = (jnp.dot(s2_ref[0] * r[:, None], w2la_ref[...],
                 preferred_element_type=jnp.float32)
         + jnp.dot(s2_ref[1] * r[:, None], w2lb_ref[...],
                   preferred_element_type=jnp.float32)
         + hr2_ref[...])
    h = jnp.maximum(h, 0.0)
    o_ref[...] = (jnp.dot(h, wo_ref[...], preferred_element_type=jnp.float32)
                  + bo_ref[...])


def _full(shape):
    return pl.BlockSpec(shape, lambda i: tuple(0 for _ in shape))


_tc1a = pl.pallas_call(
    _tc1a_body,
    grid=(N // BLK,),
    in_specs=[
        pl.BlockSpec((BLK, D_IN), lambda i: (i, 0)),
        _full((D_IN, HID)),
        _full((1, HID)),
    ],
    out_specs=pl.BlockSpec((BLK, HID), lambda i: (i, 0)),
    out_shape=jax.ShapeDtypeStruct((N, HID), jnp.float32),
)

_tc1b = pl.pallas_call(
    _tc1b_body,
    grid=(N // BLK,),
    in_specs=[
        pl.BlockSpec((NC, BLK, D_IN), lambda i: (0, i, 0)),
        pl.BlockSpec((BLK, NW), lambda i: (i, 0)),
        pl.BlockSpec((BLK, HID), lambda i: (i, 0)),
        _full((D_IN, HID)),
    ],
    out_specs=pl.BlockSpec((NC, BLK, HID // 2), lambda i: (0, i, 0)),
    out_shape=jax.ShapeDtypeStruct((NC, N, HID // 2), jnp.float32),
)

_tc2a = pl.pallas_call(
    _tc2a_body,
    grid=(N // BLK,),
    in_specs=[
        pl.BlockSpec((NC, BLK, HID // 2), lambda i: (0, i, 0)),
        _full((HID // 2, HID)),
        _full((HID // 2, HID)),
        _full((1, HID)),
    ],
    out_specs=pl.BlockSpec((BLK, HID), lambda i: (i, 0)),
    out_shape=jax.ShapeDtypeStruct((N, HID), jnp.float32),
)

_tc2b = pl.pallas_call(
    _tc2b_body,
    grid=(N // BLK,),
    in_specs=[
        pl.BlockSpec((NC, BLK, HID // 2), lambda i: (0, i, 0)),
        pl.BlockSpec((BLK, NW), lambda i: (i, 0)),
        pl.BlockSpec((BLK, HID), lambda i: (i, 0)),
        _full((HID // 2, HID)),
        _full((HID // 2, HID)),
        _full((HID, 2)),
        _full((1, 2)),
    ],
    out_specs=pl.BlockSpec((BLK, 2), lambda i: (i, 0)),
    out_shape=jax.ShapeDtypeStruct((N, 2), jnp.float32),
)

_CHUNK1, _NBUF1 = 32, 4
_CHUNK2, _NBUF2 = 64, 4
_sc_agg1 = _make_sc_agg(D_IN, col_split=False, with_counts=True,
                        chunk=_CHUNK1, nbuf=_NBUF1, seg_edges=1280, dbuf=True)
_sc_agg2 = _make_sc_agg(HID // 2, col_split=True, with_counts=False,
                        chunk=_CHUNK2, nbuf=_NBUF2, seg_edges=2560, dbuf=False)


def kernel(x, edge_index, W1l, b1, W1r, W2l, b2, W2r, Wo, bo):
    src = edge_index[0].astype(jnp.int32)
    dst = edge_index[1].astype(jnp.int32)

    xr = _tc1a(x, W1r, b1.reshape(1, HID))
    s1, cnt = _sc_agg1(x, src.reshape(E // _CHUNK1, _CHUNK1),
                       dst.reshape(E // _CHUNK1, _CHUNK1))
    cnt = cnt.reshape(NW, N).T
    h1 = _tc1b(s1, cnt, xr, W1l)

    h1_tab = h1.reshape(NC * N, HID // 2)
    s2 = _sc_agg2(h1_tab, src.reshape(E // _CHUNK2, _CHUNK2),
                  dst.reshape(E // _CHUNK2, _CHUNK2))
    hr2 = _tc2a(h1, W2r[:HID // 2], W2r[HID // 2:], b2.reshape(1, HID))
    out = _tc2b(s2, cnt, hr2,
                W2l[:HID // 2], W2l[HID // 2:], Wo, bo.reshape(1, 2))
    return out

# --- scband reference (transcript-rebuilt; emitter-appended) ---
"""Pipeline reference for scband-gnnboundary-classifier-3917010174485 (READ-ONLY COPY).

The authoritative reference and input builder live on the scoring server;
editing this copy changes nothing except your own understanding.
"""

import jax, jax.numpy as jnp
import numpy as np

N_NODES = 10000
E_EDGES = 320000
IN_DIM = 128
HID = 256

def setup_inputs(seed: int = 0) -> dict:
    key = jax.random.key(seed)
    ks = jax.random.split(key, 12)
    x = jax.random.normal(ks[0], (N_NODES, IN_DIM), dtype=jnp.float32)
    edge_index = jax.random.randint(ks[1], (2, E_EDGES), 0, N_NODES, dtype=jnp.int64)
    # SAGEConv1: lin_l (aggregated neighbors, bias=True), lin_r (root, bias=False)
    s1 = 1.0 / np.sqrt(IN_DIM)
    W1l = jax.random.uniform(ks[2], (IN_DIM, HID), minval=-s1, maxval=s1, dtype=jnp.float32)
    b1 = jax.random.uniform(ks[3], (HID,), minval=-s1, maxval=s1, dtype=jnp.float32)
    W1r = jax.random.uniform(ks[4], (IN_DIM, HID), minval=-s1, maxval=s1, dtype=jnp.float32)
    s2 = 1.0 / np.sqrt(HID)
    W2l = jax.random.uniform(ks[5], (HID, HID), minval=-s2, maxval=s2, dtype=jnp.float32)
    b2 = jax.random.uniform(ks[6], (HID,), minval=-s2, maxval=s2, dtype=jnp.float32)
    W2r = jax.random.uniform(ks[7], (HID, HID), minval=-s2, maxval=s2, dtype=jnp.float32)
    Wo = jax.random.uniform(ks[8], (HID, 2), minval=-s2, maxval=s2, dtype=jnp.float32)
    bo = jax.random.uniform(ks[9], (2,), minval=-s2, maxval=s2, dtype=jnp.float32)
    return {"x": x, "edge_index": edge_index, "W1l": W1l, "b1": b1, "W1r": W1r, "W2l": W2l, "b2": b2, "W2r": W2r, "Wo": Wo, "bo": bo}

def _sage_conv(x, edge_index, Wl, bl, Wr):
    # PyG SAGEConv with mean aggregation: out = lin_l(mean_j x_j) + lin_r(x_i)
    src = edge_index[0]
    dst = edge_index[1]
    n = x.shape[0]
    msgs = jnp.take(x, src, axis=0)
    summed = jax.ops.segment_sum(msgs, dst, num_segments=n)
    counts = jax.ops.segment_sum(jnp.ones((src.shape[0],), dtype=x.dtype), dst, num_segments=n)
    agg = summed / jnp.clip(counts, 1.0)[:, None]
    return agg @ Wl + bl + x @ Wr

def reference(x, edge_index, W1l, b1, W1r, W2l, b2, W2r, Wo, bo):
    h = jax.nn.relu(_sage_conv(x, edge_index, W1l, b1, W1r))
    h = jax.nn.relu(_sage_conv(h, edge_index, W2l, b2, W2r))
    out = h @ Wo + bo
    return out

if __name__ == "__main__":
    import jax
    _d = setup_inputs()
    print(jax.jit(kernel)(*tuple(_d.values())))

</pallas_src>

<mosaic_0001>
#map = affine_map<(d0, d1) -> (0, 0)>
#map1 = affine_map<(d0, d1) -> (0, 0, 0)>
module attributes {stable_mosaic.version = 14 : i64} {
  func.func @body(%arg0: i32, %arg1: i32, %arg2: memref<20000x128xf32, #tpu.memory_space<hbm>>, %arg3: memref<5000x64xi32, #tpu.memory_space<hbm>>, %arg4: memref<5000x64xi32, #tpu.memory_space<hbm>>, %arg5: memref<2x10000x128xf32, #tpu.memory_space<hbm>>, %arg6: memref<40x64xi32, #tpu.memory_space<vmem>>, %arg7: memref<40x64xi32, #tpu.memory_space<vmem>>, %arg8: memref<8x128xf32, #tpu.memory_space<vmem>>, %arg9: memref<10000x128xf32, #tpu.memory_space<vmem_shared>>, %arg10: memref<64x128xf32, #tpu.memory_space<vmem>>, %arg11: memref<64x128xf32, #tpu.memory_space<vmem>>, %arg12: memref<64x128xf32, #tpu.memory_space<vmem>>, %arg13: memref<64x128xf32, #tpu.memory_space<vmem>>, %arg14: memref<!tpu.dma_semaphore, #tpu.memory_space<semaphore_mem>>, %arg15: memref<!tpu.dma_semaphore, #tpu.memory_space<semaphore_mem>>, %arg16: memref<!tpu.dma_semaphore, #tpu.memory_space<semaphore_mem>>, %arg17: memref<!tpu.dma_semaphore, #tpu.memory_space<semaphore_mem>>, %arg18: memref<!tpu.dma_semaphore, #tpu.memory_space<semaphore_mem>>, %arg19: memref<!tpu.dma_semaphore, #tpu.memory_space<semaphore_mem>>, %arg20: memref<!tpu.dma_semaphore, #tpu.memory_space<semaphore_mem>>, %arg21: memref<!tpu.dma_semaphore, #tpu.memory_space<semaphore_mem>>, %arg22: memref<!tpu.dma_semaphore, #tpu.memory_space<semaphore_mem>>, %arg23: memref<!tpu.dma_semaphore, #tpu.memory_space<semaphore_mem>>, %arg24: memref<!tpu.dma_semaphore, #tpu.memory_space<semaphore_mem>>) attributes {dimension_semantics = [#tpu.dimension_semantics<core_parallel>, #tpu.dimension_semantics<subcore_parallel>], iteration_bounds = array<i64: 2, 16>, scalar_prefetch = 0 : i64, scratch_operands = 19 : i64, tpu.core_type = #tpu.core_type<sc_vector_subcore>, window_params = [{transform_indices = #map}, {transform_indices = #map}, {transform_indices = #map}, {transform_indices = #map1}]} {
    %broadcast_in_dim3A = arith.constant 0.000000e+00 : f32
    %broadcast_in_dim3A_0 = vector.broadcast %broadcast_in_dim3A : f32 to vector<16xf32>
    %broadcast_in_dim3A_1 = arith.constant 1.000000e+00 : f32
    %broadcast_in_dim3A_2 = vector.broadcast %broadcast_in_dim3A_1 : f32 to vector<16xf32>
    %scan3A = arith.constant 0 : i32
    %scan3A_3 = arith.constant 8 : i32
    %scan3A_4 = arith.addi %scan3A, %scan3A_3 : i32
    %scan3A_5 = arith.constant 1 : i32
    scf.for %scan3A_42 = %scan3A to %scan3A_4 step %scan3A_5  : i32 {
      %mul3A_43 = arith.constant 1 : i32
      %mul3A_44 = arith.muli %scan3A_42, %mul3A_43 : i32
      %add3A_45 = arith.constant 0 : i32
      %add3A_46 = arith.addi %add3A_45, %mul3A_44 : i32
      %scan3A_47 = arith.constant 0 : i32
      %scan3A_48 = arith.constant 8 : i32
      %scan3A_49 = arith.addi %scan3A_47, %scan3A_48 : i32
      %scan3A_50 = arith.constant 1 : i32
      scf.for %scan3A_52 = %scan3A_47 to %scan3A_49 step %scan3A_50  : i32 {
        %mul3A_53 = arith.constant 16 : i32
        %mul3A_54 = arith.muli %scan3A_52, %mul3A_53 : i32
        %add3A_55 = arith.constant 0 : i32
        %add3A_56 = arith.addi %add3A_55, %mul3A_54 : i32
        %swap3A = arith.index_cast %add3A_46 : i32 to index
        %swap3A_57 = arith.index_cast %add3A_56 : i32 to index
        %swap3A_58 = tpu.vector_load %arg8[%swap3A, %swap3A_57] {strides = array<i32>} : memref<8x128xf32, #tpu.memory_space<vmem>>, vector<16xf32>,
        tpu.vector_store %arg8[%swap3A, %swap3A_57], %broadcast_in_dim3A_0 {strides = array<i32>} : memref<8x128xf32, #tpu.memory_space<vmem>>, vector<16xf32>,
      }
      %scan3A_51 = arith.constant 8 : i32
    }
    %scan3A_6 = arith.constant 8 : i32
    %mul3A = arith.constant 624 : i32
    %mul3A_7 = arith.muli %arg1, %mul3A : i32
    %scan3A_8 = arith.constant 0 : i32
    %scan3A_9 = arith.constant 78 : i32
    %scan3A_10 = arith.addi %scan3A_8, %scan3A_9 : i32
    %scan3A_11 = arith.constant 1 : i32
    scf.for %scan3A_42 = %scan3A_8 to %scan3A_10 step %scan3A_11  : i32 {
      %mul3A_43 = arith.constant 8 : i32
      %mul3A_44 = arith.muli %scan3A_42, %mul3A_43 : i32
      %add3A_45 = arith.constant 0 : i32
      %add3A_46 = arith.addi %add3A_45, %mul3A_44 : i32
      %add3A_47 = arith.addi %mul3A_7, %add3A_46 : i32
      %dma_start3A = arith.constant 0 : i32
      %dma_start3A_48 = tpu.memref_slice %arg9[%add3A_47, %dma_start3A] : memref<10000x128xf32, #tpu.memory_space<vmem_shared>> -> memref<8x128xf32, #tpu.memory_space<vmem_shared>>
      %dma_start3A_49 = arith.constant 0 : i32
      %dma_start3A_50 = tpu.memref_slice %arg9[%add3A_47, %dma_start3A_49] : memref<10000x128xf32, #tpu.memory_space<vmem_shared>> -> memref<8x128xf32, #tpu.memory_space<vmem_shared>>
      tpu.enqueue_dma source(%arg8 : memref<8x128xf32, #tpu.memory_space<vmem>>) target(%dma_start3A_50 : memref<8x128xf32, #tpu.memory_space<vmem_shared>>) target_semaphore(%arg22 : memref<!tpu.dma_semaphore, #tpu.memory_space<semaphore_mem>>)
    }
    %scan3A_12 = arith.constant 78 : i32
    %scan3A_13 = arith.constant 0 : i32
    %scan3A_14 = arith.constant 78 : i32
    %scan3A_15 = arith.addi %scan3A_13, %scan3A_14 : i32
    %scan3A_16 = arith.constant 1 : i32
    scf.for %scan3A_42 = %scan3A_13 to %scan3A_15 step %scan3A_16  : i32 {
      %mul3A_43 = arith.constant 8 : i32
      %mul3A_44 = arith.muli %scan3A_42, %mul3A_43 : i32
      %add3A_45 = arith.constant 0 : i32
      %add3A_46 = arith.addi %add3A_45, %mul3A_44 : i32
      %dma_wait3A = arith.constant 0 : i32
      %dma_wait3A_47 = tpu.memref_slice %arg9[%mul3A_7, %dma_wait3A] : memref<10000x128xf32, #tpu.memory_space<vmem_shared>> -> memref<8x128xf32, #tpu.memory_space<vmem_shared>>
      %dma_wait3A_48 = arith.constant 0 : i32
      %dma_wait3A_49 = tpu.memref_slice %arg9[%mul3A_7, %dma_wait3A_48] : memref<10000x128xf32, #tpu.memory_space<vmem_shared>> -> memref<8x128xf32, #tpu.memory_space<vmem_shared>>
      tpu.wait_dma2 semaphore(%arg22 : memref<!tpu.dma_semaphore, #tpu.memory_space<semaphore_mem>>) src(%arg8 : memref<8x128xf32, #tpu.memory_space<vmem>>) dst(%dma_wait3A_49 : memref<8x128xf32, #tpu.memory_space<vmem_shared>>)
    }
    %scan3A_17 = arith.constant 78 : i32
    %eq3A = arith.constant 15 : i32
    %eq3A_18 = arith.cmpi eq, %arg1, %eq3A : i32
    %convert_element_type3A = arith.extui %eq3A_18 : i1 to i32
    %cond3A = arith.constant 0 : i32
    %cond3A_19 = arith.cmpi ne, %convert_element_type3A, %cond3A : i32
    scf.if %cond3A_19 {
      %scan3A_42 = arith.constant 0 : i32
      %scan3A_43 = arith.constant 2 : i32
      %scan3A_44 = arith.addi %scan3A_42, %scan3A_43 : i32
      %scan3A_45 = arith.constant 1 : i32
      scf.for %scan3A_47 = %scan3A_42 to %scan3A_44 step %scan3A_45  : i32 {
        %mul3A_48 = arith.constant 8 : i32
        %mul3A_49 = arith.muli %scan3A_47, %mul3A_48 : i32
        %add3A_50 = arith.constant 0 : i32
        %add3A_51 = arith.addi %add3A_50, %mul3A_49 : i32
        %add3A_52 = arith.constant 9984 : i32
        %add3A_53 = arith.addi %add3A_52, %add3A_51 : i32
        "tpu.region"() ({
          %run_scoped3A = tpu.sem_alloc : memref<!tpu.dma_semaphore, #tpu.memory_space<semaphore_mem>>
          %dma_start3A = arith.constant 0 : i32
          %dma_start3A_54 = tpu.memref_slice %arg9[%add3A_53, %dma_start3A] : memref<10000x128xf32, #tpu.memory_space<vmem_shared>> -> memref<8x128xf32, #tpu.memory_space<vmem_shared>>
          %dma_start3A_55 = arith.constant 0 : i32
          %dma_start3A_56 = tpu.memref_slice %arg9[%add3A_53, %dma_start3A_55] : memref<10000x128xf32, #tpu.memory_space<vmem_shared>> -> memref<8x128xf32, #tpu.memory_space<vmem_shared>>
          tpu.enqueue_dma source(%arg8 : memref<8x128xf32, #tpu.memory_space<vmem>>) target(%dma_start3A_56 : memref<8x128xf32, #tpu.memory_space<vmem_shared>>) target_semaphore(%run_scoped3A : memref<!tpu.dma_semaphore, #tpu.memory_space<semaphore_mem>>)
          %dma_wait3A = arith.constant 0 : i32
          %dma_wait3A_57 = tpu.memref_slice %arg9[%add3A_53, %dma_wait3A] : memref<10000x128xf32, #tpu.memory_space<vmem_shared>> -> memref<8x128xf32, #tpu.memory_space<vmem_shared>>
          %dma_wait3A_58 = arith.constant 0 : i32
          %dma_wait3A_59 = tpu.memref_slice %arg9[%add3A_53, %dma_wait3A_58] : memref<10000x128xf32, #tpu.memory_space<vmem_shared>> -> memref<8x128xf32, #tpu.memory_space<vmem_shared>>
          tpu.wait_dma2 semaphore(%run_scoped3A : memref<!tpu.dma_semaphore, #tpu.memory_space<semaphore_mem>>) src(%arg8 : memref<8x128xf32, #tpu.memory_space<vmem>>) dst(%dma_wait3A_59 : memref<8x128xf32, #tpu.memory_space<vmem_shared>>)
          tpu.yield
        }) : () -> ()
      }
      %scan3A_46 = arith.constant 2 : i32
    } else {
    }
    %barrier3A = arith.constant 0 : index
    tpu.barrier barrier_id(%barrier3A)
    %mul3A_20 = arith.constant 10000 : i32
    %mul3A_21 = arith.muli %arg0, %mul3A_20 : i32
    %sub3A = arith.constant 125 : i32
    %sub3A_22 = arith.subi %sub3A, %arg1 : i32
    %sub3A_23 = arith.constant 16 : i32
    %sub3A_24 = arith.constant 1 : i32
    %sub3A_25 = arith.subi %sub3A_23, %sub3A_24 : i32
    %add3A = arith.addi %sub3A_22, %sub3A_25 : i32
    %div3A = arith.constant 16 : i32
    %div3A_26 = arith.divsi %add3A, %div3A : i32
    %while3A = arith.constant 16 : i32
    %while3A_27 = arith.constant 0 : i32
    %while3A_28 = arith.subi %div3A_26, %while3A_27 : i32
    %while3A_29 = arith.addi %while3A_27, %while3A_28 : i32
    %while3A_30 = arith.constant 1 : i32
    %while3A_31 = arith.divsi %while3A_28, %while3A_30 : i32
    %while3A_32 = arith.muli %while3A_31, %while3A_30 : i32
    %while3A_33 = arith.addi %while3A_27, %while3A_32 : i32
    %while3A_34 = arith.constant 1 : i32
    scf.for %while3A_42 = %while3A_27 to %while3A_33 step %while3A_34  : i32 {
      %mul3A_43 = arith.muli %while3A_42, %while3A : i32
      %add3A_44 = arith.addi %arg1, %mul3A_43 : i32
      %mul3A_45 = arith.constant 40 : i32
      %mul3A_46 = arith.muli %add3A_44, %mul3A_45 : i32
      %dma_start3A = arith.constant 0 : i32
      %dma_start3A_47 = tpu.memref_slice %arg3[%mul3A_46, %dma_start3A] : memref<5000x64xi32, #tpu.memory_space<hbm>> -> memref<40x64xi32, #tpu.memory_space<hbm>>
      %dma_start3A_48 = arith.constant 0 : i32
      %dma_start3A_49 = tpu.memref_slice %arg3[%mul3A_46, %dma_start3A_48] : memref<5000x64xi32, #tpu.memory_space<hbm>> -> memref<40x64xi32, #tpu.memory_space<hbm>>
      tpu.enqueue_dma source(%dma_start3A_49 : memref<40x64xi32, #tpu.memory_space<hbm>>) target(%arg6 : memref<40x64xi32, #tpu.memory_space<vmem>>) target_semaphore(%arg23 : memref<!tpu.dma_semaphore, #tpu.memory_space<semaphore_mem>>)
      %dma_start3A_50 = arith.constant 0 : i32
      %dma_start3A_51 = tpu.memref_slice %arg4[%mul3A_46, %dma_start3A_50] : memref<5000x64xi32, #tpu.memory_space<hbm>> -> memref<40x64xi32, #tpu.memory_space<hbm>>
      %dma_start3A_52 = arith.constant 0 : i32
      %dma_start3A_53 = tpu.memref_slice %arg4[%mul3A_46, %dma_start3A_52] : memref<5000x64xi32, #tpu.memory_space<hbm>> -> memref<40x64xi32, #tpu.memory_space<hbm>>
      tpu.enqueue_dma source(%dma_start3A_53 : memref<40x64xi32, #tpu.memory_space<hbm>>) target(%arg7 : memref<40x64xi32, #tpu.memory_space<vmem>>) target_semaphore(%arg23 : memref<!tpu.dma_semaphore, #tpu.memory_space<semaphore_mem>>)
      %dma_wait3A = arith.constant 0 : i32
      %dma_wait3A_54 = arith.constant 0 : i32
      %dma_wait3A_55 = tpu.memref_slice %arg3[%dma_wait3A, %dma_wait3A_54] : memref<5000x64xi32, #tpu.memory_space<hbm>> -> memref<40x64xi32, #tpu.memory_space<hbm>>
      %dma_wait3A_56 = arith.constant 0 : i32
      %dma_wait3A_57 = arith.constant 0 : i32
      %dma_wait3A_58 = tpu.memref_slice %arg3[%dma_wait3A_56, %dma_wait3A_57] : memref<5000x64xi32, #tpu.memory_space<hbm>> -> memref<40x64xi32, #tpu.memory_space<hbm>>
      tpu.wait_dma2 semaphore(%arg23 : memref<!tpu.dma_semaphore, #tpu.memory_space<semaphore_mem>>) src(%dma_wait3A_58 : memref<40x64xi32, #tpu.memory_space<hbm>>) dst(%arg6 : memref<40x64xi32, #tpu.memory_space<vmem>>)
      %dma_wait3A_59 = arith.constant 0 : i32
      %dma_wait3A_60 = arith.constant 0 : i32
      %dma_wait3A_61 = tpu.memref_slice %arg4[%dma_wait3A_59, %dma_wait3A_60] : memref<5000x64xi32, #tpu.memory_space<hbm>> -> memref<40x64xi32, #tpu.memory_space<hbm>>
      %dma_wait3A_62 = arith.constant 0 : i32
      %dma_wait3A_63 = arith.constant 0 : i32
      %dma_wait3A_64 = tpu.memref_slice %arg4[%dma_wait3A_62, %dma_wait3A_63] : memref<5000x64xi32, #tpu.memory_space<hbm>> -> memref<40x64xi32, #tpu.memory_space<hbm>>
      tpu.wait_dma2 semaphore(%arg23 : memref<!tpu.dma_semaphore, #tpu.memory_space<semaphore_mem>>) src(%dma_wait3A_64 : memref<40x64xi32, #tpu.memory_space<hbm>>) dst(%arg7 : memref<40x64xi32, #tpu.memory_space<vmem>>)
      %scan3A_65 = arith.constant 0 : i32
      %scan3A_66 = arith.constant 40 : i32
      %scan3A_67 = arith.addi %scan3A_65, %scan3A_66 : i32
      %scan3A_68 = arith.constant 1 : i32
      scf.for %scan3A_131 = %scan3A_65 to %scan3A_67 step %scan3A_68  : i32 {
        %mul3A_132 = arith.constant 1 : i32
        %mul3A_133 = arith.muli %scan3A_131, %mul3A_132 : i32
        %add3A_134 = arith.constant 0 : i32
        %add3A_135 = arith.addi %add3A_134, %mul3A_133 : i32
        %scan3A_136 = arith.constant 0 : i32
        %scan3A_137 = arith.constant 4 : i32
        %scan3A_138 = arith.addi %scan3A_136, %scan3A_137 : i32
        %scan3A_139 = arith.constant 1 : i32
        scf.for %scan3A_141 = %scan3A_136 to %scan3A_138 step %scan3A_139  : i32 {
          %mul3A_142 = arith.constant 16 : i32
          %mul3A_143 = arith.muli %scan3A_141, %mul3A_142 : i32
          %add3A_144 = arith.constant 0 : i32
          %add3A_145 = arith.addi %add3A_144, %mul3A_143 : i32
          %get3A = arith.index_cast %add3A_135 : i32 to index
          %get3A_146 = arith.index_cast %add3A_145 : i32 to index
          %get3A_147 = tpu.vector_load %arg6[%get3A, %get3A_146] {strides = array<i32>} : memref<40x64xi32, #tpu.memory_space<vmem>>, vector<16xi32>,
          %add3A_148 = vector.broadcast %mul3A_21 : i32 to vector<16xi32>
          %add3A_149 = arith.addi %get3A_147, %add3A_148 : vector<16xi32>
          %swap3A = arith.index_cast %add3A_135 : i32 to index
          %swap3A_150 = arith.index_cast %add3A_145 : i32 to index
          %swap3A_151 = tpu.vector_load %arg6[%swap3A, %swap3A_150] {strides = array<i32>} : memref<40x64xi32, #tpu.memory_space<vmem>>, vector<16xi32>,
          tpu.vector_store %arg6[%swap3A, %swap3A_150], %add3A_149 {strides = array<i32>} : memref<40x64xi32, #tpu.memory_space<vmem>>, vector<16xi32>,
        }
        %scan3A_140 = arith.constant 4 : i32
      }
      %scan3A_69 = arith.constant 40 : i32
      %dma_start3A_70 = arith.constant 0 : i32
      %dma_start3A_71 = arith.constant 0 : i32
      %dma_start3A_72 = tpu.memref_slice %arg6[%dma_start3A_70, %dma_start3A_71] : memref<40x64xi32, #tpu.memory_space<vmem>> -> memref<1x64xi32, #tpu.memory_space<vmem>>
      %dma_start3A_73 = tpu.memref_squeeze %dma_start3A_72 : memref<1x64xi32, #tpu.memory_space<vmem>> -> memref<64xi32, #tpu.memory_space<vmem>>
      %dma_start3A_74 = arith.constant 0 : i32
      %dma_start3A_75 = arith.constant 0 : i32
      %dma_start3A_76 = tpu.memref_slice %arg2[%dma_start3A_74, %dma_start3A_75] : memref<20000x128xf32, #tpu.memory_space<hbm>> -> memref<20000x128xf32, #tpu.memory_space<hbm>>
      tpu.enqueue_indirect_dma source(%dma_start3A_76 : memref<20000x128xf32, #tpu.memory_space<hbm>>) target(%arg10 : memref<64x128xf32, #tpu.memory_space<vmem>>) offsets(%dma_start3A_73 : memref<64xi32, #tpu.memory_space<vmem>>) semaphore(%arg14 : memref<!tpu.dma_semaphore, #tpu.memory_space<semaphore_mem>>)
      %dma_start3A_77 = arith.constant 1 : i32
      %dma_start3A_78 = arith.constant 0 : i32
      %dma_start3A_79 = tpu.memref_slice %arg6[%dma_start3A_77, %dma_start3A_78] : memref<40x64xi32, #tpu.memory_space<vmem>> -> memref<1x64xi32, #tpu.memory_space<vmem>>
      %dma_start3A_80 = tpu.memref_squeeze %dma_start3A_79 : memref<1x64xi32, #tpu.memory_space<vmem>> -> memref<64xi32, #tpu.memory_space<vmem>>
      %dma_start3A_81 = arith.constant 0 : i32
      %dma_start3A_82 = arith.constant 0 : i32
      %dma_start3A_83 = tpu.memref_slice %arg2[%dma_start3A_81, %dma_start3A_82] : memref<20000x128xf32, #tpu.memory_space<hbm>> -> memref<20000x128xf32, #tpu.memory_space<hbm>>
      tpu.enqueue_indirect_dma source(%dma_start3A_83 : memref<20000x128xf32, #tpu.memory_space<hbm>>) target(%arg11 : memref<64x128xf32, #tpu.memory_space<vmem>>) offsets(%dma_start3A_80 : memref<64xi32, #tpu.memory_space<vmem>>) semaphore(%arg15 : memref<!tpu.dma_semaphore, #tpu.memory_space<semaphore_mem>>)
      %dma_start3A_84 = arith.constant 2 : i32
      %dma_start3A_85 = arith.constant 0 : i32
      %dma_start3A_86 = tpu.memref_slice %arg6[%dma_start3A_84, %dma_start3A_85] : memref<40x64xi32, #tpu.memory_space<vmem>> -> memref<1x64xi32, #tpu.memory_space<vmem>>
      %dma_start3A_87 = tpu.memref_squeeze %dma_start3A_86 : memref<1x64xi32, #tpu.memory_space<vmem>> -> memref<64xi32, #tpu.memory_space<vmem>>
      %dma_start3A_88 = arith.constant 0 : i32
      %dma_start3A_89 = arith.constant 0 : i32
      %dma_start3A_90 = tpu.memref_slice %arg2[%dma_start3A_88, %dma_start3A_89] : memref<20000x128xf32, #tpu.memory_space<hbm>> -> memref<20000x128xf32, #tpu.memory_space<hbm>>
      tpu.enqueue_indirect_dma source(%dma_start3A_90 : memref<20000x128xf32, #tpu.memory_space<hbm>>) target(%arg12 : memref<64x128xf32, #tpu.memory_space<vmem>>) offsets(%dma_start3A_87 : memref<64xi32, #tpu.memory_space<vmem>>) semaphore(%arg16 : memref<!tpu.dma_semaphore, #tpu.memory_space<semaphore_mem>>)
      %dma_start3A_91 = arith.constant 3 : i32
      %dma_start3A_92 = arith.constant 0 : i32
      %dma_start3A_93 = tpu.memref_slice %arg6[%dma_start3A_91, %dma_start3A_92] : memref<40x64xi32, #tpu.memory_space<vmem>> -> memref<1x64xi32, #tpu.memory_space<vmem>>
      %dma_start3A_94 = tpu.memref_squeeze %dma_start3A_93 : memref<1x64xi32, #tpu.memory_space<vmem>> -> memref<64xi32, #tpu.memory_space<vmem>>
      %dma_start3A_95 = arith.constant 0 : i32
      %dma_start3A_96 = arith.constant 0 : i32
      %dma_start3A_97 = tpu.memref_slice %arg2[%dma_start3A_95, %dma_start3A_96] : memref<20000x128xf32, #tpu.memory_space<hbm>> -> memref<20000x128xf32, #tpu.memory_space<hbm>>
      tpu.enqueue_indirect_dma source(%dma_start3A_97 : memref<20000x128xf32, #tpu.memory_space<hbm>>) target(%arg13 : memref<64x128xf32, #tpu.memory_space<vmem>>) offsets(%dma_start3A_94 : memref<64xi32, #tpu.memory_space<vmem>>) semaphore(%arg17 : memref<!tpu.dma_semaphore, #tpu.memory_space<semaphore_mem>>)
      %scan3A_98 = arith.constant 0 : i32
      %scan3A_99 = arith.constant 10 : i32
      %scan3A_100 = arith.addi %scan3A_98, %scan3A_99 : i32
      %scan3A_101 = arith.constant 1 : i32
      scf.for %scan3A_131 = %scan3A_98 to %scan3A_100 step %scan3A_101  : i32 {
        %mul3A_132 = arith.constant 4 : i32
        %mul3A_133 = arith.muli %scan3A_131, %mul3A_132 : i32
        %add3A_134 = arith.constant 0 : i32
        %add3A_135 = arith.addi %add3A_134, %mul3A_133 : i32
        %dma_wait3A_136 = arith.constant 0 : i32
        %dma_wait3A_137 = arith.constant 0 : i32
        %dma_wait3A_138 = tpu.memref_slice %arg6[%dma_wait3A_136, %dma_wait3A_137] : memref<40x64xi32, #tpu.memory_space<vmem>> -> memref<1x64xi32, #tpu.memory_space<vmem>>
        %dma_wait3A_139 = tpu.memref_squeeze %dma_wait3A_138 : memref<1x64xi32, #tpu.memory_space<vmem>> -> memref<64xi32, #tpu.memory_space<vmem>>
        %dma_wait3A_140 = arith.constant 0 : i32
        %dma_wait3A_141 = arith.constant 0 : i32
        %dma_wait3A_142 = tpu.memref_slice %arg2[%dma_wait3A_140, %dma_wait3A_141] : memref<20000x128xf32, #tpu.memory_space<hbm>> -> memref<20000x128xf32, #tpu.memory_space<hbm>>
        tpu.wait_indirect_dma semaphore(%arg14 : memref<!tpu.dma_semaphore, #tpu.memory_space<semaphore_mem>>) src(%dma_wait3A_142 : memref<20000x128xf32, #tpu.memory_space<hbm>>) dst(%arg10 : memref<64x128xf32, #tpu.memory_space<vmem>>)
        %add3A_143 = arith.constant 0 : i32
        %add3A_144 = arith.addi %add3A_135, %add3A_143 : i32
        %dma_start3A_145 = arith.constant 0 : i32
        %dma_start3A_146 = tpu.memref_slice %arg7[%add3A_144, %dma_start3A_145] : memref<40x64xi32, #tpu.memory_space<vmem>> -> memref<1x64xi32, #tpu.memory_space<vmem>>
        %dma_start3A_147 = tpu.memref_squeeze %dma_start3A_146 : memref<1x64xi32, #tpu.memory_space<vmem>> -> memref<64xi32, #tpu.memory_space<vmem>>
        %dma_start3A_148 = arith.constant 0 : i32
        %dma_start3A_149 = arith.constant 0 : i32
        %dma_start3A_150 = tpu.memref_slice %arg9[%dma_start3A_148, %dma_start3A_149] : memref<10000x128xf32, #tpu.memory_space<vmem_shared>> -> memref<10000x128xf32, #tpu.memory_space<vmem_shared>>
        tpu.enqueue_indirect_dma source(%arg10 : memref<64x128xf32, #tpu.memory_space<vmem>>) target(%dma_start3A_150 : memref<10000x128xf32, #tpu.memory_space<vmem_shared>>) offsets(%dma_start3A_147 : memref<64xi32, #tpu.memory_space<vmem>>) semaphore(%arg18 : memref<!tpu.dma_semaphore, #tpu.memory_space<semaphore_mem>>) {add = true}
        %add3A_151 = arith.constant 0 : i32
        %add3A_152 = arith.addi %add3A_135, %add3A_151 : i32
        %dma_wait3A_153 = arith.constant 0 : i32
        %dma_wait3A_154 = arith.constant 0 : i32
        %dma_wait3A_155 = tpu.memref_slice %arg6[%dma_wait3A_153, %dma_wait3A_154] : memref<40x64xi32, #tpu.memory_space<vmem>> -> memref<1x64xi32, #tpu.memory_space<vmem>>
        %dma_wait3A_156 = tpu.memref_squeeze %dma_wait3A_155 : memref<1x64xi32, #tpu.memory_space<vmem>> -> memref<64xi32, #tpu.memory_space<vmem>>
        %dma_wait3A_157 = arith.constant 0 : i32
        %dma_wait3A_158 = arith.constant 0 : i32
        %dma_wait3A_159 = tpu.memref_slice %arg2[%dma_wait3A_157, %dma_wait3A_158] : memref<20000x128xf32, #tpu.memory_space<hbm>> -> memref<20000x128xf32, #tpu.memory_space<hbm>>
        tpu.wait_indirect_dma semaphore(%arg15 : memref<!tpu.dma_semaphore, #tpu.memory_space<semaphore_mem>>) src(%dma_wait3A_159 : memref<20000x128xf32, #tpu.memory_space<hbm>>) dst(%arg11 : memref<64x128xf32, #tpu.memory_space<vmem>>)
        %add3A_160 = arith.constant 1 : i32
        %add3A_161 = arith.addi %add3A_135, %add3A_160 : i32
        %dma_start3A_162 = arith.constant 0 : i32
        %dma_start3A_163 = tpu.memref_slice %arg7[%add3A_161, %dma_start3A_162] : memref<40x64xi32, #tpu.memory_space<vmem>> -> memref<1x64xi32, #tpu.memory_space<vmem>>
        %dma_start3A_164 = tpu.memref_squeeze %dma_start3A_163 : memref<1x64xi32, #tpu.memory_space<vmem>> -> memref<64xi32, #tpu.memory_space<vmem>>
        %dma_start3A_165 = arith.constant 0 : i32
        %dma_start3A_166 = arith.constant 0 : i32
        %dma_start3A_167 = tpu.memref_slice %arg9[%dma_start3A_165, %dma_start3A_166] : memref<10000x128xf32, #tpu.memory_space<vmem_shared>> -> memref<10000x128xf32, #tpu.memory_space<vmem_shared>>
        tpu.enqueue_indirect_dma source(%arg11 : memref<64x128xf32, #tpu.memory_space<vmem>>) target(%dma_start3A_167 : memref<10000x128xf32, #tpu.memory_space<vmem_shared>>) offsets(%dma_start3A_164 : memref<64xi32, #tpu.memory_space<vmem>>) semaphore(%arg19 : memref<!tpu.dma_semaphore, #tpu.memory_space<semaphore_mem>>) {add = true}
        %add3A_168 = arith.constant 1 : i32
        %add3A_169 = arith.addi %add3A_135, %add3A_168 : i32
        %dma_wait3A_170 = arith.constant 0 : i32
        %dma_wait3A_171 = arith.constant 0 : i32
        %dma_wait3A_172 = tpu.memref_slice %arg6[%dma_wait3A_170, %dma_wait3A_171] : memref<40x64xi32, #tpu.memory_space<vmem>> -> memref<1x64xi32, #tpu.memory_space<vmem>>
        %dma_wait3A_173 = tpu.memref_squeeze %dma_wait3A_172 : memref<1x64xi32, #tpu.memory_space<vmem>> -> memref<64xi32, #tpu.memory_space<vmem>>
        %dma_wait3A_174 = arith.constant 0 : i32
        %dma_wait3A_175 = arith.constant 0 : i32
        %dma_wait3A_176 = tpu.memref_slice %arg2[%dma_wait3A_174, %dma_wait3A_175] : memref<20000x128xf32, #tpu.memory_space<hbm>> -> memref<20000x128xf32, #tpu.memory_space<hbm>>
        tpu.wait_indirect_dma semaphore(%arg16 : memref<!tpu.dma_semaphore, #tpu.memory_space<semaphore_mem>>) src(%dma_wait3A_176 : memref<20000x128xf32, #tpu.memory_space<hbm>>) dst(%arg12 : memref<64x128xf32, #tpu.memory_space<vmem>>)
        %add3A_177 = arith.constant 2 : i32
        %add3A_178 = arith.addi %add3A_135, %add3A_177 : i32
        %dma_start3A_179 = arith.constant 0 : i32
        %dma_start3A_180 = tpu.memref_slice %arg7[%add3A_178, %dma_start3A_179] : memref<40x64xi32, #tpu.memory_space<vmem>> -> memref<1x64xi32, #tpu.memory_space<vmem>>
        %dma_start3A_181 = tpu.memref_squeeze %dma_start3A_180 : memref<1x64xi32, #tpu.memory_space<vmem>> -> memref<64xi32, #tpu.memory_space<vmem>>
        %dma_start3A_182 = arith.constant 0 : i32
        %dma_start3A_183 = arith.constant 0 : i32
        %dma_start3A_184 = tpu.memref_slice %arg9[%dma_start3A_182, %dma_start3A_183] : memref<10000x128xf32, #tpu.memory_space<vmem_shared>> -> memref<10000x128xf32, #tpu.memory_space<vmem_shared>>
        tpu.enqueue_indirect_dma source(%arg12 : memref<64x128xf32, #tpu.memory_space<vmem>>) target(%dma_start3A_184 : memref<10000x128xf32, #tpu.memory_space<vmem_shared>>) offsets(%dma_start3A_181 : memref<64xi32, #tpu.memory_space<vmem>>) semaphore(%arg20 : memref<!tpu.dma_semaphore, #tpu.memory_space<semaphore_mem>>) {add = true}
        %add3A_185 = arith.constant 2 : i32
        %add3A_186 = arith.addi %add3A_135, %add3A_185 : i32
        %dma_wait3A_187 = arith.constant 0 : i32
        %dma_wait3A_188 = arith.constant 0 : i32
        %dma_wait3A_189 = tpu.memref_slice %arg6[%dma_wait3A_187, %dma_wait3A_188] : memref<40x64xi32, #tpu.memory_space<vmem>> -> memref<1x64xi32, #tpu.memory_space<vmem>>
        %dma_wait3A_190 = tpu.memref_squeeze %dma_wait3A_189 : memref<1x64xi32, #tpu.memory_space<vmem>> -> memref<64xi32, #tpu.memory_space<vmem>>
        %dma_wait3A_191 = arith.constant 0 : i32
        %dma_wait3A_192 = arith.constant 0 : i32
        %dma_wait3A_193 = tpu.memref_slice %arg2[%dma_wait3A_191, %dma_wait3A_192] : memref<20000x128xf32, #tpu.memory_space<hbm>> -> memref<20000x128xf32, #tpu.memory_space<hbm>>
        tpu.wait_indirect_dma semaphore(%arg17 : memref<!tpu.dma_semaphore, #tpu.memory_space<semaphore_mem>>) src(%dma_wait3A_193 : memref<20000x128xf32, #tpu.memory_space<hbm>>) dst(%arg13 : memref<64x128xf32, #tpu.memory_space<vmem>>)
        %add3A_194 = arith.constant 3 : i32
        %add3A_195 = arith.addi %add3A_135, %add3A_194 : i32
        %dma_start3A_196 = arith.constant 0 : i32
        %dma_start3A_197 = tpu.memref_slice %arg7[%add3A_195, %dma_start3A_196] : memref<40x64xi32, #tpu.memory_space<vmem>> -> memref<1x64xi32, #tpu.memory_space<vmem>>
        %dma_start3A_198 = tpu.memref_squeeze %dma_start3A_197 : memref<1x64xi32, #tpu.memory_space<vmem>> -> memref<64xi32, #tpu.memory_space<vmem>>
        %dma_start3A_199 = arith.constant 0 : i32
        %dma_start3A_200 = arith.constant 0 : i32
        %dma_start3A_201 = tpu.memref_slice %arg9[%dma_start3A_199, %dma_start3A_200] : memref<10000x128xf32, #tpu.memory_space<vmem_shared>> -> memref<10000x128xf32, #tpu.memory_space<vmem_shared>>
        tpu.enqueue_indirect_dma source(%arg13 : memref<64x128xf32, #tpu.memory_space<vmem>>) target(%dma_start3A_201 : memref<10000x128xf32, #tpu.memory_space<vmem_shared>>) offsets(%dma_start3A_198 : memref<64xi32, #tpu.memory_space<vmem>>) semaphore(%arg21 : memref<!tpu.dma_semaphore, #tpu.memory_space<semaphore_mem>>) {add = true}
        %add3A_202 = arith.constant 3 : i32
        %add3A_203 = arith.addi %add3A_135, %add3A_202 : i32
        %add3A_204 = arith.constant 4 : i32
        %add3A_205 = arith.addi %add3A_135, %add3A_204 : i32
        %add3A_206 = arith.constant 0 : i32
        %add3A_207 = arith.addi %add3A_205, %add3A_206 : i32
        %lt3A = arith.constant 40 : i32
        %lt3A_208 = arith.cmpi slt, %add3A_207, %lt3A : i32
        %convert_element_type3A_209 = arith.extui %lt3A_208 : i1 to i32
        %cond3A_210 = arith.constant 0 : i32
        %cond3A_211 = arith.cmpi ne, %convert_element_type3A_209, %cond3A_210 : i32
        scf.if %cond3A_211 {
          %dma_wait3A_239 = arith.constant 0 : i32
          %dma_wait3A_240 = arith.constant 0 : i32
          %dma_wait3A_241 = tpu.memref_slice %arg7[%dma_wait3A_239, %dma_wait3A_240] : memref<40x64xi32, #tpu.memory_space<vmem>> -> memref<1x64xi32, #tpu.memory_space<vmem>>
          %dma_wait3A_242 = tpu.memref_squeeze %dma_wait3A_241 : memref<1x64xi32, #tpu.memory_space<vmem>> -> memref<64xi32, #tpu.memory_space<vmem>>
          %dma_wait3A_243 = arith.constant 0 : i32
          %dma_wait3A_244 = arith.constant 0 : i32
          %dma_wait3A_245 = tpu.memref_slice %arg9[%dma_wait3A_243, %dma_wait3A_244] : memref<10000x128xf32, #tpu.memory_space<vmem_shared>> -> memref<10000x128xf32, #tpu.memory_space<vmem_shared>>
          tpu.wait_indirect_dma semaphore(%arg18 : memref<!tpu.dma_semaphore, #tpu.memory_space<semaphore_mem>>) src(%arg10 : memref<64x128xf32, #tpu.memory_space<vmem>>) dst(%dma_wait3A_245 : memref<10000x128xf32, #tpu.memory_space<vmem_shared>>)
          %add3A_246 = arith.constant 4 : i32
          %add3A_247 = arith.addi %add3A_135, %add3A_246 : i32
          %add3A_248 = arith.constant 0 : i32
          %add3A_249 = arith.addi %add3A_247, %add3A_248 : i32
          %dma_start3A_250 = arith.constant 0 : i32
          %dma_start3A_251 = tpu.memref_slice %arg6[%add3A_249, %dma_start3A_250] : memref<40x64xi32, #tpu.memory_space<vmem>> -> memref<1x64xi32, #tpu.memory_space<vmem>>
          %dma_start3A_252 = tpu.memref_squeeze %dma_start3A_251 : memref<1x64xi32, #tpu.memory_space<vmem>> -> memref<64xi32, #tpu.memory_space<vmem>>
          %dma_start3A_253 = arith.constant 0 : i32
          %dma_start3A_254 = arith.constant 0 : i32
          %dma_start3A_255 = tpu.memref_slice %arg2[%dma_start3A_253, %dma_start3A_254] : memref<20000x128xf32, #tpu.memory_space<hbm>> -> memref<20000x128xf32, #tpu.memory_space<hbm>>
          tpu.enqueue_indirect_dma source(%dma_start3A_255 : memref<20000x128xf32, #tpu.memory_space<hbm>>) target(%arg10 : memref<64x128xf32, #tpu.memory_space<vmem>>) offsets(%dma_start3A_252 : memref<64xi32, #tpu.memory_space<vmem>>) semaphore(%arg14 : memref<!tpu.dma_semaphore, #tpu.memory_space<semaphore_mem>>)
        } else {
        }
        %add3A_212 = arith.constant 4 : i32
        %add3A_213 = arith.addi %add3A_135, %add3A_212 : i32
        %add3A_214 = arith.constant 1 : i32
        %add3A_215 = arith.addi %add3A_213, %add3A_214 : i32
        %lt3A_216 = arith.constant 40 : i32
        %lt3A_217 = arith.cmpi slt, %add3A_215, %lt3A_216 : i32
        %convert_element_type3A_218 = arith.extui %lt3A_217 : i1 to i32
        %cond3A_219 = arith.constant 0 : i32
        %cond3A_220 = arith.cmpi ne, %convert_element_type3A_218, %cond3A_219 : i32
        scf.if %cond3A_220 {
          %dma_wait3A_239 = arith.constant 0 : i32
          %dma_wait3A_240 = arith.constant 0 : i32
          %dma_wait3A_241 = tpu.memref_slice %arg7[%dma_wait3A_239, %dma_wait3A_240] : memref<40x64xi32, #tpu.memory_space<vmem>> -> memref<1x64xi32, #tpu.memory_space<vmem>>
          %dma_wait3A_242 = tpu.memref_squeeze %dma_wait3A_241 : memref<1x64xi32, #tpu.memory_space<vmem>> -> memref<64xi32, #tpu.memory_space<vmem>>
          %dma_wait3A_243 = arith.constant 0 : i32
          %dma_wait3A_244 = arith.constant 0 : i32
          %dma_wait3A_245 = tpu.memref_slice %arg9[%dma_wait3A_243, %dma_wait3A_244] : memref<10000x128xf32, #tpu.memory_space<vmem_shared>> -> memref<10000x128xf32, #tpu.memory_space<vmem_shared>>
          tpu.wait_indirect_dma semaphore(%arg19 : memref<!tpu.dma_semaphore, #tpu.memory_space<semaphore_mem>>) src(%arg11 : memref<64x128xf32, #tpu.memory_space<vmem>>) dst(%dma_wait3A_245 : memref<10000x128xf32, #tpu.memory_space<vmem_shared>>)
          %add3A_246 = arith.constant 4 : i32
          %add3A_247 = arith.addi %add3A_135, %add3A_246 : i32
          %add3A_248 = arith.constant 1 : i32
          %add3A_249 = arith.addi %add3A_247, %add3A_248 : i32
          %dma_start3A_250 = arith.constant 0 : i32
          %dma_start3A_251 = tpu.memref_slice %arg6[%add3A_249, %dma_start3A_250] : memref<40x64xi32, #tpu.memory_space<vmem>> -> memref<1x64xi32, #tpu.memory_space<vmem>>
          %dma_start3A_252 = tpu.memref_squeeze %dma_start3A_251 : memref<1x64xi32, #tpu.memory_space<vmem>> -> memref<64xi32, #tpu.memory_space<vmem>>
          %dma_start3A_253 = arith.constant 0 : i32
          %dma_start3A_254 = arith.constant 0 : i32
          %dma_start3A_255 = tpu.memref_slice %arg2[%dma_start3A_253, %dma_start3A_254] : memref<20000x128xf32, #tpu.memory_space<hbm>> -> memref<20000x128xf32, #tpu.memory_space<hbm>>
          tpu.enqueue_indirect_dma source(%dma_start3A_255 : memref<20000x128xf32, #tpu.memory_space<hbm>>) target(%arg11 : memref<64x128xf32, #tpu.memory_space<vmem>>) offsets(%dma_start3A_252 : memref<64xi32, #tpu.memory_space<vmem>>) semaphore(%arg15 : memref<!tpu.dma_semaphore, #tpu.memory_space<semaphore_mem>>)
        } else {
        }
        %add3A_221 = arith.constant 4 : i32
        %add3A_222 = arith.addi %add3A_135, %add3A_221 : i32
        %add3A_223 = arith.constant 2 : i32
        %add3A_224 = arith.addi %add3A_222, %add3A_223 : i32
        %lt3A_225 = arith.constant 40 : i32
        %lt3A_226 = arith.cmpi slt, %add3A_224, %lt3A_225 : i32
        %convert_element_type3A_227 = arith.extui %lt3A_226 : i1 to i32
        %cond3A_228 = arith.constant 0 : i32
        %cond3A_229 = arith.cmpi ne, %convert_element_type3A_227, %cond3A_228 : i32
        scf.if %cond3A_229 {
          %dma_wait3A_239 = arith.constant 0 : i32
          %dma_wait3A_240 = arith.constant 0 : i32
          %dma_wait3A_241 = tpu.memref_slice %arg7[%dma_wait3A_239, %dma_wait3A_240] : memref<40x64xi32, #tpu.memory_space<vmem>> -> memref<1x64xi32, #tpu.memory_space<vmem>>
          %dma_wait3A_242 = tpu.memref_squeeze %dma_wait3A_241 : memref<1x64xi32, #tpu.memory_space<vmem>> -> memref<64xi32, #tpu.memory_space<vmem>>
          %dma_wait3A_243 = arith.constant 0 : i32
          %dma_wait3A_244 = arith.constant 0 : i32
          %dma_wait3A_245 = tpu.memref_slice %arg9[%dma_wait3A_243, %dma_wait3A_244] : memref<10000x128xf32, #tpu.memory_space<vmem_shared>> -> memref<10000x128xf32, #tpu.memory_space<vmem_shared>>
          tpu.wait_indirect_dma semaphore(%arg20 : memref<!tpu.dma_semaphore, #tpu.memory_space<semaphore_mem>>) src(%arg12 : memref<64x128xf32, #tpu.memory_space<vmem>>) dst(%dma_wait3A_245 : memref<10000x128xf32, #tpu.memory_space<vmem_shared>>)
          %add3A_246 = arith.constant 4 : i32
          %add3A_247 = arith.addi %add3A_135, %add3A_246 : i32
          %add3A_248 = arith.constant 2 : i32
          %add3A_249 = arith.addi %add3A_247, %add3A_248 : i32
          %dma_start3A_250 = arith.constant 0 : i32
          %dma_start3A_251 = tpu.memref_slice %arg6[%add3A_249, %dma_start3A_250] : memref<40x64xi32, #tpu.memory_space<vmem>> -> memref<1x64xi32, #tpu.memory_space<vmem>>
          %dma_start3A_252 = tpu.memref_squeeze %dma_start3A_251 : memref<1x64xi32, #tpu.memory_space<vmem>> -> memref<64xi32, #tpu.memory_space<vmem>>
          %dma_start3A_253 = arith.constant 0 : i32
          %dma_start3A_254 = arith.constant 0 : i32
          %dma_start3A_255 = tpu.memref_slice %arg2[%dma_start3A_253, %dma_start3A_254] : memref<20000x128xf32, #tpu.memory_space<hbm>> -> memref<20000x128xf32, #tpu.memory_space<hbm>>
          tpu.enqueue_indirect_dma source(%dma_start3A_255 : memref<20000x128xf32, #tpu.memory_space<hbm>>) target(%arg12 : memref<64x128xf32, #tpu.memory_space<vmem>>) offsets(%dma_start3A_252 : memref<64xi32, #tpu.memory_space<vmem>>) semaphore(%arg16 : memref<!tpu.dma_semaphore, #tpu.memory_space<semaphore_mem>>)
        } else {
        }
        %add3A_230 = arith.constant 4 : i32
        %add3A_231 = arith.addi %add3A_135, %add3A_230 : i32
        %add3A_232 = arith.constant 3 : i32
        %add3A_233 = arith.addi %add3A_231, %add3A_232 : i32
        %lt3A_234 = arith.constant 40 : i32
        %lt3A_235 = arith.cmpi slt, %add3A_233, %lt3A_234 : i32
        %convert_element_type3A_236 = arith.extui %lt3A_235 : i1 to i32
        %cond3A_237 = arith.constant 0 : i32
        %cond3A_238 = arith.cmpi ne, %convert_element_type3A_236, %cond3A_237 : i32
        scf.if %cond3A_238 {
          %dma_wait3A_239 = arith.constant 0 : i32
          %dma_wait3A_240 = arith.constant 0 : i32
          %dma_wait3A_241 = tpu.memref_slice %arg7[%dma_wait3A_239, %dma_wait3A_240] : memref<40x64xi32, #tpu.memory_space<vmem>> -> memref<1x64xi32, #tpu.memory_space<vmem>>
          %dma_wait3A_242 = tpu.memref_squeeze %dma_wait3A_241 : memref<1x64xi32, #tpu.memory_space<vmem>> -> memref<64xi32, #tpu.memory_space<vmem>>
          %dma_wait3A_243 = arith.constant 0 : i32
          %dma_wait3A_244 = arith.constant 0 : i32
          %dma_wait3A_245 = tpu.memref_slice %arg9[%dma_wait3A_243, %dma_wait3A_244] : memref<10000x128xf32, #tpu.memory_space<vmem_shared>> -> memref<10000x128xf32, #tpu.memory_space<vmem_shared>>
          tpu.wait_indirect_dma semaphore(%arg21 : memref<!tpu.dma_semaphore, #tpu.memory_space<semaphore_mem>>) src(%arg13 : memref<64x128xf32, #tpu.memory_space<vmem>>) dst(%dma_wait3A_245 : memref<10000x128xf32, #tpu.memory_space<vmem_shared>>)
          %add3A_246 = arith.constant 4 : i32
          %add3A_247 = arith.addi %add3A_135, %add3A_246 : i32
          %add3A_248 = arith.constant 3 : i32
          %add3A_249 = arith.addi %add3A_247, %add3A_248 : i32
          %dma_start3A_250 = arith.constant 0 : i32
          %dma_start3A_251 = tpu.memref_slice %arg6[%add3A_249, %dma_start3A_250] : memref<40x64xi32, #tpu.memory_space<vmem>> -> memref<1x64xi32, #tpu.memory_space<vmem>>
          %dma_start3A_252 = tpu.memref_squeeze %dma_start3A_251 : memref<1x64xi32, #tpu.memory_space<vmem>> -> memref<64xi32, #tpu.memory_space<vmem>>
          %dma_start3A_253 = arith.constant 0 : i32
          %dma_start3A_254 = arith.constant 0 : i32
          %dma_start3A_255 = tpu.memref_slice %arg2[%dma_start3A_253, %dma_start3A_254] : memref<20000x128xf32, #tpu.memory_space<hbm>> -> memref<20000x128xf32, #tpu.memory_space<hbm>>
          tpu.enqueue_indirect_dma source(%dma_start3A_255 : memref<20000x128xf32, #tpu.memory_space<hbm>>) target(%arg13 : memref<64x128xf32, #tpu.memory_space<vmem>>) offsets(%dma_start3A_252 : memref<64xi32, #tpu.memory_space<vmem>>) semaphore(%arg17 : memref<!tpu.dma_semaphore, #tpu.memory_space<semaphore_mem>>)
        } else {
        }
      }
      %scan3A_102 = arith.constant 10 : i32
      %dma_wait3A_103 = arith.constant 0 : i32
      %dma_wait3A_104 = arith.constant 0 : i32
      %dma_wait3A_105 = tpu.memref_slice %arg7[%dma_wait3A_103, %dma_wait3A_104] : memref<40x64xi32, #tpu.memory_space<vmem>> -> memref<1x64xi32, #tpu.memory_space<vmem>>
      %dma_wait3A_106 = tpu.memref_squeeze %dma_wait3A_105 : memref<1x64xi32, #tpu.memory_space<vmem>> -> memref<64xi32, #tpu.memory_space<vmem>>
      %dma_wait3A_107 = arith.constant 0 : i32
      %dma_wait3A_108 = arith.constant 0 : i32
      %dma_wait3A_109 = tpu.memref_slice %arg9[%dma_wait3A_107, %dma_wait3A_108] : memref<10000x128xf32, #tpu.memory_space<vmem_shared>> -> memref<10000x128xf32, #tpu.memory_space<vmem_shared>>
      tpu.wait_indirect_dma semaphore(%arg18 : memref<!tpu.dma_semaphore, #tpu.memory_space<semaphore_mem>>) src(%arg10 : memref<64x128xf32, #tpu.memory_space<vmem>>) dst(%dma_wait3A_109 : memref<10000x128xf32, #tpu.memory_space<vmem_shared>>)
      %dma_wait3A_110 = arith.constant 0 : i32
      %dma_wait3A_111 = arith.constant 0 : i32
      %dma_wait3A_112 = tpu.memref_slice %arg7[%dma_wait3A_110, %dma_wait3A_111] : memref<40x64xi32, #tpu.memory_space<vmem>> -> memref<1x64xi32, #tpu.memory_space<vmem>>
      %dma_wait3A_113 = tpu.memref_squeeze %dma_wait3A_112 : memref<1x64xi32, #tpu.memory_space<vmem>> -> memref<64xi32, #tpu.memory_space<vmem>>
      %dma_wait3A_114 = arith.constant 0 : i32
      %dma_wait3A_115 = arith.constant 0 : i32
      %dma_wait3A_116 = tpu.memref_slice %arg9[%dma_wait3A_114, %dma_wait3A_115] : memref<10000x128xf32, #tpu.memory_space<vmem_shared>> -> memref<10000x128xf32, #tpu.memory_space<vmem_shared>>
      tpu.wait_indirect_dma semaphore(%arg19 : memref<!tpu.dma_semaphore, #tpu.memory_space<semaphore_mem>>) src(%arg11 : memref<64x128xf32, #tpu.memory_space<vmem>>) dst(%dma_wait3A_116 : memref<10000x128xf32, #tpu.memory_space<vmem_shared>>)
      %dma_wait3A_117 = arith.constant 0 : i32
      %dma_wait3A_118 = arith.constant 0 : i32
      %dma_wait3A_119 = tpu.memref_slice %arg7[%dma_wait3A_117, %dma_wait3A_118] : memref<40x64xi32, #tpu.memory_space<vmem>> -> memref<1x64xi32, #tpu.memory_space<vmem>>
      %dma_wait3A_120 = tpu.memref_squeeze %dma_wait3A_119 : memref<1x64xi32, #tpu.memory_space<vmem>> -> memref<64xi32, #tpu.memory_space<vmem>>
      %dma_wait3A_121 = arith.constant 0 : i32
      %dma_wait3A_122 = arith.constant 0 : i32
      %dma_wait3A_123 = tpu.memref_slice %arg9[%dma_wait3A_121, %dma_wait3A_122] : memref<10000x128xf32, #tpu.memory_space<vmem_shared>> -> memref<10000x128xf32, #tpu.memory_space<vmem_shared>>
      tpu.wait_indirect_dma semaphore(%arg20 : memref<!tpu.dma_semaphore, #tpu.memory_space<semaphore_mem>>) src(%arg12 : memref<64x128xf32, #tpu.memory_space<vmem>>) dst(%dma_wait3A_123 : memref<10000x128xf32, #tpu.memory_space<vmem_shared>>)
      %dma_wait3A_124 = arith.constant 0 : i32
      %dma_wait3A_125 = arith.constant 0 : i32
      %dma_wait3A_126 = tpu.memref_slice %arg7[%dma_wait3A_124, %dma_wait3A_125] : memref<40x64xi32, #tpu.memory_space<vmem>> -> memref<1x64xi32, #tpu.memory_space<vmem>>
      %dma_wait3A_127 = tpu.memref_squeeze %dma_wait3A_126 : memref<1x64xi32, #tpu.memory_space<vmem>> -> memref<64xi32, #tpu.memory_space<vmem>>
      %dma_wait3A_128 = arith.constant 0 : i32
      %dma_wait3A_129 = arith.constant 0 : i32
      %dma_wait3A_130 = tpu.memref_slice %arg9[%dma_wait3A_128, %dma_wait3A_129] : memref<10000x128xf32, #tpu.memory_space<vmem_shared>> -> memref<10000x128xf32, #tpu.memory_space<vmem_shared>>
      tpu.wait_indirect_dma semaphore(%arg21 : memref<!tpu.dma_semaphore, #tpu.memory_space<semaphore_mem>>) src(%arg13 : memref<64x128xf32, #tpu.memory_space<vmem>>) dst(%dma_wait3A_130 : memref<10000x128xf32, #tpu.memory_space<vmem_shared>>)
    }
    %while3A_35 = arith.constant 1 : i32
    scf.for %while3A_42 = %while3A_33 to %while3A_29 step %while3A_35  : i32 {
      %mul3A_43 = arith.muli %while3A_42, %while3A : i32
      %add3A_44 = arith.addi %arg1, %mul3A_43 : i32
      %mul3A_45 = arith.constant 40 : i32
      %mul3A_46 = arith.muli %add3A_44, %mul3A_45 : i32
      %dma_start3A = arith.constant 0 : i32
      %dma_start3A_47 = tpu.memref_slice %arg3[%mul3A_46, %dma_start3A] : memref<5000x64xi32, #tpu.memory_space<hbm>> -> memref<40x64xi32, #tpu.memory_space<hbm>>
      %dma_start3A_48 = arith.constant 0 : i32
      %dma_start3A_49 = tpu.memref_slice %arg3[%mul3A_46, %dma_start3A_48] : memref<5000x64xi32, #tpu.memory_space<hbm>> -> memref<40x64xi32, #tpu.memory_space<hbm>>
      tpu.enqueue_dma source(%dma_start3A_49 : memref<40x64xi32, #tpu.memory_space<hbm>>) target(%arg6 : memref<40x64xi32, #tpu.memory_space<vmem>>) target_semaphore(%arg23 : memref<!tpu.dma_semaphore, #tpu.memory_space<semaphore_mem>>)
      %dma_start3A_50 = arith.constant 0 : i32
      %dma_start3A_51 = tpu.memref_slice %arg4[%mul3A_46, %dma_start3A_50] : memref<5000x64xi32, #tpu.memory_space<hbm>> -> memref<40x64xi32, #tpu.memory_space<hbm>>
      %dma_start3A_52 = arith.constant 0 : i32
      %dma_start3A_53 = tpu.memref_slice %arg4[%mul3A_46, %dma_start3A_52] : memref<5000x64xi32, #tpu.memory_space<hbm>> -> memref<40x64xi32, #tpu.memory_space<hbm>>
      tpu.enqueue_dma source(%dma_start3A_53 : memref<40x64xi32, #tpu.memory_space<hbm>>) target(%arg7 : memref<40x64xi32, #tpu.memory_space<vmem>>) target_semaphore(%arg23 : memref<!tpu.dma_semaphore, #tpu.memory_space<semaphore_mem>>)
      %dma_wait3A = arith.constant 0 : i32
      %dma_wait3A_54 = arith.constant 0 : i32
      %dma_wait3A_55 = tpu.memref_slice %arg3[%dma_wait3A, %dma_wait3A_54] : memref<5000x64xi32, #tpu.memory_space<hbm>> -> memref<40x64xi32, #tpu.memory_space<hbm>>
      %dma_wait3A_56 = arith.constant 0 : i32
      %dma_wait3A_57 = arith.constant 0 : i32
      %dma_wait3A_58 = tpu.memref_slice %arg3[%dma_wait3A_56, %dma_wait3A_57] : memref<5000x64xi32, #tpu.memory_space<hbm>> -> memref<40x64xi32, #tpu.memory_space<hbm>>
      tpu.wait_dma2 semaphore(%arg23 : memref<!tpu.dma_semaphore, #tpu.memory_space<semaphore_mem>>) src(%dma_wait3A_58 : memref<40x64xi32, #tpu.memory_space<hbm>>) dst(%arg6 : memref<40x64xi32, #tpu.memory_space<vmem>>)
      %dma_wait3A_59 = arith.constant 0 : i32
      %dma_wait3A_60 = arith.constant 0 : i32
      %dma_wait3A_61 = tpu.memref_slice %arg4[%dma_wait3A_59, %dma_wait3A_60] : memref<5000x64xi32, #tpu.memory_space<hbm>> -> memref<40x64xi32, #tpu.memory_space<hbm>>
      %dma_wait3A_62 = arith.constant 0 : i32
      %dma_wait3A_63 = arith.constant 0 : i32
      %dma_wait3A_64 = tpu.memref_slice %arg4[%dma_wait3A_62, %dma_wait3A_63] : memref<5000x64xi32, #tpu.memory_space<hbm>> -> memref<40x64xi32, #tpu.memory_space<hbm>>
      tpu.wait_dma2 semaphore(%arg23 : memref<!tpu.dma_semaphore, #tpu.memory_space<semaphore_mem>>) src(%dma_wait3A_64 : memref<40x64xi32, #tpu.memory_space<hbm>>) dst(%arg7 : memref<40x64xi32, #tpu.memory_space<vmem>>)
      %scan3A_65 = arith.constant 0 : i32
      %scan3A_66 = arith.constant 40 : i32
      %scan3A_67 = arith.addi %scan3A_65, %scan3A_66 : i32
      %scan3A_68 = arith.constant 1 : i32
      scf.for %scan3A_131 = %scan3A_65 to %scan3A_67 step %scan3A_68  : i32 {
        %mul3A_132 = arith.constant 1 : i32
        %mul3A_133 = arith.muli %scan3A_131, %mul3A_132 : i32
        %add3A_134 = arith.constant 0 : i32
        %add3A_135 = arith.addi %add3A_134, %mul3A_133 : i32
        %scan3A_136 = arith.constant 0 : i32
        %scan3A_137 = arith.constant 4 : i32
        %scan3A_138 = arith.addi %scan3A_136, %scan3A_137 : i32
        %scan3A_139 = arith.constant 1 : i32
        scf.for %scan3A_141 = %scan3A_136 to %scan3A_138 step %scan3A_139  : i32 {
          %mul3A_142 = arith.constant 16 : i32
          %mul3A_143 = arith.muli %scan3A_141, %mul3A_142 : i32
          %add3A_144 = arith.constant 0 : i32
          %add3A_145 = arith.addi %add3A_144, %mul3A_143 : i32
          %get3A = arith.index_cast %add3A_135 : i32 to index
          %get3A_146 = arith.index_cast %add3A_145 : i32 to index
          %get3A_147 = tpu.vector_load %arg6[%get3A, %get3A_146] {strides = array<i32>} : memref<40x64xi32, #tpu.memory_space<vmem>>, vector<16xi32>,
          %add3A_148 = vector.broadcast %mul3A_21 : i32 to vector<16xi32>
          %add3A_149 = arith.addi %get3A_147, %add3A_148 : vector<16xi32>
          %swap3A = arith.index_cast %add3A_135 : i32 to index
          %swap3A_150 = arith.index_cast %add3A_145 : i32 to index
          %swap3A_151 = tpu.vector_load %arg6[%swap3A, %swap3A_150] {strides = array<i32>} : memref<40x64xi32, #tpu.memory_space<vmem>>, vector<16xi32>,
          tpu.vector_store %arg6[%swap3A, %swap3A_150], %add3A_149 {strides = array<i32>} : memref<40x64xi32, #tpu.memory_space<vmem>>, vector<16xi32>,
        }
        %scan3A_140 = arith.constant 4 : i32
      }
      %scan3A_69 = arith.constant 40 : i32
      %dma_start3A_70 = arith.constant 0 : i32
      %dma_start3A_71 = arith.constant 0 : i32
      %dma_start3A_72 = tpu.memref_slice %arg6[%dma_start3A_70, %dma_start3A_71] : memref<40x64xi32, #tpu.memory_space<vmem>> -> memref<1x64xi32, #tpu.memory_space<vmem>>
      %dma_start3A_73 = tpu.memref_squeeze %dma_start3A_72 : memref<1x64xi32, #tpu.memory_space<vmem>> -> memref<64xi32, #tpu.memory_space<vmem>>
      %dma_start3A_74 = arith.constant 0 : i32
      %dma_start3A_75 = arith.constant 0 : i32
      %dma_start3A_76 = tpu.memref_slice %arg2[%dma_start3A_74, %dma_start3A_75] : memref<20000x128xf32, #tpu.memory_space<hbm>> -> memref<20000x128xf32, #tpu.memory_space<hbm>>
      tpu.enqueue_indirect_dma source(%dma_start3A_76 : memref<20000x128xf32, #tpu.memory_space<hbm>>) target(%arg10 : memref<64x128xf32, #tpu.memory_space<vmem>>) offsets(%dma_start3A_73 : memref<64xi32, #tpu.memory_space<vmem>>) semaphore(%arg14 : memref<!tpu.dma_semaphore, #tpu.memory_space<semaphore_mem>>)
      %dma_start3A_77 = arith.constant 1 : i32
      %dma_start3A_78 = arith.constant 0 : i32
      %dma_start3A_79 = tpu.memref_slice %arg6[%dma_start3A_77, %dma_start3A_78] : memref<40x64xi32, #tpu.memory_space<vmem>> -> memref<1x64xi32, #tpu.memory_space<vmem>>
      %dma_start3A_80 = tpu.memref_squeeze %dma_start3A_79 : memref<1x64xi32, #tpu.memory_space<vmem>> -> memref<64xi32, #tpu.memory_space<vmem>>
      %dma_start3A_81 = arith.constant 0 : i32
      %dma_start3A_82 = arith.constant 0 : i32
      %dma_start3A_83 = tpu.memref_slice %arg2[%dma_start3A_81, %dma_start3A_82] : memref<20000x128xf32, #tpu.memory_space<hbm>> -> memref<20000x128xf32, #tpu.memory_space<hbm>>
      tpu.enqueue_indirect_dma source(%dma_start3A_83 : memref<20000x128xf32, #tpu.memory_space<hbm>>) target(%arg11 : memref<64x128xf32, #tpu.memory_space<vmem>>) offsets(%dma_start3A_80 : memref<64xi32, #tpu.memory_space<vmem>>) semaphore(%arg15 : memref<!tpu.dma_semaphore, #tpu.memory_space<semaphore_mem>>)
      %dma_start3A_84 = arith.constant 2 : i32
      %dma_start3A_85 = arith.constant 0 : i32
      %dma_start3A_86 = tpu.memref_slice %arg6[%dma_start3A_84, %dma_start3A_85] : memref<40x64xi32, #tpu.memory_space<vmem>> -> memref<1x64xi32, #tpu.memory_space<vmem>>
      %dma_start3A_87 = tpu.memref_squeeze %dma_start3A_86 : memref<1x64xi32, #tpu.memory_space<vmem>> -> memref<64xi32, #tpu.memory_space<vmem>>
      %dma_start3A_88 = arith.constant 0 : i32
      %dma_start3A_89 = arith.constant 0 : i32
      %dma_start3A_90 = tpu.memref_slice %arg2[%dma_start3A_88, %dma_start3A_89] : memref<20000x128xf32, #tpu.memory_space<hbm>> -> memref<20000x128xf32, #tpu.memory_space<hbm>>
      tpu.enqueue_indirect_dma source(%dma_start3A_90 : memref<20000x128xf32, #tpu.memory_space<hbm>>) target(%arg12 : memref<64x128xf32, #tpu.memory_space<vmem>>) offsets(%dma_start3A_87 : memref<64xi32, #tpu.memory_space<vmem>>) semaphore(%arg16 : memref<!tpu.dma_semaphore, #tpu.memory_space<semaphore_mem>>)
      %dma_start3A_91 = arith.constant 3 : i32
      %dma_start3A_92 = arith.constant 0 : i32
      %dma_start3A_93 = tpu.memref_slice %arg6[%dma_start3A_91, %dma_start3A_92] : memref<40x64xi32, #tpu.memory_space<vmem>> -> memref<1x64xi32, #tpu.memory_space<vmem>>
      %dma_start3A_94 = tpu.memref_squeeze %dma_start3A_93 : memref<1x64xi32, #tpu.memory_space<vmem>> -> memref<64xi32, #tpu.memory_space<vmem>>
      %dma_start3A_95 = arith.constant 0 : i32
      %dma_start3A_96 = arith.constant 0 : i32
      %dma_start3A_97 = tpu.memref_slice %arg2[%dma_start3A_95, %dma_start3A_96] : memref<20000x128xf32, #tpu.memory_space<hbm>> -> memref<20000x128xf32, #tpu.memory_space<hbm>>
      tpu.enqueue_indirect_dma source(%dma_start3A_97 : memref<20000x128xf32, #tpu.memory_space<hbm>>) target(%arg13 : memref<64x128xf32, #tpu.memory_space<vmem>>) offsets(%dma_start3A_94 : memref<64xi32, #tpu.memory_space<vmem>>) semaphore(%arg17 : memref<!tpu.dma_semaphore, #tpu.memory_space<semaphore_mem>>)
      %scan3A_98 = arith.constant 0 : i32
      %scan3A_99 = arith.constant 10 : i32
      %scan3A_100 = arith.addi %scan3A_98, %scan3A_99 : i32
      %scan3A_101 = arith.constant 1 : i32
      scf.for %scan3A_131 = %scan3A_98 to %scan3A_100 step %scan3A_101  : i32 {
        %mul3A_132 = arith.constant 4 : i32
        %mul3A_133 = arith.muli %scan3A_131, %mul3A_132 : i32
        %add3A_134 = arith.constant 0 : i32
        %add3A_135 = arith.addi %add3A_134, %mul3A_133 : i32
        %dma_wait3A_136 = arith.constant 0 : i32
        %dma_wait3A_137 = arith.constant 0 : i32
        %dma_wait3A_138 = tpu.memref_slice %arg6[%dma_wait3A_136, %dma_wait3A_137] : memref<40x64xi32, #tpu.memory_space<vmem>> -> memref<1x64xi32, #tpu.memory_space<vmem>>
        %dma_wait3A_139 = tpu.memref_squeeze %dma_wait3A_138 : memref<1x64xi32, #tpu.memory_space<vmem>> -> memref<64xi32, #tpu.memory_space<vmem>>
        %dma_wait3A_140 = arith.constant 0 : i32
        %dma_wait3A_141 = arith.constant 0 : i32
        %dma_wait3A_142 = tpu.memref_slice %arg2[%dma_wait3A_140, %dma_wait3A_141] : memref<20000x128xf32, #tpu.memory_space<hbm>> -> memref<20000x128xf32, #tpu.memory_space<hbm>>
        tpu.wait_indirect_dma semaphore(%arg14 : memref<!tpu.dma_semaphore, #tpu.memory_space<semaphore_mem>>) src(%dma_wait3A_142 : memref<20000x128xf32, #tpu.memory_space<hbm>>) dst(%arg10 : memref<64x128xf32, #tpu.memory_space<vmem>>)
        %add3A_143 = arith.constant 0 : i32
        %add3A_144 = arith.addi %add3A_135, %add3A_143 : i32
        %dma_start3A_145 = arith.constant 0 : i32
        %dma_start3A_146 = tpu.memref_slice %arg7[%add3A_144, %dma_start3A_145] : memref<40x64xi32, #tpu.memory_space<vmem>> -> memref<1x64xi32, #tpu.memory_space<vmem>>
        %dma_start3A_147 = tpu.memref_squeeze %dma_start3A_146 : memref<1x64xi32, #tpu.memory_space<vmem>> -> memref<64xi32, #tpu.memory_space<vmem>>
        %dma_start3A_148 = arith.constant 0 : i32
        %dma_start3A_149 = arith.constant 0 : i32
        %dma_start3A_150 = tpu.memref_slice %arg9[%dma_start3A_148, %dma_start3A_149] : memref<10000x128xf32, #tpu.memory_space<vmem_shared>> -> memref<10000x128xf32, #tpu.memory_space<vmem_shared>>
        tpu.enqueue_indirect_dma source(%arg10 : memref<64x128xf32, #tpu.memory_space<vmem>>) target(%dma_start3A_150 : memref<10000x128xf32, #tpu.memory_space<vmem_shared>>) offsets(%dma_start3A_147 : memref<64xi32, #tpu.memory_space<vmem>>) semaphore(%arg18 : memref<!tpu.dma_semaphore, #tpu.memory_space<semaphore_mem>>) {add = true}
        %add3A_151 = arith.constant 0 : i32
        %add3A_152 = arith.addi %add3A_135, %add3A_151 : i32
        %dma_wait3A_153 = arith.constant 0 : i32
        %dma_wait3A_154 = arith.constant 0 : i32
        %dma_wait3A_155 = tpu.memref_slice %arg6[%dma_wait3A_153, %dma_wait3A_154] : memref<40x64xi32, #tpu.memory_space<vmem>> -> memref<1x64xi32, #tpu.memory_space<vmem>>
        %dma_wait3A_156 = tpu.memref_squeeze %dma_wait3A_155 : memref<1x64xi32, #tpu.memory_space<vmem>> -> memref<64xi32, #tpu.memory_space<vmem>>
        %dma_wait3A_157 = arith.constant 0 : i32
        %dma_wait3A_158 = arith.constant 0 : i32
        %dma_wait3A_159 = tpu.memref_slice %arg2[%dma_wait3A_157, %dma_wait3A_158] : memref<20000x128xf32, #tpu.memory_space<hbm>> -> memref<20000x128xf32, #tpu.memory_space<hbm>>
        tpu.wait_indirect_dma semaphore(%arg15 : memref<!tpu.dma_semaphore, #tpu.memory_space<semaphore_mem>>) src(%dma_wait3A_159 : memref<20000x128xf32, #tpu.memory_space<hbm>>) dst(%arg11 : memref<64x128xf32, #tpu.memory_space<vmem>>)
        %add3A_160 = arith.constant 1 : i32
        %add3A_161 = arith.addi %add3A_135, %add3A_160 : i32
        %dma_start3A_162 = arith.constant 0 : i32
        %dma_start3A_163 = tpu.memref_slice %arg7[%add3A_161, %dma_start3A_162] : memref<40x64xi32, #tpu.memory_space<vmem>> -> memref<1x64xi32, #tpu.memory_space<vmem>>
        %dma_start3A_164 = tpu.memref_squeeze %dma_start3A_163 : memref<1x64xi32, #tpu.memory_space<vmem>> -> memref<64xi32, #tpu.memory_space<vmem>>
        %dma_start3A_165 = arith.constant 0 : i32
        %dma_start3A_166 = arith.constant 0 : i32
        %dma_start3A_167 = tpu.memref_slice %arg9[%dma_start3A_165, %dma_start3A_166] : memref<10000x128xf32, #tpu.memory_space<vmem_shared>> -> memref<10000x128xf32, #tpu.memory_space<vmem_shared>>
        tpu.enqueue_indirect_dma source(%arg11 : memref<64x128xf32, #tpu.memory_space<vmem>>) target(%dma_start3A_167 : memref<10000x128xf32, #tpu.memory_space<vmem_shared>>) offsets(%dma_start3A_164 : memref<64xi32, #tpu.memory_space<vmem>>) semaphore(%arg19 : memref<!tpu.dma_semaphore, #tpu.memory_space<semaphore_mem>>) {add = true}
        %add3A_168 = arith.constant 1 : i32
        %add3A_169 = arith.addi %add3A_135, %add3A_168 : i32
        %dma_wait3A_170 = arith.constant 0 : i32
        %dma_wait3A_171 = arith.constant 0 : i32
        %dma_wait3A_172 = tpu.memref_slice %arg6[%dma_wait3A_170, %dma_wait3A_171] : memref<40x64xi32, #tpu.memory_space<vmem>> -> memref<1x64xi32, #tpu.memory_space<vmem>>
        %dma_wait3A_173 = tpu.memref_squeeze %dma_wait3A_172 : memref<1x64xi32, #tpu.memory_space<vmem>> -> memref<64xi32, #tpu.memory_space<vmem>>
        %dma_wait3A_174 = arith.constant 0 : i32
        %dma_wait3A_175 = arith.constant 0 : i32
        %dma_wait3A_176 = tpu.memref_slice %arg2[%dma_wait3A_174, %dma_wait3A_175] : memref<20000x128xf32, #tpu.memory_space<hbm>> -> memref<20000x128xf32, #tpu.memory_space<hbm>>
        tpu.wait_indirect_dma semaphore(%arg16 : memref<!tpu.dma_semaphore, #tpu.memory_space<semaphore_mem>>) src(%dma_wait3A_176 : memref<20000x128xf32, #tpu.memory_space<hbm>>) dst(%arg12 : memref<64x128xf32, #tpu.memory_space<vmem>>)
        %add3A_177 = arith.constant 2 : i32
        %add3A_178 = arith.addi %add3A_135, %add3A_177 : i32
        %dma_start3A_179 = arith.constant 0 : i32
        %dma_start3A_180 = tpu.memref_slice %arg7[%add3A_178, %dma_start3A_179] : memref<40x64xi32, #tpu.memory_space<vmem>> -> memref<1x64xi32, #tpu.memory_space<vmem>>
        %dma_start3A_181 = tpu.memref_squeeze %dma_start3A_180 : memref<1x64xi32, #tpu.memory_space<vmem>> -> memref<64xi32, #tpu.memory_space<vmem>>
        %dma_start3A_182 = arith.constant 0 : i32
        %dma_start3A_183 = arith.constant 0 : i32
        %dma_start3A_184 = tpu.memref_slice %arg9[%dma_start3A_182, %dma_start3A_183] : memref<10000x128xf32, #tpu.memory_space<vmem_shared>> -> memref<10000x128xf32, #tpu.memory_space<vmem_shared>>
        tpu.enqueue_indirect_dma source(%arg12 : memref<64x128xf32, #tpu.memory_space<vmem>>) target(%dma_start3A_184 : memref<10000x128xf32, #tpu.memory_space<vmem_shared>>) offsets(%dma_start3A_181 : memref<64xi32, #tpu.memory_space<vmem>>) semaphore(%arg20 : memref<!tpu.dma_semaphore, #tpu.memory_space<semaphore_mem>>) {add = true}
        %add3A_185 = arith.constant 2 : i32
        %add3A_186 = arith.addi %add3A_135, %add3A_185 : i32
        %dma_wait3A_187 = arith.constant 0 : i32
        %dma_wait3A_188 = arith.constant 0 : i32
        %dma_wait3A_189 = tpu.memref_slice %arg6[%dma_wait3A_187, %dma_wait3A_188] : memref<40x64xi32, #tpu.memory_space<vmem>> -> memref<1x64xi32, #tpu.memory_space<vmem>>
        %dma_wait3A_190 = tpu.memref_squeeze %dma_wait3A_189 : memref<1x64xi32, #tpu.memory_space<vmem>> -> memref<64xi32, #tpu.memory_space<vmem>>
        %dma_wait3A_191 = arith.constant 0 : i32
        %dma_wait3A_192 = arith.constant 0 : i32
        %dma_wait3A_193 = tpu.memref_slice %arg2[%dma_wait3A_191, %dma_wait3A_192] : memref<20000x128xf32, #tpu.memory_space<hbm>> -> memref<20000x128xf32, #tpu.memory_space<hbm>>
        tpu.wait_indirect_dma semaphore(%arg17 : memref<!tpu.dma_semaphore, #tpu.memory_space<semaphore_mem>>) src(%dma_wait3A_193 : memref<20000x128xf32, #tpu.memory_space<hbm>>) dst(%arg13 : memref<64x128xf32, #tpu.memory_space<vmem>>)
        %add3A_194 = arith.constant 3 : i32
        %add3A_195 = arith.addi %add3A_135, %add3A_194 : i32
        %dma_start3A_196 = arith.constant 0 : i32
        %dma_start3A_197 = tpu.memref_slice %arg7[%add3A_195, %dma_start3A_196] : memref<40x64xi32, #tpu.memory_space<vmem>> -> memref<1x64xi32, #tpu.memory_space<vmem>>
        %dma_start3A_198 = tpu.memref_squeeze %dma_start3A_197 : memref<1x64xi32, #tpu.memory_space<vmem>> -> memref<64xi32, #tpu.memory_space<vmem>>
        %dma_start3A_199 = arith.constant 0 : i32
        %dma_start3A_200 = arith.constant 0 : i32
        %dma_start3A_201 = tpu.memref_slice %arg9[%dma_start3A_199, %dma_start3A_200] : memref<10000x128xf32, #tpu.memory_space<vmem_shared>> -> memref<10000x128xf32, #tpu.memory_space<vmem_shared>>
        tpu.enqueue_indirect_dma source(%arg13 : memref<64x128xf32, #tpu.memory_space<vmem>>) target(%dma_start3A_201 : memref<10000x128xf32, #tpu.memory_space<vmem_shared>>) offsets(%dma_start3A_198 : memref<64xi32, #tpu.memory_space<vmem>>) semaphore(%arg21 : memref<!tpu.dma_semaphore, #tpu.memory_space<semaphore_mem>>) {add = true}
        %add3A_202 = arith.constant 3 : i32
        %add3A_203 = arith.addi %add3A_135, %add3A_202 : i32
        %add3A_204 = arith.constant 4 : i32
        %add3A_205 = arith.addi %add3A_135, %add3A_204 : i32
        %add3A_206 = arith.constant 0 : i32
        %add3A_207 = arith.addi %add3A_205, %add3A_206 : i32
        %lt3A = arith.constant 40 : i32
        %lt3A_208 = arith.cmpi slt, %add3A_207, %lt3A : i32
        %convert_element_type3A_209 = arith.extui %lt3A_208 : i1 to i32
        %cond3A_210 = arith.constant 0 : i32
        %cond3A_211 = arith.cmpi ne, %convert_element_type3A_209, %cond3A_210 : i32
        scf.if %cond3A_211 {
          %dma_wait3A_239 = arith.constant 0 : i32
          %dma_wait3A_240 = arith.constant 0 : i32
          %dma_wait3A_241 = tpu.memref_slice %arg7[%dma_wait3A_239, %dma_wait3A_240] : memref<40x64xi32, #tpu.memory_space<vmem>> -> memref<1x64xi32, #tpu.memory_space<vmem>>
          %dma_wait3A_242 = tpu.memref_squeeze %dma_wait3A_241 : memref<1x64xi32, #tpu.memory_space<vmem>> -> memref<64xi32, #tpu.memory_space<vmem>>
          %dma_wait3A_243 = arith.constant 0 : i32
          %dma_wait3A_244 = arith.constant 0 : i32
          %dma_wait3A_245 = tpu.memref_slice %arg9[%dma_wait3A_243, %dma_wait3A_244] : memref<10000x128xf32, #tpu.memory_space<vmem_shared>> -> memref<10000x128xf32, #tpu.memory_space<vmem_shared>>
          tpu.wait_indirect_dma semaphore(%arg18 : memref<!tpu.dma_semaphore, #tpu.memory_space<semaphore_mem>>) src(%arg10 : memref<64x128xf32, #tpu.memory_space<vmem>>) dst(%dma_wait3A_245 : memref<10000x128xf32, #tpu.memory_space<vmem_shared>>)
          %add3A_246 = arith.constant 4 : i32
          %add3A_247 = arith.addi %add3A_135, %add3A_246 : i32
          %add3A_248 = arith.constant 0 : i32
          %add3A_249 = arith.addi %add3A_247, %add3A_248 : i32
          %dma_start3A_250 = arith.constant 0 : i32
          %dma_start3A_251 = tpu.memref_slice %arg6[%add3A_249, %dma_start3A_250] : memref<40x64xi32, #tpu.memory_space<vmem>> -> memref<1x64xi32, #tpu.memory_space<vmem>>
          %dma_start3A_252 = tpu.memref_squeeze %dma_start3A_251 : memref<1x64xi32, #tpu.memory_space<vmem>> -> memref<64xi32, #tpu.memory_space<vmem>>
          %dma_start3A_253 = arith.constant 0 : i32
          %dma_start3A_254 = arith.constant 0 : i32
          %dma_start3A_255 = tpu.memref_slice %arg2[%dma_start3A_253, %dma_start3A_254] : memref<20000x128xf32, #tpu.memory_space<hbm>> -> memref<20000x128xf32, #tpu.memory_space<hbm>>
          tpu.enqueue_indirect_dma source(%dma_start3A_255 : memref<20000x128xf32, #tpu.memory_space<hbm>>) target(%arg10 : memref<64x128xf32, #tpu.memory_space<vmem>>) offsets(%dma_start3A_252 : memref<64xi32, #tpu.memory_space<vmem>>) semaphore(%arg14 : memref<!tpu.dma_semaphore, #tpu.memory_space<semaphore_mem>>)
        } else {
        }
        %add3A_212 = arith.constant 4 : i32
        %add3A_213 = arith.addi %add3A_135, %add3A_212 : i32
        %add3A_214 = arith.constant 1 : i32
        %add3A_215 = arith.addi %add3A_213, %add3A_214 : i32
        %lt3A_216 = arith.constant 40 : i32
        %lt3A_217 = arith.cmpi slt, %add3A_215, %lt3A_216 : i32
        %convert_element_type3A_218 = arith.extui %lt3A_217 : i1 to i32
        %cond3A_219 = arith.constant 0 : i32
        %cond3A_220 = arith.cmpi ne, %convert_element_type3A_218, %cond3A_219 : i32
        scf.if %cond3A_220 {
          %dma_wait3A_239 = arith.constant 0 : i32
          %dma_wait3A_240 = arith.constant 0 : i32
          %dma_wait3A_241 = tpu.memref_slice %arg7[%dma_wait3A_239, %dma_wait3A_240] : memref<40x64xi32, #tpu.memory_space<vmem>> -> memref<1x64xi32, #tpu.memory_space<vmem>>
          %dma_wait3A_242 = tpu.memref_squeeze %dma_wait3A_241 : memref<1x64xi32, #tpu.memory_space<vmem>> -> memref<64xi32, #tpu.memory_space<vmem>>
          %dma_wait3A_243 = arith.constant 0 : i32
          %dma_wait3A_244 = arith.constant 0 : i32
          %dma_wait3A_245 = tpu.memref_slice %arg9[%dma_wait3A_243, %dma_wait3A_244] : memref<10000x128xf32, #tpu.memory_space<vmem_shared>> -> memref<10000x128xf32, #tpu.memory_space<vmem_shared>>
          tpu.wait_indirect_dma semaphore(%arg19 : memref<!tpu.dma_semaphore, #tpu.memory_space<semaphore_mem>>) src(%arg11 : memref<64x128xf32, #tpu.memory_space<vmem>>) dst(%dma_wait3A_245 : memref<10000x128xf32, #tpu.memory_space<vmem_shared>>)
          %add3A_246 = arith.constant 4 : i32
          %add3A_247 = arith.addi %add3A_135, %add3A_246 : i32
          %add3A_248 = arith.constant 1 : i32
          %add3A_249 = arith.addi %add3A_247, %add3A_248 : i32
          %dma_start3A_250 = arith.constant 0 : i32
          %dma_start3A_251 = tpu.memref_slice %arg6[%add3A_249, %dma_start3A_250] : memref<40x64xi32, #tpu.memory_space<vmem>> -> memref<1x64xi32, #tpu.memory_space<vmem>>
          %dma_start3A_252 = tpu.memref_squeeze %dma_start3A_251 : memref<1x64xi32, #tpu.memory_space<vmem>> -> memref<64xi32, #tpu.memory_space<vmem>>
          %dma_start3A_253 = arith.constant 0 : i32
          %dma_start3A_254 = arith.constant 0 : i32
          %dma_start3A_255 = tpu.memref_slice %arg2[%dma_start3A_253, %dma_start3A_254] : memref<20000x128xf32, #tpu.memory_space<hbm>> -> memref<20000x128xf32, #tpu.memory_space<hbm>>
          tpu.enqueue_indirect_dma source(%dma_start3A_255 : memref<20000x128xf32, #tpu.memory_space<hbm>>) target(%arg11 : memref<64x128xf32, #tpu.memory_space<vmem>>) offsets(%dma_start3A_252 : memref<64xi32, #tpu.memory_space<vmem>>) semaphore(%arg15 : memref<!tpu.dma_semaphore, #tpu.memory_space<semaphore_mem>>)
        } else {
        }
        %add3A_221 = arith.constant 4 : i32
        %add3A_222 = arith.addi %add3A_135, %add3A_221 : i32
        %add3A_223 = arith.constant 2 : i32
        %add3A_224 = arith.addi %add3A_222, %add3A_223 : i32
        %lt3A_225 = arith.constant 40 : i32
        %lt3A_226 = arith.cmpi slt, %add3A_224, %lt3A_225 : i32
        %convert_element_type3A_227 = arith.extui %lt3A_226 : i1 to i32
        %cond3A_228 = arith.constant 0 : i32
        %cond3A_229 = arith.cmpi ne, %convert_element_type3A_227, %cond3A_228 : i32
        scf.if %cond3A_229 {
          %dma_wait3A_239 = arith.constant 0 : i32
          %dma_wait3A_240 = arith.constant 0 : i32
          %dma_wait3A_241 = tpu.memref_slice %arg7[%dma_wait3A_239, %dma_wait3A_240] : memref<40x64xi32, #tpu.memory_space<vmem>> -> memref<1x64xi32, #tpu.memory_space<vmem>>
          %dma_wait3A_242 = tpu.memref_squeeze %dma_wait3A_241 : memref<1x64xi32, #tpu.memory_space<vmem>> -> memref<64xi32, #tpu.memory_space<vmem>>
          %dma_wait3A_243 = arith.constant 0 : i32
          %dma_wait3A_244 = arith.constant 0 : i32
          %dma_wait3A_245 = tpu.memref_slice %arg9[%dma_wait3A_243, %dma_wait3A_244] : memref<10000x128xf32, #tpu.memory_space<vmem_shared>> -> memref<10000x128xf32, #tpu.memory_space<vmem_shared>>
          tpu.wait_indirect_dma semaphore(%arg20 : memref<!tpu.dma_semaphore, #tpu.memory_space<semaphore_mem>>) src(%arg12 : memref<64x128xf32, #tpu.memory_space<vmem>>) dst(%dma_wait3A_245 : memref<10000x128xf32, #tpu.memory_space<vmem_shared>>)
          %add3A_246 = arith.constant 4 : i32
          %add3A_247 = arith.addi %add3A_135, %add3A_246 : i32
          %add3A_248 = arith.constant 2 : i32
          %add3A_249 = arith.addi %add3A_247, %add3A_248 : i32
          %dma_start3A_250 = arith.constant 0 : i32
          %dma_start3A_251 = tpu.memref_slice %arg6[%add3A_249, %dma_start3A_250] : memref<40x64xi32, #tpu.memory_space<vmem>> -> memref<1x64xi32, #tpu.memory_space<vmem>>
          %dma_start3A_252 = tpu.memref_squeeze %dma_start3A_251 : memref<1x64xi32, #tpu.memory_space<vmem>> -> memref<64xi32, #tpu.memory_space<vmem>>
          %dma_start3A_253 = arith.constant 0 : i32
          %dma_start3A_254 = arith.constant 0 : i32
          %dma_start3A_255 = tpu.memref_slice %arg2[%dma_start3A_253, %dma_start3A_254] : memref<20000x128xf32, #tpu.memory_space<hbm>> -> memref<20000x128xf32, #tpu.memory_space<hbm>>
          tpu.enqueue_indirect_dma source(%dma_start3A_255 : memref<20000x128xf32, #tpu.memory_space<hbm>>) target(%arg12 : memref<64x128xf32, #tpu.memory_space<vmem>>) offsets(%dma_start3A_252 : memref<64xi32, #tpu.memory_space<vmem>>) semaphore(%arg16 : memref<!tpu.dma_semaphore, #tpu.memory_space<semaphore_mem>>)
        } else {
        }
        %add3A_230 = arith.constant 4 : i32
        %add3A_231 = arith.addi %add3A_135, %add3A_230 : i32
        %add3A_232 = arith.constant 3 : i32
        %add3A_233 = arith.addi %add3A_231, %add3A_232 : i32
        %lt3A_234 = arith.constant 40 : i32
        %lt3A_235 = arith.cmpi slt, %add3A_233, %lt3A_234 : i32
        %convert_element_type3A_236 = arith.extui %lt3A_235 : i1 to i32
        %cond3A_237 = arith.constant 0 : i32
        %cond3A_238 = arith.cmpi ne, %convert_element_type3A_236, %cond3A_237 : i32
        scf.if %cond3A_238 {
          %dma_wait3A_239 = arith.constant 0 : i32
          %dma_wait3A_240 = arith.constant 0 : i32
          %dma_wait3A_241 = tpu.memref_slice %arg7[%dma_wait3A_239, %dma_wait3A_240] : memref<40x64xi32, #tpu.memory_space<vmem>> -> memref<1x64xi32, #tpu.memory_space<vmem>>
          %dma_wait3A_242 = tpu.memref_squeeze %dma_wait3A_241 : memref<1x64xi32, #tpu.memory_space<vmem>> -> memref<64xi32, #tpu.memory_space<vmem>>
          %dma_wait3A_243 = arith.constant 0 : i32
          %dma_wait3A_244 = arith.constant 0 : i32
          %dma_wait3A_245 = tpu.memref_slice %arg9[%dma_wait3A_243, %dma_wait3A_244] : memref<10000x128xf32, #tpu.memory_space<vmem_shared>> -> memref<10000x128xf32, #tpu.memory_space<vmem_shared>>
          tpu.wait_indirect_dma semaphore(%arg21 : memref<!tpu.dma_semaphore, #tpu.memory_space<semaphore_mem>>) src(%arg13 : memref<64x128xf32, #tpu.memory_space<vmem>>) dst(%dma_wait3A_245 : memref<10000x128xf32, #tpu.memory_space<vmem_shared>>)
          %add3A_246 = arith.constant 4 : i32
          %add3A_247 = arith.addi %add3A_135, %add3A_246 : i32
          %add3A_248 = arith.constant 3 : i32
          %add3A_249 = arith.addi %add3A_247, %add3A_248 : i32
          %dma_start3A_250 = arith.constant 0 : i32
          %dma_start3A_251 = tpu.memref_slice %arg6[%add3A_249, %dma_start3A_250] : memref<40x64xi32, #tpu.memory_space<vmem>> -> memref<1x64xi32, #tpu.memory_space<vmem>>
          %dma_start3A_252 = tpu.memref_squeeze %dma_start3A_251 : memref<1x64xi32, #tpu.memory_space<vmem>> -> memref<64xi32, #tpu.memory_space<vmem>>
          %dma_start3A_253 = arith.constant 0 : i32
          %dma_start3A_254 = arith.constant 0 : i32
          %dma_start3A_255 = tpu.memref_slice %arg2[%dma_start3A_253, %dma_start3A_254] : memref<20000x128xf32, #tpu.memory_space<hbm>> -> memref<20000x128xf32, #tpu.memory_space<hbm>>
          tpu.enqueue_indirect_dma source(%dma_start3A_255 : memref<20000x128xf32, #tpu.memory_space<hbm>>) target(%arg13 : memref<64x128xf32, #tpu.memory_space<vmem>>) offsets(%dma_start3A_252 : memref<64xi32, #tpu.memory_space<vmem>>) semaphore(%arg17 : memref<!tpu.dma_semaphore, #tpu.memory_space<semaphore_mem>>)
        } else {
        }
      }
      %scan3A_102 = arith.constant 10 : i32
      %dma_wait3A_103 = arith.constant 0 : i32
      %dma_wait3A_104 = arith.constant 0 : i32
      %dma_wait3A_105 = tpu.memref_slice %arg7[%dma_wait3A_103, %dma_wait3A_104] : memref<40x64xi32, #tpu.memory_space<vmem>> -> memref<1x64xi32, #tpu.memory_space<vmem>>
      %dma_wait3A_106 = tpu.memref_squeeze %dma_wait3A_105 : memref<1x64xi32, #tpu.memory_space<vmem>> -> memref<64xi32, #tpu.memory_space<vmem>>
      %dma_wait3A_107 = arith.constant 0 : i32
      %dma_wait3A_108 = arith.constant 0 : i32
      %dma_wait3A_109 = tpu.memref_slice %arg9[%dma_wait3A_107, %dma_wait3A_108] : memref<10000x128xf32, #tpu.memory_space<vmem_shared>> -> memref<10000x128xf32, #tpu.memory_space<vmem_shared>>
      tpu.wait_indirect_dma semaphore(%arg18 : memref<!tpu.dma_semaphore, #tpu.memory_space<semaphore_mem>>) src(%arg10 : memref<64x128xf32, #tpu.memory_space<vmem>>) dst(%dma_wait3A_109 : memref<10000x128xf32, #tpu.memory_space<vmem_shared>>)
      %dma_wait3A_110 = arith.constant 0 : i32
      %dma_wait3A_111 = arith.constant 0 : i32
      %dma_wait3A_112 = tpu.memref_slice %arg7[%dma_wait3A_110, %dma_wait3A_111] : memref<40x64xi32, #tpu.memory_space<vmem>> -> memref<1x64xi32, #tpu.memory_space<vmem>>
      %dma_wait3A_113 = tpu.memref_squeeze %dma_wait3A_112 : memref<1x64xi32, #tpu.memory_space<vmem>> -> memref<64xi32, #tpu.memory_space<vmem>>
      %dma_wait3A_114 = arith.constant 0 : i32
      %dma_wait3A_115 = arith.constant 0 : i32
      %dma_wait3A_116 = tpu.memref_slice %arg9[%dma_wait3A_114, %dma_wait3A_115] : memref<10000x128xf32, #tpu.memory_space<vmem_shared>> -> memref<10000x128xf32, #tpu.memory_space<vmem_shared>>
      tpu.wait_indirect_dma semaphore(%arg19 : memref<!tpu.dma_semaphore, #tpu.memory_space<semaphore_mem>>) src(%arg11 : memref<64x128xf32, #tpu.memory_space<vmem>>) dst(%dma_wait3A_116 : memref<10000x128xf32, #tpu.memory_space<vmem_shared>>)
      %dma_wait3A_117 = arith.constant 0 : i32
      %dma_wait3A_118 = arith.constant 0 : i32
      %dma_wait3A_119 = tpu.memref_slice %arg7[%dma_wait3A_117, %dma_wait3A_118] : memref<40x64xi32, #tpu.memory_space<vmem>> -> memref<1x64xi32, #tpu.memory_space<vmem>>
      %dma_wait3A_120 = tpu.memref_squeeze %dma_wait3A_119 : memref<1x64xi32, #tpu.memory_space<vmem>> -> memref<64xi32, #tpu.memory_space<vmem>>
      %dma_wait3A_121 = arith.constant 0 : i32
      %dma_wait3A_122 = arith.constant 0 : i32
      %dma_wait3A_123 = tpu.memref_slice %arg9[%dma_wait3A_121, %dma_wait3A_122] : memref<10000x128xf32, #tpu.memory_space<vmem_shared>> -> memref<10000x128xf32, #tpu.memory_space<vmem_shared>>
      tpu.wait_indirect_dma semaphore(%arg20 : memref<!tpu.dma_semaphore, #tpu.memory_space<semaphore_mem>>) src(%arg12 : memref<64x128xf32, #tpu.memory_space<vmem>>) dst(%dma_wait3A_123 : memref<10000x128xf32, #tpu.memory_space<vmem_shared>>)
      %dma_wait3A_124 = arith.constant 0 : i32
      %dma_wait3A_125 = arith.constant 0 : i32
      %dma_wait3A_126 = tpu.memref_slice %arg7[%dma_wait3A_124, %dma_wait3A_125] : memref<40x64xi32, #tpu.memory_space<vmem>> -> memref<1x64xi32, #tpu.memory_space<vmem>>
      %dma_wait3A_127 = tpu.memref_squeeze %dma_wait3A_126 : memref<1x64xi32, #tpu.memory_space<vmem>> -> memref<64xi32, #tpu.memory_space<vmem>>
      %dma_wait3A_128 = arith.constant 0 : i32
      %dma_wait3A_129 = arith.constant 0 : i32
      %dma_wait3A_130 = tpu.memref_slice %arg9[%dma_wait3A_128, %dma_wait3A_129] : memref<10000x128xf32, #tpu.memory_space<vmem_shared>> -> memref<10000x128xf32, #tpu.memory_space<vmem_shared>>
      tpu.wait_indirect_dma semaphore(%arg21 : memref<!tpu.dma_semaphore, #tpu.memory_space<semaphore_mem>>) src(%arg13 : memref<64x128xf32, #tpu.memory_space<vmem>>) dst(%dma_wait3A_130 : memref<10000x128xf32, #tpu.memory_space<vmem_shared>>)
    }
    %barrier3A_36 = arith.constant 0 : index
    tpu.barrier barrier_id(%barrier3A_36)
    "tpu.region"() ({
      %run_scoped3A = tpu.sem_alloc : memref<!tpu.dma_semaphore, #tpu.memory_space<semaphore_mem>>
      %dma_start3A = arith.constant 0 : i32
      %dma_start3A_42 = arith.constant 0 : i32
      %dma_start3A_43 = tpu.memref_slice %arg5[%arg0, %dma_start3A, %dma_start3A_42] : memref<2x10000x128xf32, #tpu.memory_space<hbm>> -> memref<1x10000x128xf32, #tpu.memory_space<hbm>>
      %dma_start3A_44 = tpu.memref_squeeze %dma_start3A_43 : memref<1x10000x128xf32, #tpu.memory_space<hbm>> -> memref<10000x128xf32, #tpu.memory_space<hbm>>
      %dma_start3A_45 = arith.constant 0 : i32
      %dma_start3A_46 = tpu.memref_slice %dma_start3A_44[%mul3A_7, %dma_start3A_45] : memref<10000x128xf32, #tpu.memory_space<hbm>> -> memref<624x128xf32, #tpu.memory_space<hbm>>
      %dma_start3A_47 = arith.constant 0 : i32
      %dma_start3A_48 = tpu.memref_slice %arg9[%mul3A_7, %dma_start3A_47] : memref<10000x128xf32, #tpu.memory_space<vmem_shared>> -> memref<624x128xf32, #tpu.memory_space<vmem_shared>>
      tpu.enqueue_dma source(%dma_start3A_48 : memref<624x128xf32, #tpu.memory_space<vmem_shared>>) target(%dma_start3A_46 : memref<624x128xf32, #tpu.memory_space<hbm>>) target_semaphore(%run_scoped3A : memref<!tpu.dma_semaphore, #tpu.memory_space<semaphore_mem>>)
      %dma_wait3A = arith.constant 0 : i32
      %dma_wait3A_49 = arith.constant 0 : i32
      %dma_wait3A_50 = tpu.memref_slice %arg5[%arg0, %dma_wait3A, %dma_wait3A_49] : memref<2x10000x128xf32, #tpu.memory_space<hbm>> -> memref<1x10000x128xf32, #tpu.memory_space<hbm>>
      %dma_wait3A_51 = tpu.memref_squeeze %dma_wait3A_50 : memref<1x10000x128xf32, #tpu.memory_space<hbm>> -> memref<10000x128xf32, #tpu.memory_space<hbm>>
      %dma_wait3A_52 = arith.constant 0 : i32
      %dma_wait3A_53 = tpu.memref_slice %dma_wait3A_51[%mul3A_7, %dma_wait3A_52] : memref<10000x128xf32, #tpu.memory_space<hbm>> -> memref<624x128xf32, #tpu.memory_space<hbm>>
      %dma_wait3A_54 = arith.constant 0 : i32
      %dma_wait3A_55 = tpu.memref_slice %arg9[%mul3A_7, %dma_wait3A_54] : memref<10000x128xf32, #tpu.memory_space<vmem_shared>> -> memref<624x128xf32, #tpu.memory_space<vmem_shared>>
      tpu.wait_dma2 semaphore(%run_scoped3A : memref<!tpu.dma_semaphore, #tpu.memory_space<semaphore_mem>>) src(%dma_wait3A_55 : memref<624x128xf32, #tpu.memory_space<vmem_shared>>) dst(%dma_wait3A_53 : memref<624x128xf32, #tpu.memory_space<hbm>>)
      tpu.yield
    }) : () -> ()
    %eq3A_37 = arith.constant 15 : i32
    %eq3A_38 = arith.cmpi eq, %arg1, %eq3A_37 : i32
    %convert_element_type3A_39 = arith.extui %eq3A_38 : i1 to i32
    %cond3A_40 = arith.constant 0 : i32
    %cond3A_41 = arith.cmpi ne, %convert_element_type3A_39, %cond3A_40 : i32
    scf.if %cond3A_41 {
      "tpu.region"() ({
        %run_scoped3A = tpu.sem_alloc : memref<!tpu.dma_semaphore, #tpu.memory_space<semaphore_mem>>
        %dma_start3A = arith.constant 0 : i32
        %dma_start3A_42 = arith.constant 0 : i32
        %dma_start3A_43 = tpu.memref_slice %arg5[%arg0, %dma_start3A, %dma_start3A_42] : memref<2x10000x128xf32, #tpu.memory_space<hbm>> -> memref<1x10000x128xf32, #tpu.memory_space<hbm>>
        %dma_start3A_44 = tpu.memref_squeeze %dma_start3A_43 : memref<1x10000x128xf32, #tpu.memory_space<hbm>> -> memref<10000x128xf32, #tpu.memory_space<hbm>>
        %dma_start3A_45 = arith.constant 9984 : i32
        %dma_start3A_46 = arith.constant 0 : i32
        %dma_start3A_47 = tpu.memref_slice %dma_start3A_44[%dma_start3A_45, %dma_start3A_46] : memref<10000x128xf32, #tpu.memory_space<hbm>> -> memref<16x128xf32, #tpu.memory_space<hbm>>
        %dma_start3A_48 = arith.constant 9984 : i32
        %dma_start3A_49 = arith.constant 0 : i32
        %dma_start3A_50 = tpu.memref_slice %arg9[%dma_start3A_48, %dma_start3A_49] : memref<10000x128xf32, #tpu.memory_space<vmem_shared>> -> memref<16x128xf32, #tpu.memory_space<vmem_shared>>
        tpu.enqueue_dma source(%dma_start3A_50 : memref<16x128xf32, #tpu.memory_space<vmem_shared>>) target(%dma_start3A_47 : memref<16x128xf32, #tpu.memory_space<hbm>>) target_semaphore(%run_scoped3A : memref<!tpu.dma_semaphore, #tpu.memory_space<semaphore_mem>>)
        %dma_wait3A = arith.constant 0 : i32
        %dma_wait3A_51 = arith.constant 0 : i32
        %dma_wait3A_52 = tpu.memref_slice %arg5[%arg0, %dma_wait3A, %dma_wait3A_51] : memref<2x10000x128xf32, #tpu.memory_space<hbm>> -> memref<1x10000x128xf32, #tpu.memory_space<hbm>>
        %dma_wait3A_53 = tpu.memref_squeeze %dma_wait3A_52 : memref<1x10000x128xf32, #tpu.memory_space<hbm>> -> memref<10000x128xf32, #tpu.memory_space<hbm>>
        %dma_wait3A_54 = arith.constant 9984 : i32
        %dma_wait3A_55 = arith.constant 0 : i32
        %dma_wait3A_56 = tpu.memref_slice %dma_wait3A_53[%dma_wait3A_54, %dma_wait3A_55] : memref<10000x128xf32, #tpu.memory_space<hbm>> -> memref<16x128xf32, #tpu.memory_space<hbm>>
        %dma_wait3A_57 = arith.constant 9984 : i32
        %dma_wait3A_58 = arith.constant 0 : i32
        %dma_wait3A_59 = tpu.memref_slice %arg9[%dma_wait3A_57, %dma_wait3A_58] : memref<10000x128xf32, #tpu.memory_space<vmem_shared>> -> memref<16x128xf32, #tpu.memory_space<vmem_shared>>
        tpu.wait_dma2 semaphore(%run_scoped3A : memref<!tpu.dma_semaphore, #tpu.memory_space<semaphore_mem>>) src(%dma_wait3A_59 : memref<16x128xf32, #tpu.memory_space<vmem_shared>>) dst(%dma_wait3A_56 : memref<16x128xf32, #tpu.memory_space<hbm>>)
        tpu.yield
      }) : () -> ()
    } else {
    }
    return
  }
}

#map = affine_map<(d0, d1) -> (0, 0)>
#map1 = affine_map<(d0, d1) -> (0, 0, 0)>
#map2 = affine_map<(d0, d1) -> (0)>
module attributes {stable_mosaic.version = 14 : i64} {
  func.func @body(%arg0: i32, %arg1: i32, %arg2: memref<10000x128xf32, #tpu.memory_space<hbm>>, %arg3: memref<10000x32xi32, #tpu.memory_space<hbm>>, %arg4: memref<10000x32xi32, #tpu.memory_space<hbm>>, %arg5: memref<2x10000x128xf32, #tpu.memory_space<hbm>>, %arg6: memref<320000xf32, #tpu.memory_space<hbm>>, %arg7: memref<40x32xi32, #tpu.memory_space<vmem>>, %arg8: memref<40x32xi32, #tpu.memory_space<vmem>>, %arg9: memref<40x32xi32, #tpu.memory_space<vmem>>, %arg10: memref<40x32xi32, #tpu.memory_space<vmem>>, %arg11: memref<8x128xf32, #tpu.memory_space<vmem>>, %arg12: memref<10000x128xf32, #tpu.memory_space<vmem_shared>>, %arg13: memref<32x128xf32, #tpu.memory_space<vmem>>, %arg14: memref<32x128xf32, #tpu.memory_space<vmem>>, %arg15: memref<32x128xf32, #tpu.memory_space<vmem>>, %arg16: memref<32x128xf32, #tpu.memory_space<vmem>>, %arg17: memref<!tpu.dma_semaphore, #tpu.memory_space<semaphore_mem>>, %arg18: memref<!tpu.dma_semaphore, #tpu.memory_space<semaphore_mem>>, %arg19: memref<!tpu.dma_semaphore, #tpu.memory_space<semaphore_mem>>, %arg20: memref<!tpu.dma_semaphore, #tpu.memory_space<semaphore_mem>>, %arg21: memref<!tpu.dma_semaphore, #tpu.memory_space<semaphore_mem>>, %arg22: memref<!tpu.dma_semaphore, #tpu.memory_space<semaphore_mem>>, %arg23: memref<!tpu.dma_semaphore, #tpu.memory_space<semaphore_mem>>, %arg24: memref<!tpu.dma_semaphore, #tpu.memory_space<semaphore_mem>>, %arg25: memref<!tpu.dma_semaphore, #tpu.memory_space<semaphore_mem>>, %arg26: memref<!tpu.dma_semaphore, #tpu.memory_space<semaphore_mem>>, %arg27: memref<!tpu.dma_semaphore, #tpu.memory_space<semaphore_mem>>, %arg28: memref<10000xf32, #tpu.memory_space<vmem>>) attributes {dimension_semantics = [#tpu.dimension_semantics<core_parallel>, #tpu.dimension_semantics<subcore_parallel>], iteration_bounds = array<i64: 2, 16>, scalar_prefetch = 0 : i64, scratch_operands = 22 : i64, tpu.core_type = #tpu.core_type<sc_vector_subcore>, window_params = [{transform_indices = #map}, {transform_indices = #map}, {transform_indices = #map}, {transform_indices = #map1}, {transform_indices = #map2}]} {
    %broadcast_in_dim3A = arith.constant 0.000000e+00 : f32
    %broadcast_in_dim3A_0 = vector.broadcast %broadcast_in_dim3A : f32 to vector<16xf32>
    %broadcast_in_dim3A_1 = arith.constant 1.000000e+00 : f32
    %broadcast_in_dim3A_2 = vector.broadcast %broadcast_in_dim3A_1 : f32 to vector<16xf32>
    %scan3A = arith.constant 0 : i32
    %scan3A_3 = arith.constant 8 : i32
    %scan3A_4 = arith.addi %scan3A, %scan3A_3 : i32
    %scan3A_5 = arith.constant 1 : i32
    scf.for %scan3A_54 = %scan3A to %scan3A_4 step %scan3A_5  : i32 {
      %mul3A_55 = arith.constant 1 : i32
      %mul3A_56 = arith.muli %scan3A_54, %mul3A_55 : i32
      %add3A_57 = arith.constant 0 : i32
      %add3A_58 = arith.addi %add3A_57, %mul3A_56 : i32
      %scan3A_59 = arith.constant 0 : i32
      %scan3A_60 = arith.constant 8 : i32
      %scan3A_61 = arith.addi %scan3A_59, %scan3A_60 : i32
      %scan3A_62 = arith.constant 1 : i32
      scf.for %scan3A_64 = %scan3A_59 to %scan3A_61 step %scan3A_62  : i32 {
        %mul3A_65 = arith.constant 16 : i32
        %mul3A_66 = arith.muli %scan3A_64, %mul3A_65 : i32
        %add3A_67 = arith.constant 0 : i32
        %add3A_68 = arith.addi %add3A_67, %mul3A_66 : i32
        %swap3A = arith.index_cast %add3A_58 : i32 to index
        %swap3A_69 = arith.index_cast %add3A_68 : i32 to index
        %swap3A_70 = tpu.vector_load %arg11[%swap3A, %swap3A_69] {strides = array<i32>} : memref<8x128xf32, #tpu.memory_space<vmem>>, vector<16xf32>,
        tpu.vector_store %arg11[%swap3A, %swap3A_69], %broadcast_in_dim3A_0 {strides = array<i32>} : memref<8x128xf32, #tpu.memory_space<vmem>>, vector<16xf32>,
      }
      %scan3A_63 = arith.constant 8 : i32
    }
    %scan3A_6 = arith.constant 8 : i32
    %mul3A = arith.constant 624 : i32
    %mul3A_7 = arith.muli %arg1, %mul3A : i32
    %scan3A_8 = arith.constant 0 : i32
    %scan3A_9 = arith.constant 78 : i32
    %scan3A_10 = arith.addi %scan3A_8, %scan3A_9 : i32
    %scan3A_11 = arith.constant 1 : i32
    scf.for %scan3A_54 = %scan3A_8 to %scan3A_10 step %scan3A_11  : i32 {
      %mul3A_55 = arith.constant 8 : i32
      %mul3A_56 = arith.muli %scan3A_54, %mul3A_55 : i32
      %add3A_57 = arith.constant 0 : i32
      %add3A_58 = arith.addi %add3A_57, %mul3A_56 : i32
      %add3A_59 = arith.addi %mul3A_7, %add3A_58 : i32
      %dma_start3A_60 = arith.constant 0 : i32
      %dma_start3A_61 = tpu.memref_slice %arg12[%add3A_59, %dma_start3A_60] : memref<10000x128xf32, #tpu.memory_space<vmem_shared>> -> memref<8x128xf32, #tpu.memory_space<vmem_shared>>
      %dma_start3A_62 = arith.constant 0 : i32
      %dma_start3A_63 = tpu.memref_slice %arg12[%add3A_59, %dma_start3A_62] : memref<10000x128xf32, #tpu.memory_space<vmem_shared>> -> memref<8x128xf32, #tpu.memory_space<vmem_shared>>
      tpu.enqueue_dma source(%arg11 : memref<8x128xf32, #tpu.memory_space<vmem>>) target(%dma_start3A_63 : memref<8x128xf32, #tpu.memory_space<vmem_shared>>) target_semaphore(%arg25 : memref<!tpu.dma_semaphore, #tpu.memory_space<semaphore_mem>>)
    }
    %scan3A_12 = arith.constant 78 : i32
    %scan3A_13 = arith.constant 0 : i32
    %scan3A_14 = arith.constant 78 : i32
    %scan3A_15 = arith.addi %scan3A_13, %scan3A_14 : i32
    %scan3A_16 = arith.constant 1 : i32
    scf.for %scan3A_54 = %scan3A_13 to %scan3A_15 step %scan3A_16  : i32 {
      %mul3A_55 = arith.constant 8 : i32
      %mul3A_56 = arith.muli %scan3A_54, %mul3A_55 : i32
      %add3A_57 = arith.constant 0 : i32
      %add3A_58 = arith.addi %add3A_57, %mul3A_56 : i32
      %dma_wait3A = arith.constant 0 : i32
      %dma_wait3A_59 = tpu.memref_slice %arg12[%mul3A_7, %dma_wait3A] : memref<10000x128xf32, #tpu.memory_space<vmem_shared>> -> memref<8x128xf32, #tpu.memory_space<vmem_shared>>
      %dma_wait3A_60 = arith.constant 0 : i32
      %dma_wait3A_61 = tpu.memref_slice %arg12[%mul3A_7, %dma_wait3A_60] : memref<10000x128xf32, #tpu.memory_space<vmem_shared>> -> memref<8x128xf32, #tpu.memory_space<vmem_shared>>
      tpu.wait_dma2 semaphore(%arg25 : memref<!tpu.dma_semaphore, #tpu.memory_space<semaphore_mem>>) src(%arg11 : memref<8x128xf32, #tpu.memory_space<vmem>>) dst(%dma_wait3A_61 : memref<8x128xf32, #tpu.memory_space<vmem_shared>>)
    }
    %scan3A_17 = arith.constant 78 : i32
    %eq3A = arith.constant 15 : i32
    %eq3A_18 = arith.cmpi eq, %arg1, %eq3A : i32
    %convert_element_type3A = arith.extui %eq3A_18 : i1 to i32
    %cond3A = arith.constant 0 : i32
    %cond3A_19 = arith.cmpi ne, %convert_element_type3A, %cond3A : i32
    scf.if %cond3A_19 {
      %scan3A_54 = arith.constant 0 : i32
      %scan3A_55 = arith.constant 2 : i32
      %scan3A_56 = arith.addi %scan3A_54, %scan3A_55 : i32
      %scan3A_57 = arith.constant 1 : i32
      scf.for %scan3A_59 = %scan3A_54 to %scan3A_56 step %scan3A_57  : i32 {
        %mul3A_60 = arith.constant 8 : i32
        %mul3A_61 = arith.muli %scan3A_59, %mul3A_60 : i32
        %add3A_62 = arith.constant 0 : i32
        %add3A_63 = arith.addi %add3A_62, %mul3A_61 : i32
        %add3A_64 = arith.constant 9984 : i32
        %add3A_65 = arith.addi %add3A_64, %add3A_63 : i32
        "tpu.region"() ({
          %run_scoped3A = tpu.sem_alloc : memref<!tpu.dma_semaphore, #tpu.memory_space<semaphore_mem>>
          %dma_start3A_66 = arith.constant 0 : i32
          %dma_start3A_67 = tpu.memref_slice %arg12[%add3A_65, %dma_start3A_66] : memref<10000x128xf32, #tpu.memory_space<vmem_shared>> -> memref<8x128xf32, #tpu.memory_space<vmem_shared>>
          %dma_start3A_68 = arith.constant 0 : i32
          %dma_start3A_69 = tpu.memref_slice %arg12[%add3A_65, %dma_start3A_68] : memref<10000x128xf32, #tpu.memory_space<vmem_shared>> -> memref<8x128xf32, #tpu.memory_space<vmem_shared>>
          tpu.enqueue_dma source(%arg11 : memref<8x128xf32, #tpu.memory_space<vmem>>) target(%dma_start3A_69 : memref<8x128xf32, #tpu.memory_space<vmem_shared>>) target_semaphore(%run_scoped3A : memref<!tpu.dma_semaphore, #tpu.memory_space<semaphore_mem>>)
          %dma_wait3A = arith.constant 0 : i32
          %dma_wait3A_70 = tpu.memref_slice %arg12[%add3A_65, %dma_wait3A] : memref<10000x128xf32, #tpu.memory_space<vmem_shared>> -> memref<8x128xf32, #tpu.memory_space<vmem_shared>>
          %dma_wait3A_71 = arith.constant 0 : i32
          %dma_wait3A_72 = tpu.memref_slice %arg12[%add3A_65, %dma_wait3A_71] : memref<10000x128xf32, #tpu.memory_space<vmem_shared>> -> memref<8x128xf32, #tpu.memory_space<vmem_shared>>
          tpu.wait_dma2 semaphore(%run_scoped3A : memref<!tpu.dma_semaphore, #tpu.memory_space<semaphore_mem>>) src(%arg11 : memref<8x128xf32, #tpu.memory_space<vmem>>) dst(%dma_wait3A_72 : memref<8x128xf32, #tpu.memory_space<vmem_shared>>)
          tpu.yield
        }) : () -> ()
      }
      %scan3A_58 = arith.constant 2 : i32
    } else {
    }
    %scan3A_20 = arith.constant 0 : i32
    %scan3A_21 = arith.constant 625 : i32
    %scan3A_22 = arith.addi %scan3A_20, %scan3A_21 : i32
    %scan3A_23 = arith.constant 1 : i32
    scf.for %scan3A_54 = %scan3A_20 to %scan3A_22 step %scan3A_23  : i32 {
      %mul3A_55 = arith.constant 16 : i32
      %mul3A_56 = arith.muli %scan3A_54, %mul3A_55 : i32
      %add3A_57 = arith.constant 0 : i32
      %add3A_58 = arith.addi %add3A_57, %mul3A_56 : i32
      %swap3A = arith.index_cast %add3A_58 : i32 to index
      %swap3A_59 = tpu.vector_load %arg28[%swap3A] {strides = array<i32>} : memref<10000xf32, #tpu.memory_space<vmem>>, vector<16xf32>,
      tpu.vector_store %arg28[%swap3A], %broadcast_in_dim3A_0 {strides = array<i32>} : memref<10000xf32, #tpu.memory_space<vmem>>, vector<16xf32>,
    }
    %scan3A_24 = arith.constant 625 : i32
    %barrier3A = arith.constant 0 : index
    tpu.barrier barrier_id(%barrier3A)
    %mul3A_25 = arith.constant 2 : i32
    %mul3A_26 = arith.muli %arg1, %mul3A_25 : i32
    %add3A = arith.addi %mul3A_26, %arg0 : i32
    %mul3A_27 = arith.constant 10000 : i32
    %mul3A_28 = arith.muli %arg0, %mul3A_27 : i32
    %mul3A_29 = arith.constant 40 : i32
    %mul3A_30 = arith.muli %add3A, %mul3A_29 : i32
    %dma_start3A = arith.constant 0 : i32
    %dma_start3A_31 = tpu.memref_slice %arg3[%mul3A_30, %dma_start3A] : memref<10000x32xi32, #tpu.memory_space<hbm>> -> memref<40x32xi32, #tpu.memory_space<hbm>>
    %dma_start3A_32 = arith.constant 0 : i32
    %dma_start3A_33 = tpu.memref_slice %arg3[%mul3A_30, %dma_start3A_32] : memref<10000x32xi32, #tpu.memory_space<hbm>> -> memref<40x32xi32, #tpu.memory_space<hbm>>
    tpu.enqueue_dma source(%dma_start3A_33 : memref<40x32xi32, #tpu.memory_space<hbm>>) target(%arg7 : memref<40x32xi32, #tpu.memory_space<vmem>>) target_semaphore(%arg26 : memref<!tpu.dma_semaphore, #tpu.memory_space<semaphore_mem>>)
    %dma_start3A_34 = arith.constant 0 : i32
    %dma_start3A_35 = tpu.memref_slice %arg4[%mul3A_30, %dma_start3A_34] : memref<10000x32xi32, #tpu.memory_space<hbm>> -> memref<40x32xi32, #tpu.memory_space<hbm>>
    %dma_start3A_36 = arith.constant 0 : i32
    %dma_start3A_37 = tpu.memref_slice %arg4[%mul3A_30, %dma_start3A_36] : memref<10000x32xi32, #tpu.memory_space<hbm>> -> memref<40x32xi32, #tpu.memory_space<hbm>>
    tpu.enqueue_dma source(%dma_start3A_37 : memref<40x32xi32, #tpu.memory_space<hbm>>) target(%arg8 : memref<40x32xi32, #tpu.memory_space<vmem>>) target_semaphore(%arg26 : memref<!tpu.dma_semaphore, #tpu.memory_space<semaphore_mem>>)
    %scan3A_38 = arith.constant 0 : i32
    %scan3A_39 = arith.constant 4 : i32
    %scan3A_40 = arith.addi %scan3A_38, %scan3A_39 : i32
    %scan3A_41 = arith.constant 1 : i32
    scf.for %scan3A_54 = %scan3A_38 to %scan3A_40 step %scan3A_41  : i32 {
      %mul3A_55 = arith.constant 1 : i32
      %mul3A_56 = arith.muli %scan3A_54, %mul3A_55 : i32
      %add3A_57 = arith.constant 0 : i32
      %add3A_58 = arith.addi %add3A_57, %mul3A_56 : i32
      %mul3A_59 = arith.constant 2 : i32
      %mul3A_60 = arith.muli %mul3A_59, %add3A_58 : i32
      %add3A_61 = arith.constant 0 : i32
      %add3A_62 = arith.addi %mul3A_60, %add3A_61 : i32
      %mul3A_63 = arith.constant 32 : i32
      %mul3A_64 = arith.muli %add3A_62, %mul3A_63 : i32
      %add3A_65 = arith.addi %add3A, %mul3A_64 : i32
      %lt3A = arith.constant 250 : i32
      %lt3A_66 = arith.cmpi slt, %add3A_65, %lt3A : i32
      %convert_element_type3A_67 = arith.extui %lt3A_66 : i1 to i32
      %cond3A_68 = arith.constant 0 : i32
      %cond3A_69 = arith.cmpi ne, %convert_element_type3A_67, %cond3A_68 : i32
      scf.if %cond3A_69 {
        %dma_wait3A = arith.constant 0 : i32
        %dma_wait3A_82 = arith.constant 0 : i32
        %dma_wait3A_83 = tpu.memref_slice %arg3[%dma_wait3A, %dma_wait3A_82] : memref<10000x32xi32, #tpu.memory_space<hbm>> -> memref<40x32xi32, #tpu.memory_space<hbm>>
        %dma_wait3A_84 = arith.constant 0 : i32
        %dma_wait3A_85 = arith.constant 0 : i32
        %dma_wait3A_86 = tpu.memref_slice %arg3[%dma_wait3A_84, %dma_wait3A_85] : memref<10000x32xi32, #tpu.memory_space<hbm>> -> memref<40x32xi32, #tpu.memory_space<hbm>>
        tpu.wait_dma2 semaphore(%arg26 : memref<!tpu.dma_semaphore, #tpu.memory_space<semaphore_mem>>) src(%dma_wait3A_86 : memref<40x32xi32, #tpu.memory_space<hbm>>) dst(%arg7 : memref<40x32xi32, #tpu.memory_space<vmem>>)
        %dma_wait3A_87 = arith.constant 0 : i32
        %dma_wait3A_88 = arith.constant 0 : i32
        %dma_wait3A_89 = tpu.memref_slice %arg4[%dma_wait3A_87, %dma_wait3A_88] : memref<10000x32xi32, #tpu.memory_space<hbm>> -> memref<40x32xi32, #tpu.memory_space<hbm>>
        %dma_wait3A_90 = arith.constant 0 : i32
        %dma_wait3A_91 = arith.constant 0 : i32
        %dma_wait3A_92 = tpu.memref_slice %arg4[%dma_wait3A_90, %dma_wait3A_91] : memref<10000x32xi32, #tpu.memory_space<hbm>> -> memref<40x32xi32, #tpu.memory_space<hbm>>
        tpu.wait_dma2 semaphore(%arg26 : memref<!tpu.dma_semaphore, #tpu.memory_space<semaphore_mem>>) src(%dma_wait3A_92 : memref<40x32xi32, #tpu.memory_space<hbm>>) dst(%arg8 : memref<40x32xi32, #tpu.memory_space<vmem>>)
        %add3A_93 = arith.constant 32 : i32
        %add3A_94 = arith.addi %add3A_65, %add3A_93 : i32
        %lt3A_95 = arith.constant 250 : i32
        %lt3A_96 = arith.cmpi slt, %add3A_94, %lt3A_95 : i32
        %convert_element_type3A_97 = arith.extui %lt3A_96 : i1 to i32
        %cond3A_98 = arith.constant 0 : i32
        %cond3A_99 = arith.cmpi ne, %convert_element_type3A_97, %cond3A_98 : i32
        scf.if %cond3A_99 {
          %add3A_161 = arith.constant 32 : i32
          %add3A_162 = arith.addi %add3A_65, %add3A_161 : i32
          %mul3A_163 = arith.constant 40 : i32
          %mul3A_164 = arith.muli %add3A_162, %mul3A_163 : i32
          %dma_start3A_165 = arith.constant 0 : i32
          %dma_start3A_166 = tpu.memref_slice %arg3[%mul3A_164, %dma_start3A_165] : memref<10000x32xi32, #tpu.memory_space<hbm>> -> memref<40x32xi32, #tpu.memory_space<hbm>>
          %dma_start3A_167 = arith.constant 0 : i32
          %dma_start3A_168 = tpu.memref_slice %arg3[%mul3A_164, %dma_start3A_167] : memref<10000x32xi32, #tpu.memory_space<hbm>> -> memref<40x32xi32, #tpu.memory_space<hbm>>
          tpu.enqueue_dma source(%dma_start3A_168 : memref<40x32xi32, #tpu.memory_space<hbm>>) target(%arg9 : memref<40x32xi32, #tpu.memory_space<vmem>>) target_semaphore(%arg27 : memref<!tpu.dma_semaphore, #tpu.memory_space<semaphore_mem>>)
          %dma_start3A_169 = arith.constant 0 : i32
          %dma_start3A_170 = tpu.memref_slice %arg4[%mul3A_164, %dma_start3A_169] : memref<10000x32xi32, #tpu.memory_space<hbm>> -> memref<40x32xi32, #tpu.memory_space<hbm>>
          %dma_start3A_171 = arith.constant 0 : i32
          %dma_start3A_172 = tpu.memref_slice %arg4[%mul3A_164, %dma_start3A_171] : memref<10000x32xi32, #tpu.memory_space<hbm>> -> memref<40x32xi32, #tpu.memory_space<hbm>>
          tpu.enqueue_dma source(%dma_start3A_172 : memref<40x32xi32, #tpu.memory_space<hbm>>) target(%arg10 : memref<40x32xi32, #tpu.memory_space<vmem>>) target_semaphore(%arg27 : memref<!tpu.dma_semaphore, #tpu.memory_space<semaphore_mem>>)
        } else {
        }
        %dma_start3A_100 = arith.constant 0 : i32
        %dma_start3A_101 = arith.constant 0 : i32
        %dma_start3A_102 = tpu.memref_slice %arg7[%dma_start3A_100, %dma_start3A_101] : memref<40x32xi32, #tpu.memory_space<vmem>> -> memref<1x32xi32, #tpu.memory_space<vmem>>
        %dma_start3A_103 = tpu.memref_squeeze %dma_start3A_102 : memref<1x32xi32, #tpu.memory_space<vmem>> -> memref<32xi32, #tpu.memory_space<vmem>>
        %dma_start3A_104 = arith.constant 0 : i32
        %dma_start3A_105 = arith.constant 0 : i32
        %dma_start3A_106 = tpu.memref_slice %arg2[%dma_start3A_104, %dma_start3A_105] : memref<10000x128xf32, #tpu.memory_space<hbm>> -> memref<10000x128xf32, #tpu.memory_space<hbm>>
        tpu.enqueue_indirect_dma source(%dma_start3A_106 : memref<10000x128xf32, #tpu.memory_space<hbm>>) target(%arg13 : memref<32x128xf32, #tpu.memory_space<vmem>>) offsets(%dma_start3A_103 : memref<32xi32, #tpu.memory_space<vmem>>) semaphore(%arg17 : memref<!tpu.dma_semaphore, #tpu.memory_space<semaphore_mem>>)
        %dma_start3A_107 = arith.constant 1 : i32
        %dma_start3A_108 = arith.constant 0 : i32
        %dma_start3A_109 = tpu.memref_slice %arg7[%dma_start3A_107, %dma_start3A_108] : memref<40x32xi32, #tpu.memory_space<vmem>> -> memref<1x32xi32, #tpu.memory_space<vmem>>
        %dma_start3A_110 = tpu.memref_squeeze %dma_start3A_109 : memref<1x32xi32, #tpu.memory_space<vmem>> -> memref<32xi32, #tpu.memory_space<vmem>>
        %dma_start3A_111 = arith.constant 0 : i32
        %dma_start3A_112 = arith.constant 0 : i32
        %dma_start3A_113 = tpu.memref_slice %arg2[%dma_start3A_111, %dma_start3A_112] : memref<10000x128xf32, #tpu.memory_space<hbm>> -> memref<10000x128xf32, #tpu.memory_space<hbm>>
        tpu.enqueue_indirect_dma source(%dma_start3A_113 : memref<10000x128xf32, #tpu.memory_space<hbm>>) target(%arg14 : memref<32x128xf32, #tpu.memory_space<vmem>>) offsets(%dma_start3A_110 : memref<32xi32, #tpu.memory_space<vmem>>) semaphore(%arg18 : memref<!tpu.dma_semaphore, #tpu.memory_space<semaphore_mem>>)
        %dma_start3A_114 = arith.constant 2 : i32
        %dma_start3A_115 = arith.constant 0 : i32
        %dma_start3A_116 = tpu.memref_slice %arg7[%dma_start3A_114, %dma_start3A_115] : memref<40x32xi32, #tpu.memory_space<vmem>> -> memref<1x32xi32, #tpu.memory_space<vmem>>
        %dma_start3A_117 = tpu.memref_squeeze %dma_start3A_116 : memref<1x32xi32, #tpu.memory_space<vmem>> -> memref<32xi32, #tpu.memory_space<vmem>>
        %dma_start3A_118 = arith.constant 0 : i32
        %dma_start3A_119 = arith.constant 0 : i32
        %dma_start3A_120 = tpu.memref_slice %arg2[%dma_start3A_118, %dma_start3A_119] : memref<10000x128xf32, #tpu.memory_space<hbm>> -> memref<10000x128xf32, #tpu.memory_space<hbm>>
        tpu.enqueue_indirect_dma source(%dma_start3A_120 : memref<10000x128xf32, #tpu.memory_space<hbm>>) target(%arg15 : memref<32x128xf32, #tpu.memory_space<vmem>>) offsets(%dma_start3A_117 : memref<32xi32, #tpu.memory_space<vmem>>) semaphore(%arg19 : memref<!tpu.dma_semaphore, #tpu.memory_space<semaphore_mem>>)
        %dma_start3A_121 = arith.constant 3 : i32
        %dma_start3A_122 = arith.constant 0 : i32
        %dma_start3A_123 = tpu.memref_slice %arg7[%dma_start3A_121, %dma_start3A_122] : memref<40x32xi32, #tpu.memory_space<vmem>> -> memref<1x32xi32, #tpu.memory_space<vmem>>
        %dma_start3A_124 = tpu.memref_squeeze %dma_start3A_123 : memref<1x32xi32, #tpu.memory_space<vmem>> -> memref<32xi32, #tpu.memory_space<vmem>>
        %dma_start3A_125 = arith.constant 0 : i32
        %dma_start3A_126 = arith.constant 0 : i32
        %dma_start3A_127 = tpu.memref_slice %arg2[%dma_start3A_125, %dma_start3A_126] : memref<10000x128xf32, #tpu.memory_space<hbm>> -> memref<10000x128xf32, #tpu.memory_space<hbm>>
        tpu.enqueue_indirect_dma source(%dma_start3A_127 : memref<10000x128xf32, #tpu.memory_space<hbm>>) target(%arg16 : memref<32x128xf32, #tpu.memory_space<vmem>>) offsets(%dma_start3A_124 : memref<32xi32, #tpu.memory_space<vmem>>) semaphore(%arg20 : memref<!tpu.dma_semaphore, #tpu.memory_space<semaphore_mem>>)
        %scan3A_128 = arith.constant 0 : i32
        %scan3A_129 = arith.constant 10 : i32
        %scan3A_130 = arith.addi %scan3A_128, %scan3A_129 : i32
        %scan3A_131 = arith.constant 1 : i32
        scf.for %scan3A_161 = %scan3A_128 to %scan3A_130 step %scan3A_131  : i32 {
          %mul3A_162 = arith.constant 4 : i32
          %mul3A_163 = arith.muli %scan3A_161, %mul3A_162 : i32
          %add3A_164 = arith.constant 0 : i32
          %add3A_165 = arith.addi %add3A_164, %mul3A_163 : i32
          %dma_wait3A_166 = arith.constant 0 : i32
          %dma_wait3A_167 = arith.constant 0 : i32
          %dma_wait3A_168 = tpu.memref_slice %arg7[%dma_wait3A_166, %dma_wait3A_167] : memref<40x32xi32, #tpu.memory_space<vmem>> -> memref<1x32xi32, #tpu.memory_space<vmem>>
          %dma_wait3A_169 = tpu.memref_squeeze %dma_wait3A_168 : memref<1x32xi32, #tpu.memory_space<vmem>> -> memref<32xi32, #tpu.memory_space<vmem>>
          %dma_wait3A_170 = arith.constant 0 : i32
          %dma_wait3A_171 = arith.constant 0 : i32
          %dma_wait3A_172 = tpu.memref_slice %arg2[%dma_wait3A_170, %dma_wait3A_171] : memref<10000x128xf32, #tpu.memory_space<hbm>> -> memref<10000x128xf32, #tpu.memory_space<hbm>>
          tpu.wait_indirect_dma semaphore(%arg17 : memref<!tpu.dma_semaphore, #tpu.memory_space<semaphore_mem>>) src(%dma_wait3A_172 : memref<10000x128xf32, #tpu.memory_space<hbm>>) dst(%arg13 : memref<32x128xf32, #tpu.memory_space<vmem>>)
          %add3A_173 = arith.constant 0 : i32
          %add3A_174 = arith.addi %add3A_165, %add3A_173 : i32
          %dma_start3A_175 = arith.constant 0 : i32
          %dma_start3A_176 = tpu.memref_slice %arg8[%add3A_174, %dma_start3A_175] : memref<40x32xi32, #tpu.memory_space<vmem>> -> memref<1x32xi32, #tpu.memory_space<vmem>>
          %dma_start3A_177 = tpu.memref_squeeze %dma_start3A_176 : memref<1x32xi32, #tpu.memory_space<vmem>> -> memref<32xi32, #tpu.memory_space<vmem>>
          %dma_start3A_178 = arith.constant 0 : i32
          %dma_start3A_179 = arith.constant 0 : i32
          %dma_start3A_180 = tpu.memref_slice %arg12[%dma_start3A_178, %dma_start3A_179] : memref<10000x128xf32, #tpu.memory_space<vmem_shared>> -> memref<10000x128xf32, #tpu.memory_space<vmem_shared>>
          tpu.enqueue_indirect_dma source(%arg13 : memref<32x128xf32, #tpu.memory_space<vmem>>) target(%dma_start3A_180 : memref<10000x128xf32, #tpu.memory_space<vmem_shared>>) offsets(%dma_start3A_177 : memref<32xi32, #tpu.memory_space<vmem>>) semaphore(%arg21 : memref<!tpu.dma_semaphore, #tpu.memory_space<semaphore_mem>>) {add = true}
          %add3A_181 = arith.constant 0 : i32
          %add3A_182 = arith.addi %add3A_165, %add3A_181 : i32
          %scan3A_183 = arith.constant 0 : i32
          %scan3A_184 = arith.constant 2 : i32
          %scan3A_185 = arith.addi %scan3A_183, %scan3A_184 : i32
          %scan3A_186 = arith.constant 1 : i32
          scf.for %scan3A_290 = %scan3A_183 to %scan3A_185 step %scan3A_186  : i32 {
            %mul3A_291 = arith.constant 16 : i32
            %mul3A_292 = arith.muli %scan3A_290, %mul3A_291 : i32
            %add3A_293 = arith.constant 0 : i32
            %add3A_294 = arith.addi %add3A_293, %mul3A_292 : i32
            %get3A = arith.index_cast %add3A_182 : i32 to index
            %get3A_295 = arith.index_cast %add3A_294 : i32 to index
            %get3A_296 = tpu.vector_load %arg8[%get3A, %get3A_295] {strides = array<i32>} : memref<40x32xi32, #tpu.memory_space<vmem>>, vector<16xi32>,
            tpu.vector_store_idx %arg28[%get3A_296], %broadcast_in_dim3A_2 {add = true} : memref<10000xf32, #tpu.memory_space<vmem>>[vector<16xi32>], vector<16xf32>,
          }
          %scan3A_187 = arith.constant 2 : i32
          %dma_wait3A_188 = arith.constant 0 : i32
          %dma_wait3A_189 = arith.constant 0 : i32
          %dma_wait3A_190 = tpu.memref_slice %arg7[%dma_wait3A_188, %dma_wait3A_189] : memref<40x32xi32, #tpu.memory_space<vmem>> -> memref<1x32xi32, #tpu.memory_space<vmem>>
          %dma_wait3A_191 = tpu.memref_squeeze %dma_wait3A_190 : memref<1x32xi32, #tpu.memory_space<vmem>> -> memref<32xi32, #tpu.memory_space<vmem>>
          %dma_wait3A_192 = arith.constant 0 : i32
          %dma_wait3A_193 = arith.constant 0 : i32
          %dma_wait3A_194 = tpu.memref_slice %arg2[%dma_wait3A_192, %dma_wait3A_193] : memref<10000x128xf32, #tpu.memory_space<hbm>> -> memref<10000x128xf32, #tpu.memory_space<hbm>>
          tpu.wait_indirect_dma semaphore(%arg18 : memref<!tpu.dma_semaphore, #tpu.memory_space<semaphore_mem>>) src(%dma_wait3A_194 : memref<10000x128xf32, #tpu.memory_space<hbm>>) dst(%arg14 : memref<32x128xf32, #tpu.memory_space<vmem>>)
          %add3A_195 = arith.constant 1 : i32
          %add3A_196 = arith.addi %add3A_165, %add3A_195 : i32
          %dma_start3A_197 = arith.constant 0 : i32
          %dma_start3A_198 = tpu.memref_slice %arg8[%add3A_196, %dma_start3A_197] : memref<40x32xi32, #tpu.memory_space<vmem>> -> memref<1x32xi32, #tpu.memory_space<vmem>>
          %dma_start3A_199 = tpu.memref_squeeze %dma_start3A_198 : memref<1x32xi32, #tpu.memory_space<vmem>> -> memref<32xi32, #tpu.memory_space<vmem>>
          %dma_start3A_200 = arith.constant 0 : i32
          %dma_start3A_201 = arith.constant 0 : i32
          %dma_start3A_202 = tpu.memref_slice %arg12[%dma_start3A_200, %dma_start3A_201] : memref<10000x128xf32, #tpu.memory_space<vmem_shared>> -> memref<10000x128xf32, #tpu.memory_space<vmem_shared>>
          tpu.enqueue_indirect_dma source(%arg14 : memref<32x128xf32, #tpu.memory_space<vmem>>) target(%dma_start3A_202 : memref<10000x128xf32, #tpu.memory_space<vmem_shared>>) offsets(%dma_start3A_199 : memref<32xi32, #tpu.memory_space<vmem>>) semaphore(%arg22 : memref<!tpu.dma_semaphore, #tpu.memory_space<semaphore_mem>>) {add = true}
          %add3A_203 = arith.constant 1 : i32
          %add3A_204 = arith.addi %add3A_165, %add3A_203 : i32
          %scan3A_205 = arith.constant 0 : i32
          %scan3A_206 = arith.constant 2 : i32
          %scan3A_207 = arith.addi %scan3A_205, %scan3A_206 : i32
          %scan3A_208 = arith.constant 1 : i32
          scf.for %scan3A_290 = %scan3A_205 to %scan3A_207 step %scan3A_208  : i32 {
            %mul3A_291 = arith.constant 16 : i32
            %mul3A_292 = arith.muli %scan3A_290, %mul3A_291 : i32
            %add3A_293 = arith.constant 0 : i32
            %add3A_294 = arith.addi %add3A_293, %mul3A_292 : i32
            %get3A = arith.index_cast %add3A_204 : i32 to index
            %get3A_295 = arith.index_cast %add3A_294 : i32 to index
            %get3A_296 = tpu.vector_load %arg8[%get3A, %get3A_295] {strides = array<i32>} : memref<40x32xi32, #tpu.memory_space<vmem>>, vector<16xi32>,
            tpu.vector_store_idx %arg28[%get3A_296], %broadcast_in_dim3A_2 {add = true} : memref<10000xf32, #tpu.memory_space<vmem>>[vector<16xi32>], vector<16xf32>,
          }
          %scan3A_209 = arith.constant 2 : i32
          %dma_wait3A_210 = arith.constant 0 : i32
          %dma_wait3A_211 = arith.constant 0 : i32
          %dma_wait3A_212 = tpu.memref_slice %arg7[%dma_wait3A_210, %dma_wait3A_211] : memref<40x32xi32, #tpu.memory_space<vmem>> -> memref<1x32xi32, #tpu.memory_space<vmem>>
          %dma_wait3A_213 = tpu.memref_squeeze %dma_wait3A_212 : memref<1x32xi32, #tpu.memory_space<vmem>> -> memref<32xi32, #tpu.memory_space<vmem>>
          %dma_wait3A_214 = arith.constant 0 : i32
          %dma_wait3A_215 = arith.constant 0 : i32
          %dma_wait3A_216 = tpu.memref_slice %arg2[%dma_wait3A_214, %dma_wait3A_215] : memref<10000x128xf32, #tpu.memory_space<hbm>> -> memref<10000x128xf32, #tpu.memory_space<hbm>>
          tpu.wait_indirect_dma semaphore(%arg19 : memref<!tpu.dma_semaphore, #tpu.memory_space<semaphore_mem>>) src(%dma_wait3A_216 : memref<10000x128xf32, #tpu.memory_space<hbm>>) dst(%arg15 : memref<32x128xf32, #tpu.memory_space<vmem>>)
          %add3A_217 = arith.constant 2 : i32
          %add3A_218 = arith.addi %add3A_165, %add3A_217 : i32
          %dma_start3A_219 = arith.constant 0 : i32
          %dma_start3A_220 = tpu.memref_slice %arg8[%add3A_218, %dma_start3A_219] : memref<40x32xi32, #tpu.memory_space<vmem>> -> memref<1x32xi32, #tpu.memory_space<vmem>>
          %dma_start3A_221 = tpu.memref_squeeze %dma_start3A_220 : memref<1x32xi32, #tpu.memory_space<vmem>> -> memref<32xi32, #tpu.memory_space<vmem>>
          %dma_start3A_222 = arith.constant 0 : i32
          %dma_start3A_223 = arith.constant 0 : i32
          %dma_start3A_224 = tpu.memref_slice %arg12[%dma_start3A_222, %dma_start3A_223] : memref<10000x128xf32, #tpu.memory_space<vmem_shared>> -> memref<10000x128xf32, #tpu.memory_space<vmem_shared>>
          tpu.enqueue_indirect_dma source(%arg15 : memref<32x128xf32, #tpu.memory_space<vmem>>) target(%dma_start3A_224 : memref<10000x128xf32, #tpu.memory_space<vmem_shared>>) offsets(%dma_start3A_221 : memref<32xi32, #tpu.memory_space<vmem>>) semaphore(%arg23 : memref<!tpu.dma_semaphore, #tpu.memory_space<semaphore_mem>>) {add = true}
          %add3A_225 = arith.constant 2 : i32
          %add3A_226 = arith.addi %add3A_165, %add3A_225 : i32
          %scan3A_227 = arith.constant 0 : i32
          %scan3A_228 = arith.constant 2 : i32
          %scan3A_229 = arith.addi %scan3A_227, %scan3A_228 : i32
          %scan3A_230 = arith.constant 1 : i32
          scf.for %scan3A_290 = %scan3A_227 to %scan3A_229 step %scan3A_230  : i32 {
            %mul3A_291 = arith.constant 16 : i32
            %mul3A_292 = arith.muli %scan3A_290, %mul3A_291 : i32
            %add3A_293 = arith.constant 0 : i32
            %add3A_294 = arith.addi %add3A_293, %mul3A_292 : i32
            %get3A = arith.index_cast %add3A_226 : i32 to index
            %get3A_295 = arith.index_cast %add3A_294 : i32 to index
            %get3A_296 = tpu.vector_load %arg8[%get3A, %get3A_295] {strides = array<i32>} : memref<40x32xi32, #tpu.memory_space<vmem>>, vector<16xi32>,
            tpu.vector_store_idx %arg28[%get3A_296], %broadcast_in_dim3A_2 {add = true} : memref<10000xf32, #tpu.memory_space<vmem>>[vector<16xi32>], vector<16xf32>,
          }
          %scan3A_231 = arith.constant 2 : i32
          %dma_wait3A_232 = arith.constant 0 : i32
          %dma_wait3A_233 = arith.constant 0 : i32
          %dma_wait3A_234 = tpu.memref_slice %arg7[%dma_wait3A_232, %dma_wait3A_233] : memref<40x32xi32, #tpu.memory_space<vmem>> -> memref<1x32xi32, #tpu.memory_space<vmem>>
          %dma_wait3A_235 = tpu.memref_squeeze %dma_wait3A_234 : memref<1x32xi32, #tpu.memory_space<vmem>> -> memref<32xi32, #tpu.memory_space<vmem>>
          %dma_wait3A_236 = arith.constant 0 : i32
          %dma_wait3A_237 = arith.constant 0 : i32
          %dma_wait3A_238 = tpu.memref_slice %arg2[%dma_wait3A_236, %dma_wait3A_237] : memref<10000x128xf32, #tpu.memory_space<hbm>> -> memref<10000x128xf32, #tpu.memory_space<hbm>>
          tpu.wait_indirect_dma semaphore(%arg20 : memref<!tpu.dma_semaphore, #tpu.memory_space<semaphore_mem>>) src(%dma_wait3A_238 : memref<10000x128xf32, #tpu.memory_space<hbm>>) dst(%arg16 : memref<32x128xf32, #tpu.memory_space<vmem>>)
          %add3A_239 = arith.constant 3 : i32
          %add3A_240 = arith.addi %add3A_165, %add3A_239 : i32
          %dma_start3A_241 = arith.constant 0 : i32
          %dma_start3A_242 = tpu.memref_slice %arg8[%add3A_240, %dma_start3A_241] : memref<40x32xi32, #tpu.memory_space<vmem>> -> memref<1x32xi32, #tpu.memory_space<vmem>>
          %dma_start3A_243 = tpu.memref_squeeze %dma_start3A_242 : memref<1x32xi32, #tpu.memory_space<vmem>> -> memref<32xi32, #tpu.memory_space<vmem>>
          %dma_start3A_244 = arith.constant 0 : i32
          %dma_start3A_245 = arith.constant 0 : i32
          %dma_start3A_246 = tpu.memref_slice %arg12[%dma_start3A_244, %dma_start3A_245] : memref<10000x128xf32, #tpu.memory_space<vmem_shared>> -> memref<10000x128xf32, #tpu.memory_space<vmem_shared>>
          tpu.enqueue_indirect_dma source(%arg16 : memref<32x128xf32, #tpu.memory_space<vmem>>) target(%dma_start3A_246 : memref<10000x128xf32, #tpu.memory_space<vmem_shared>>) offsets(%dma_start3A_243 : memref<32xi32, #tpu.memory_space<vmem>>) semaphore(%arg24 : memref<!tpu.dma_semaphore, #tpu.memory_space<semaphore_mem>>) {add = true}
          %add3A_247 = arith.constant 3 : i32
          %add3A_248 = arith.addi %add3A_165, %add3A_247 : i32
          %scan3A_249 = arith.constant 0 : i32
          %scan3A_250 = arith.constant 2 : i32
          %scan3A_251 = arith.addi %scan3A_249, %scan3A_250 : i32
          %scan3A_252 = arith.constant 1 : i32
          scf.for %scan3A_290 = %scan3A_249 to %scan3A_251 step %scan3A_252  : i32 {
            %mul3A_291 = arith.constant 16 : i32
            %mul3A_292 = arith.muli %scan3A_290, %mul3A_291 : i32
            %add3A_293 = arith.constant 0 : i32
            %add3A_294 = arith.addi %add3A_293, %mul3A_292 : i32
            %get3A = arith.index_cast %add3A_248 : i32 to index
            %get3A_295 = arith.index_cast %add3A_294 : i32 to index
            %get3A_296 = tpu.vector_load %arg8[%get3A, %get3A_295] {strides = array<i32>} : memref<40x32xi32, #tpu.memory_space<vmem>>, vector<16xi32>,
            tpu.vector_store_idx %arg28[%get3A_296], %broadcast_in_dim3A_2 {add = true} : memref<10000xf32, #tpu.memory_space<vmem>>[vector<16xi32>], vector<16xf32>,
          }
          %scan3A_253 = arith.constant 2 : i32
          %add3A_254 = arith.constant 4 : i32
          %add3A_255 = arith.addi %add3A_165, %add3A_254 : i32
          %add3A_256 = arith.constant 0 : i32
          %add3A_257 = arith.addi %add3A_255, %add3A_256 : i32
          %lt3A_258 = arith.constant 40 : i32
          %lt3A_259 = arith.cmpi slt, %add3A_257, %lt3A_258 : i32
          %convert_element_type3A_260 = arith.extui %lt3A_259 : i1 to i32
          %cond3A_261 = arith.constant 0 : i32
          %cond3A_262 = arith.cmpi ne, %convert_element_type3A_260, %cond3A_261 : i32
          scf.if %cond3A_262 {
            %dma_wait3A_290 = arith.constant 0 : i32
            %dma_wait3A_291 = arith.constant 0 : i32
            %dma_wait3A_292 = tpu.memref_slice %arg8[%dma_wait3A_290, %dma_wait3A_291] : memref<40x32xi32, #tpu.memory_space<vmem>> -> memref<1x32xi32, #tpu.memory_space<vmem>>
            %dma_wait3A_293 = tpu.memref_squeeze %dma_wait3A_292 : memref<1x32xi32, #tpu.memory_space<vmem>> -> memref<32xi32, #tpu.memory_space<vmem>>
            %dma_wait3A_294 = arith.constant 0 : i32
            %dma_wait3A_295 = arith.constant 0 : i32
            %dma_wait3A_296 = tpu.memref_slice %arg12[%dma_wait3A_294, %dma_wait3A_295] : memref<10000x128xf32, #tpu.memory_space<vmem_shared>> -> memref<10000x128xf32, #tpu.memory_space<vmem_shared>>
            tpu.wait_indirect_dma semaphore(%arg21 : memref<!tpu.dma_semaphore, #tpu.memory_space<semaphore_mem>>) src(%arg13 : memref<32x128xf32, #tpu.memory_space<vmem>>) dst(%dma_wait3A_296 : memref<10000x128xf32, #tpu.memory_space<vmem_shared>>)
            %add3A_297 = arith.constant 4 : i32
            %add3A_298 = arith.addi %add3A_165, %add3A_297 : i32
            %add3A_299 = arith.constant 0 : i32
            %add3A_300 = arith.addi %add3A_298, %add3A_299 : i32
            %dma_start3A_301 = arith.constant 0 : i32
            %dma_start3A_302 = tpu.memref_slice %arg7[%add3A_300, %dma_start3A_301] : memref<40x32xi32, #tpu.memory_space<vmem>> -> memref<1x32xi32, #tpu.memory_space<vmem>>
            %dma_start3A_303 = tpu.memref_squeeze %dma_start3A_302 : memref<1x32xi32, #tpu.memory_space<vmem>> -> memref<32xi32, #tpu.memory_space<vmem>>
            %dma_start3A_304 = arith.constant 0 : i32
            %dma_start3A_305 = arith.constant 0 : i32
            %dma_start3A_306 = tpu.memref_slice %arg2[%dma_start3A_304, %dma_start3A_305] : memref<10000x128xf32, #tpu.memory_space<hbm>> -> memref<10000x128xf32, #tpu.memory_space<hbm>>
            tpu.enqueue_indirect_dma source(%dma_start3A_306 : memref<10000x128xf32, #tpu.memory_space<hbm>>) target(%arg13 : memref<32x128xf32, #tpu.memory_space<vmem>>) offsets(%dma_start3A_303 : memref<32xi32, #tpu.memory_space<vmem>>) semaphore(%arg17 : memref<!tpu.dma_semaphore, #tpu.memory_space<semaphore_mem>>)
          } else {
          }
          %add3A_263 = arith.constant 4 : i32
          %add3A_264 = arith.addi %add3A_165, %add3A_263 : i32
          %add3A_265 = arith.constant 1 : i32
          %add3A_266 = arith.addi %add3A_264, %add3A_265 : i32
          %lt3A_267 = arith.constant 40 : i32
          %lt3A_268 = arith.cmpi slt, %add3A_266, %lt3A_267 : i32
          %convert_element_type3A_269 = arith.extui %lt3A_268 : i1 to i32
          %cond3A_270 = arith.constant 0 : i32
          %cond3A_271 = arith.cmpi ne, %convert_element_type3A_269, %cond3A_270 : i32
          scf.if %cond3A_271 {
            %dma_wait3A_290 = arith.constant 0 : i32
            %dma_wait3A_291 = arith.constant 0 : i32
            %dma_wait3A_292 = tpu.memref_slice %arg8[%dma_wait3A_290, %dma_wait3A_291] : memref<40x32xi32, #tpu.memory_space<vmem>> -> memref<1x32xi32, #tpu.memory_space<vmem>>
            %dma_wait3A_293 = tpu.memref_squeeze %dma_wait3A_292 : memref<1x32xi32, #tpu.memory_space<vmem>> -> memref<32xi32, #tpu.memory_space<vmem>>
            %dma_wait3A_294 = arith.constant 0 : i32
            %dma_wait3A_295 = arith.constant 0 : i32
            %dma_wait3A_296 = tpu.memref_slice %arg12[%dma_wait3A_294, %dma_wait3A_295] : memref<10000x128xf32, #tpu.memory_space<vmem_shared>> -> memref<10000x128xf32, #tpu.memory_space<vmem_shared>>
            tpu.wait_indirect_dma semaphore(%arg22 : memref<!tpu.dma_semaphore, #tpu.memory_space<semaphore_mem>>) src(%arg14 : memref<32x128xf32, #tpu.memory_space<vmem>>) dst(%dma_wait3A_296 : memref<10000x128xf32, #tpu.memory_space<vmem_shared>>)
            %add3A_297 = arith.constant 4 : i32
            %add3A_298 = arith.addi %add3A_165, %add3A_297 : i32
            %add3A_299 = arith.constant 1 : i32
            %add3A_300 = arith.addi %add3A_298, %add3A_299 : i32
            %dma_start3A_301 = arith.constant 0 : i32
            %dma_start3A_302 = tpu.memref_slice %arg7[%add3A_300, %dma_start3A_301] : memref<40x32xi32, #tpu.memory_space<vmem>> -> memref<1x32xi32, #tpu.memory_space<vmem>>
            %dma_start3A_303 = tpu.memref_squeeze %dma_start3A_302 : memref<1x32xi32, #tpu.memory_space<vmem>> -> memref<32xi32, #tpu.memory_space<vmem>>
            %dma_start3A_304 = arith.constant 0 : i32
            %dma_start3A_305 = arith.constant 0 : i32
            %dma_start3A_306 = tpu.memref_slice %arg2[%dma_start3A_304, %dma_start3A_305] : memref<10000x128xf32, #tpu.memory_space<hbm>> -> memref<10000x128xf32, #tpu.memory_space<hbm>>
            tpu.enqueue_indirect_dma source(%dma_start3A_306 : memref<10000x128xf32, #tpu.memory_space<hbm>>) target(%arg14 : memref<32x128xf32, #tpu.memory_space<vmem>>) offsets(%dma_start3A_303 : memref<32xi32, #tpu.memory_space<vmem>>) semaphore(%arg18 : memref<!tpu.dma_semaphore, #tpu.memory_space<semaphore_mem>>)
          } else {
          }
          %add3A_272 = arith.constant 4 : i32
          %add3A_273 = arith.addi %add3A_165, %add3A_272 : i32
          %add3A_274 = arith.constant 2 : i32
          %add3A_275 = arith.addi %add3A_273, %add3A_274 : i32
          %lt3A_276 = arith.constant 40 : i32
          %lt3A_277 = arith.cmpi slt, %add3A_275, %lt3A_276 : i32
          %convert_element_type3A_278 = arith.extui %lt3A_277 : i1 to i32
          %cond3A_279 = arith.constant 0 : i32
          %cond3A_280 = arith.cmpi ne, %convert_element_type3A_278, %cond3A_279 : i32
          scf.if %cond3A_280 {
            %dma_wait3A_290 = arith.constant 0 : i32
            %dma_wait3A_291 = arith.constant 0 : i32
            %dma_wait3A_292 = tpu.memref_slice %arg8[%dma_wait3A_290, %dma_wait3A_291] : memref<40x32xi32, #tpu.memory_space<vmem>> -> memref<1x32xi32, #tpu.memory_space<vmem>>
            %dma_wait3A_293 = tpu.memref_squeeze %dma_wait3A_292 : memref<1x32xi32, #tpu.memory_space<vmem>> -> memref<32xi32, #tpu.memory_space<vmem>>
            %dma_wait3A_294 = arith.constant 0 : i32
            %dma_wait3A_295 = arith.constant 0 : i32
            %dma_wait3A_296 = tpu.memref_slice %arg12[%dma_wait3A_294, %dma_wait3A_295] : memref<10000x128xf32, #tpu.memory_space<vmem_shared>> -> memref<10000x128xf32, #tpu.memory_space<vmem_shared>>
            tpu.wait_indirect_dma semaphore(%arg23 : memref<!tpu.dma_semaphore, #tpu.memory_space<semaphore_mem>>) src(%arg15 : memref<32x128xf32, #tpu.memory_space<vmem>>) dst(%dma_wait3A_296 : memref<10000x128xf32, #tpu.memory_space<vmem_shared>>)
            %add3A_297 = arith.constant 4 : i32
            %add3A_298 = arith.addi %add3A_165, %add3A_297 : i32
            %add3A_299 = arith.constant 2 : i32
            %add3A_300 = arith.addi %add3A_298, %add3A_299 : i32
            %dma_start3A_301 = arith.constant 0 : i32
            %dma_start3A_302 = tpu.memref_slice %arg7[%add3A_300, %dma_start3A_301] : memref<40x32xi32, #tpu.memory_space<vmem>> -> memref<1x32xi32, #tpu.memory_space<vmem>>
            %dma_start3A_303 = tpu.memref_squeeze %dma_start3A_302 : memref<1x32xi32, #tpu.memory_space<vmem>> -> memref<32xi32, #tpu.memory_space<vmem>>
            %dma_start3A_304 = arith.constant 0 : i32
            %dma_start3A_305 = arith.constant 0 : i32
            %dma_start3A_306 = tpu.memref_slice %arg2[%dma_start3A_304, %dma_start3A_305] : memref<10000x128xf32, #tpu.memory_space<hbm>> -> memref<10000x128xf32, #tpu.memory_space<hbm>>
            tpu.enqueue_indirect_dma source(%dma_start3A_306 : memref<10000x128xf32, #tpu.memory_space<hbm>>) target(%arg15 : memref<32x128xf32, #tpu.memory_space<vmem>>) offsets(%dma_start3A_303 : memref<32xi32, #tpu.memory_space<vmem>>) semaphore(%arg19 : memref<!tpu.dma_semaphore, #tpu.memory_space<semaphore_mem>>)
          } else {
          }
          %add3A_281 = arith.constant 4 : i32
          %add3A_282 = arith.addi %add3A_165, %add3A_281 : i32
          %add3A_283 = arith.constant 3 : i32
          %add3A_284 = arith.addi %add3A_282, %add3A_283 : i32
          %lt3A_285 = arith.constant 40 : i32
          %lt3A_286 = arith.cmpi slt, %add3A_284, %lt3A_285 : i32
          %convert_element_type3A_287 = arith.extui %lt3A_286 : i1 to i32
          %cond3A_288 = arith.constant 0 : i32
          %cond3A_289 = arith.cmpi ne, %convert_element_type3A_287, %cond3A_288 : i32
          scf.if %cond3A_289 {
            %dma_wait3A_290 = arith.constant 0 : i32
            %dma_wait3A_291 = arith.constant 0 : i32
            %dma_wait3A_292 = tpu.memref_slice %arg8[%dma_wait3A_290, %dma_wait3A_291] : memref<40x32xi32, #tpu.memory_space<vmem>> -> memref<1x32xi32, #tpu.memory_space<vmem>>
            %dma_wait3A_293 = tpu.memref_squeeze %dma_wait3A_292 : memref<1x32xi32, #tpu.memory_space<vmem>> -> memref<32xi32, #tpu.memory_space<vmem>>
            %dma_wait3A_294 = arith.constant 0 : i32
            %dma_wait3A_295 = arith.constant 0 : i32
            %dma_wait3A_296 = tpu.memref_slice %arg12[%dma_wait3A_294, %dma_wait3A_295] : memref<10000x128xf32, #tpu.memory_space<vmem_shared>> -> memref<10000x128xf32, #tpu.memory_space<vmem_shared>>
            tpu.wait_indirect_dma semaphore(%arg24 : memref<!tpu.dma_semaphore, #tpu.memory_space<semaphore_mem>>) src(%arg16 : memref<32x128xf32, #tpu.memory_space<vmem>>) dst(%dma_wait3A_296 : memref<10000x128xf32, #tpu.memory_space<vmem_shared>>)
            %add3A_297 = arith.constant 4 : i32
            %add3A_298 = arith.addi %add3A_165, %add3A_297 : i32
            %add3A_299 = arith.constant 3 : i32
            %add3A_300 = arith.addi %add3A_298, %add3A_299 : i32
            %dma_start3A_301 = arith.constant 0 : i32
            %dma_start3A_302 = tpu.memref_slice %arg7[%add3A_300, %dma_start3A_301] : memref<40x32xi32, #tpu.memory_space<vmem>> -> memref<1x32xi32, #tpu.memory_space<vmem>>
            %dma_start3A_303 = tpu.memref_squeeze %dma_start3A_302 : memref<1x32xi32, #tpu.memory_space<vmem>> -> memref<32xi32, #tpu.memory_space<vmem>>
            %dma_start3A_304 = arith.constant 0 : i32
            %dma_start3A_305 = arith.constant 0 : i32
            %dma_start3A_306 = tpu.memref_slice %arg2[%dma_start3A_304, %dma_start3A_305] : memref<10000x128xf32, #tpu.memory_space<hbm>> -> memref<10000x128xf32, #tpu.memory_space<hbm>>
            tpu.enqueue_indirect_dma source(%dma_start3A_306 : memref<10000x128xf32, #tpu.memory_space<hbm>>) target(%arg16 : memref<32x128xf32, #tpu.memory_space<vmem>>) offsets(%dma_start3A_303 : memref<32xi32, #tpu.memory_space<vmem>>) semaphore(%arg20 : memref<!tpu.dma_semaphore, #tpu.memory_space<semaphore_mem>>)
          } else {
          }
        }
        %scan3A_132 = arith.constant 10 : i32
        %dma_wait3A_133 = arith.constant 0 : i32
        %dma_wait3A_134 = arith.constant 0 : i32
        %dma_wait3A_135 = tpu.memref_slice %arg8[%dma_wait3A_133, %dma_wait3A_134] : memref<40x32xi32, #tpu.memory_space<vmem>> -> memref<1x32xi32, #tpu.memory_space<vmem>>
        %dma_wait3A_136 = tpu.memref_squeeze %dma_wait3A_135 : memref<1x32xi32, #tpu.memory_space<vmem>> -> memref<32xi32, #tpu.memory_space<vmem>>
        %dma_wait3A_137 = arith.constant 0 : i32
        %dma_wait3A_138 = arith.constant 0 : i32
        %dma_wait3A_139 = tpu.memref_slice %arg12[%dma_wait3A_137, %dma_wait3A_138] : memref<10000x128xf32, #tpu.memory_space<vmem_shared>> -> memref<10000x128xf32, #tpu.memory_space<vmem_shared>>
        tpu.wait_indirect_dma semaphore(%arg21 : memref<!tpu.dma_semaphore, #tpu.memory_space<semaphore_mem>>) src(%arg13 : memref<32x128xf32, #tpu.memory_space<vmem>>) dst(%dma_wait3A_139 : memref<10000x128xf32, #tpu.memory_space<vmem_shared>>)
        %dma_wait3A_140 = arith.constant 0 : i32
        %dma_wait3A_141 = arith.constant 0 : i32
        %dma_wait3A_142 = tpu.memref_slice %arg8[%dma_wait3A_140, %dma_wait3A_141] : memref<40x32xi32, #tpu.memory_space<vmem>> -> memref<1x32xi32, #tpu.memory_space<vmem>>
        %dma_wait3A_143 = tpu.memref_squeeze %dma_wait3A_142 : memref<1x32xi32, #tpu.memory_space<vmem>> -> memref<32xi32, #tpu.memory_space<vmem>>
        %dma_wait3A_144 = arith.constant 0 : i32
        %dma_wait3A_145 = arith.constant 0 : i32
        %dma_wait3A_146 = tpu.memref_slice %arg12[%dma_wait3A_144, %dma_wait3A_145] : memref<10000x128xf32, #tpu.memory_space<vmem_shared>> -> memref<10000x128xf32, #tpu.memory_space<vmem_shared>>
        tpu.wait_indirect_dma semaphore(%arg22 : memref<!tpu.dma_semaphore, #tpu.memory_space<semaphore_mem>>) src(%arg14 : memref<32x128xf32, #tpu.memory_space<vmem>>) dst(%dma_wait3A_146 : memref<10000x128xf32, #tpu.memory_space<vmem_shared>>)
        %dma_wait3A_147 = arith.constant 0 : i32
        %dma_wait3A_148 = arith.constant 0 : i32
        %dma_wait3A_149 = tpu.memref_slice %arg8[%dma_wait3A_147, %dma_wait3A_148] : memref<40x32xi32, #tpu.memory_space<vmem>> -> memref<1x32xi32, #tpu.memory_space<vmem>>
        %dma_wait3A_150 = tpu.memref_squeeze %dma_wait3A_149 : memref<1x32xi32, #tpu.memory_space<vmem>> -> memref<32xi32, #tpu.memory_space<vmem>>
        %dma_wait3A_151 = arith.constant 0 : i32
        %dma_wait3A_152 = arith.constant 0 : i32
        %dma_wait3A_153 = tpu.memref_slice %arg12[%dma_wait3A_151, %dma_wait3A_152] : memref<10000x128xf32, #tpu.memory_space<vmem_shared>> -> memref<10000x128xf32, #tpu.memory_space<vmem_shared>>
        tpu.wait_indirect_dma semaphore(%arg23 : memref<!tpu.dma_semaphore, #tpu.memory_space<semaphore_mem>>) src(%arg15 : memref<32x128xf32, #tpu.memory_space<vmem>>) dst(%dma_wait3A_153 : memref<10000x128xf32, #tpu.memory_space<vmem_shared>>)
        %dma_wait3A_154 = arith.constant 0 : i32
        %dma_wait3A_155 = arith.constant 0 : i32
        %dma_wait3A_156 = tpu.memref_slice %arg8[%dma_wait3A_154, %dma_wait3A_155] : memref<40x32xi32, #tpu.memory_space<vmem>> -> memref<1x32xi32, #tpu.memory_space<vmem>>
        %dma_wait3A_157 = tpu.memref_squeeze %dma_wait3A_156 : memref<1x32xi32, #tpu.memory_space<vmem>> -> memref<32xi32, #tpu.memory_space<vmem>>
        %dma_wait3A_158 = arith.constant 0 : i32
        %dma_wait3A_159 = arith.constant 0 : i32
        %dma_wait3A_160 = tpu.memref_slice %arg12[%dma_wait3A_158, %dma_wait3A_159] : memref<10000x128xf32, #tpu.memory_space<vmem_shared>> -> memref<10000x128xf32, #tpu.memory_space<vmem_shared>>
        tpu.wait_indirect_dma semaphore(%arg24 : memref<!tpu.dma_semaphore, #tpu.memory_space<semaphore_mem>>) src(%arg16 : memref<32x128xf32, #tpu.memory_space<vmem>>) dst(%dma_wait3A_160 : memref<10000x128xf32, #tpu.memory_space<vmem_shared>>)
      } else {
      }
      %mul3A_70 = arith.constant 2 : i32
      %mul3A_71 = arith.muli %mul3A_70, %add3A_58 : i32
      %add3A_72 = arith.constant 1 : i32
      %add3A_73 = arith.addi %mul3A_71, %add3A_72 : i32
      %mul3A_74 = arith.constant 32 : i32
      %mul3A_75 = arith.muli %add3A_73, %mul3A_74 : i32
      %add3A_76 = arith.addi %add3A, %mul3A_75 : i32
      %lt3A_77 = arith.constant 250 : i32
      %lt3A_78 = arith.cmpi slt, %add3A_76, %lt3A_77 : i32
      %convert_element_type3A_79 = arith.extui %lt3A_78 : i1 to i32
      %cond3A_80 = arith.constant 0 : i32
      %cond3A_81 = arith.cmpi ne, %convert_element_type3A_79, %cond3A_80 : i32
      scf.if %cond3A_81 {
        %dma_wait3A = arith.constant 0 : i32
        %dma_wait3A_82 = arith.constant 0 : i32
        %dma_wait3A_83 = tpu.memref_slice %arg3[%dma_wait3A, %dma_wait3A_82] : memref<10000x32xi32, #tpu.memory_space<hbm>> -> memref<40x32xi32, #tpu.memory_space<hbm>>
        %dma_wait3A_84 = arith.constant 0 : i32
        %dma_wait3A_85 = arith.constant 0 : i32
        %dma_wait3A_86 = tpu.memref_slice %arg3[%dma_wait3A_84, %dma_wait3A_85] : memref<10000x32xi32, #tpu.memory_space<hbm>> -> memref<40x32xi32, #tpu.memory_space<hbm>>
        tpu.wait_dma2 semaphore(%arg27 : memref<!tpu.dma_semaphore, #tpu.memory_space<semaphore_mem>>) src(%dma_wait3A_86 : memref<40x32xi32, #tpu.memory_space<hbm>>) dst(%arg9 : memref<40x32xi32, #tpu.memory_space<vmem>>)
        %dma_wait3A_87 = arith.constant 0 : i32
        %dma_wait3A_88 = arith.constant 0 : i32
        %dma_wait3A_89 = tpu.memref_slice %arg4[%dma_wait3A_87, %dma_wait3A_88] : memref<10000x32xi32, #tpu.memory_space<hbm>> -> memref<40x32xi32, #tpu.memory_space<hbm>>
        %dma_wait3A_90 = arith.constant 0 : i32
        %dma_wait3A_91 = arith.constant 0 : i32
        %dma_wait3A_92 = tpu.memref_slice %arg4[%dma_wait3A_90, %dma_wait3A_91] : memref<10000x32xi32, #tpu.memory_space<hbm>> -> memref<40x32xi32, #tpu.memory_space<hbm>>
        tpu.wait_dma2 semaphore(%arg27 : memref<!tpu.dma_semaphore, #tpu.memory_space<semaphore_mem>>) src(%dma_wait3A_92 : memref<40x32xi32, #tpu.memory_space<hbm>>) dst(%arg10 : memref<40x32xi32, #tpu.memory_space<vmem>>)
        %add3A_93 = arith.constant 32 : i32
        %add3A_94 = arith.addi %add3A_76, %add3A_93 : i32
        %lt3A_95 = arith.constant 250 : i32
        %lt3A_96 = arith.cmpi slt, %add3A_94, %lt3A_95 : i32
        %convert_element_type3A_97 = arith.extui %lt3A_96 : i1 to i32
        %cond3A_98 = arith.constant 0 : i32
        %cond3A_99 = arith.cmpi ne, %convert_element_type3A_97, %cond3A_98 : i32
        scf.if %cond3A_99 {
          %add3A_161 = arith.constant 32 : i32
          %add3A_162 = arith.addi %add3A_76, %add3A_161 : i32
          %mul3A_163 = arith.constant 40 : i32
          %mul3A_164 = arith.muli %add3A_162, %mul3A_163 : i32
          %dma_start3A_165 = arith.constant 0 : i32
          %dma_start3A_166 = tpu.memref_slice %arg3[%mul3A_164, %dma_start3A_165] : memref<10000x32xi32, #tpu.memory_space<hbm>> -> memref<40x32xi32, #tpu.memory_space<hbm>>
          %dma_start3A_167 = arith.constant 0 : i32
          %dma_start3A_168 = tpu.memref_slice %arg3[%mul3A_164, %dma_start3A_167] : memref<10000x32xi32, #tpu.memory_space<hbm>> -> memref<40x32xi32, #tpu.memory_space<hbm>>
          tpu.enqueue_dma source(%dma_start3A_168 : memref<40x32xi32, #tpu.memory_space<hbm>>) target(%arg7 : memref<40x32xi32, #tpu.memory_space<vmem>>) target_semaphore(%arg26 : memref<!tpu.dma_semaphore, #tpu.memory_space<semaphore_mem>>)
          %dma_start3A_169 = arith.constant 0 : i32
          %dma_start3A_170 = tpu.memref_slice %arg4[%mul3A_164, %dma_start3A_169] : memref<10000x32xi32, #tpu.memory_space<hbm>> -> memref<40x32xi32, #tpu.memory_space<hbm>>
          %dma_start3A_171 = arith.constant 0 : i32
          %dma_start3A_172 = tpu.memref_slice %arg4[%mul3A_164, %dma_start3A_171] : memref<10000x32xi32, #tpu.memory_space<hbm>> -> memref<40x32xi32, #tpu.memory_space<hbm>>
          tpu.enqueue_dma source(%dma_start3A_172 : memref<40x32xi32, #tpu.memory_space<hbm>>) target(%arg8 : memref<40x32xi32, #tpu.memory_space<vmem>>) target_semaphore(%arg26 : memref<!tpu.dma_semaphore, #tpu.memory_space<semaphore_mem>>)
        } else {
        }
        %dma_start3A_100 = arith.constant 0 : i32
        %dma_start3A_101 = arith.constant 0 : i32
        %dma_start3A_102 = tpu.memref_slice %arg9[%dma_start3A_100, %dma_start3A_101] : memref<40x32xi32, #tpu.memory_space<vmem>> -> memref<1x32xi32, #tpu.memory_space<vmem>>
        %dma_start3A_103 = tpu.memref_squeeze %dma_start3A_102 : memref<1x32xi32, #tpu.memory_space<vmem>> -> memref<32xi32, #tpu.memory_space<vmem>>
        %dma_start3A_104 = arith.constant 0 : i32
        %dma_start3A_105 = arith.constant 0 : i32
        %dma_start3A_106 = tpu.memref_slice %arg2[%dma_start3A_104, %dma_start3A_105] : memref<10000x128xf32, #tpu.memory_space<hbm>> -> memref<10000x128xf32, #tpu.memory_space<hbm>>
        tpu.enqueue_indirect_dma source(%dma_start3A_106 : memref<10000x128xf32, #tpu.memory_space<hbm>>) target(%arg13 : memref<32x128xf32, #tpu.memory_space<vmem>>) offsets(%dma_start3A_103 : memref<32xi32, #tpu.memory_space<vmem>>) semaphore(%arg17 : memref<!tpu.dma_semaphore, #tpu.memory_space<semaphore_mem>>)
        %dma_start3A_107 = arith.constant 1 : i32
        %dma_start3A_108 = arith.constant 0 : i32
        %dma_start3A_109 = tpu.memref_slice %arg9[%dma_start3A_107, %dma_start3A_108] : memref<40x32xi32, #tpu.memory_space<vmem>> -> memref<1x32xi32, #tpu.memory_space<vmem>>
        %dma_start3A_110 = tpu.memref_squeeze %dma_start3A_109 : memref<1x32xi32, #tpu.memory_space<vmem>> -> memref<32xi32, #tpu.memory_space<vmem>>
        %dma_start3A_111 = arith.constant 0 : i32
        %dma_start3A_112 = arith.constant 0 : i32
        %dma_start3A_113 = tpu.memref_slice %arg2[%dma_start3A_111, %dma_start3A_112] : memref<10000x128xf32, #tpu.memory_space<hbm>> -> memref<10000x128xf32, #tpu.memory_space<hbm>>
        tpu.enqueue_indirect_dma source(%dma_start3A_113 : memref<10000x128xf32, #tpu.memory_space<hbm>>) target(%arg14 : memref<32x128xf32, #tpu.memory_space<vmem>>) offsets(%dma_start3A_110 : memref<32xi32, #tpu.memory_space<vmem>>) semaphore(%arg18 : memref<!tpu.dma_semaphore, #tpu.memory_space<semaphore_mem>>)
        %dma_start3A_114 = arith.constant 2 : i32
        %dma_start3A_115 = arith.constant 0 : i32
        %dma_start3A_116 = tpu.memref_slice %arg9[%dma_start3A_114, %dma_start3A_115] : memref<40x32xi32, #tpu.memory_space<vmem>> -> memref<1x32xi32, #tpu.memory_space<vmem>>
        %dma_start3A_117 = tpu.memref_squeeze %dma_start3A_116 : memref<1x32xi32, #tpu.memory_space<vmem>> -> memref<32xi32, #tpu.memory_space<vmem>>
        %dma_start3A_118 = arith.constant 0 : i32
        %dma_start3A_119 = arith.constant 0 : i32
        %dma_start3A_120 = tpu.memref_slice %arg2[%dma_start3A_118, %dma_start3A_119] : memref<10000x128xf32, #tpu.memory_space<hbm>> -> memref<10000x128xf32, #tpu.memory_space<hbm>>
        tpu.enqueue_indirect_dma source(%dma_start3A_120 : memref<10000x128xf32, #tpu.memory_space<hbm>>) target(%arg15 : memref<32x128xf32, #tpu.memory_space<vmem>>) offsets(%dma_start3A_117 : memref<32xi32, #tpu.memory_space<vmem>>) semaphore(%arg19 : memref<!tpu.dma_semaphore, #tpu.memory_space<semaphore_mem>>)
        %dma_start3A_121 = arith.constant 3 : i32
        %dma_start3A_122 = arith.constant 0 : i32
        %dma_start3A_123 = tpu.memref_slice %arg9[%dma_start3A_121, %dma_start3A_122] : memref<40x32xi32, #tpu.memory_space<vmem>> -> memref<1x32xi32, #tpu.memory_space<vmem>>
        %dma_start3A_124 = tpu.memref_squeeze %dma_start3A_123 : memref<1x32xi32, #tpu.memory_space<vmem>> -> memref<32xi32, #tpu.memory_space<vmem>>
        %dma_start3A_125 = arith.constant 0 : i32
        %dma_start3A_126 = arith.constant 0 : i32
        %dma_start3A_127 = tpu.memref_slice %arg2[%dma_start3A_125, %dma_start3A_126] : memref<10000x128xf32, #tpu.memory_space<hbm>> -> memref<10000x128xf32, #tpu.memory_space<hbm>>
        tpu.enqueue_indirect_dma source(%dma_start3A_127 : memref<10000x128xf32, #tpu.memory_space<hbm>>) target(%arg16 : memref<32x128xf32, #tpu.memory_space<vmem>>) offsets(%dma_start3A_124 : memref<32xi32, #tpu.memory_space<vmem>>) semaphore(%arg20 : memref<!tpu.dma_semaphore, #tpu.memory_space<semaphore_mem>>)
        %scan3A_128 = arith.constant 0 : i32
        %scan3A_129 = arith.constant 10 : i32
        %scan3A_130 = arith.addi %scan3A_128, %scan3A_129 : i32
        %scan3A_131 = arith.constant 1 : i32
        scf.for %scan3A_161 = %scan3A_128 to %scan3A_130 step %scan3A_131  : i32 {
          %mul3A_162 = arith.constant 4 : i32
          %mul3A_163 = arith.muli %scan3A_161, %mul3A_162 : i32
          %add3A_164 = arith.constant 0 : i32
          %add3A_165 = arith.addi %add3A_164, %mul3A_163 : i32
          %dma_wait3A_166 = arith.constant 0 : i32
          %dma_wait3A_167 = arith.constant 0 : i32
          %dma_wait3A_168 = tpu.memref_slice %arg9[%dma_wait3A_166, %dma_wait3A_167] : memref<40x32xi32, #tpu.memory_space<vmem>> -> memref<1x32xi32, #tpu.memory_space<vmem>>
          %dma_wait3A_169 = tpu.memref_squeeze %dma_wait3A_168 : memref<1x32xi32, #tpu.memory_space<vmem>> -> memref<32xi32, #tpu.memory_space<vmem>>
          %dma_wait3A_170 = arith.constant 0 : i32
          %dma_wait3A_171 = arith.constant 0 : i32
          %dma_wait3A_172 = tpu.memref_slice %arg2[%dma_wait3A_170, %dma_wait3A_171] : memref<10000x128xf32, #tpu.memory_space<hbm>> -> memref<10000x128xf32, #tpu.memory_space<hbm>>
          tpu.wait_indirect_dma semaphore(%arg17 : memref<!tpu.dma_semaphore, #tpu.memory_space<semaphore_mem>>) src(%dma_wait3A_172 : memref<10000x128xf32, #tpu.memory_space<hbm>>) dst(%arg13 : memref<32x128xf32, #tpu.memory_space<vmem>>)
          %add3A_173 = arith.constant 0 : i32
          %add3A_174 = arith.addi %add3A_165, %add3A_173 : i32
          %dma_start3A_175 = arith.constant 0 : i32
          %dma_start3A_176 = tpu.memref_slice %arg10[%add3A_174, %dma_start3A_175] : memref<40x32xi32, #tpu.memory_space<vmem>> -> memref<1x32xi32, #tpu.memory_space<vmem>>
          %dma_start3A_177 = tpu.memref_squeeze %dma_start3A_176 : memref<1x32xi32, #tpu.memory_space<vmem>> -> memref<32xi32, #tpu.memory_space<vmem>>
          %dma_start3A_178 = arith.constant 0 : i32
          %dma_start3A_179 = arith.constant 0 : i32
          %dma_start3A_180 = tpu.memref_slice %arg12[%dma_start3A_178, %dma_start3A_179] : memref<10000x128xf32, #tpu.memory_space<vmem_shared>> -> memref<10000x128xf32, #tpu.memory_space<vmem_shared>>
          tpu.enqueue_indirect_dma source(%arg13 : memref<32x128xf32, #tpu.memory_space<vmem>>) target(%dma_start3A_180 : memref<10000x128xf32, #tpu.memory_space<vmem_shared>>) offsets(%dma_start3A_177 : memref<32xi32, #tpu.memory_space<vmem>>) semaphore(%arg21 : memref<!tpu.dma_semaphore, #tpu.memory_space<semaphore_mem>>) {add = true}
          %add3A_181 = arith.constant 0 : i32
          %add3A_182 = arith.addi %add3A_165, %add3A_181 : i32
          %scan3A_183 = arith.constant 0 : i32
          %scan3A_184 = arith.constant 2 : i32
          %scan3A_185 = arith.addi %scan3A_183, %scan3A_184 : i32
          %scan3A_186 = arith.constant 1 : i32
          scf.for %scan3A_290 = %scan3A_183 to %scan3A_185 step %scan3A_186  : i32 {
            %mul3A_291 = arith.constant 16 : i32
            %mul3A_292 = arith.muli %scan3A_290, %mul3A_291 : i32
            %add3A_293 = arith.constant 0 : i32
            %add3A_294 = arith.addi %add3A_293, %mul3A_292 : i32
            %get3A = arith.index_cast %add3A_182 : i32 to index
            %get3A_295 = arith.index_cast %add3A_294 : i32 to index
            %get3A_296 = tpu.vector_load %arg10[%get3A, %get3A_295] {strides = array<i32>} : memref<40x32xi32, #tpu.memory_space<vmem>>, vector<16xi32>,
            tpu.vector_store_idx %arg28[%get3A_296], %broadcast_in_dim3A_2 {add = true} : memref<10000xf32, #tpu.memory_space<vmem>>[vector<16xi32>], vector<16xf32>,
          }
          %scan3A_187 = arith.constant 2 : i32
          %dma_wait3A_188 = arith.constant 0 : i32
          %dma_wait3A_189 = arith.constant 0 : i32
          %dma_wait3A_190 = tpu.memref_slice %arg9[%dma_wait3A_188, %dma_wait3A_189] : memref<40x32xi32, #tpu.memory_space<vmem>> -> memref<1x32xi32, #tpu.memory_space<vmem>>
          %dma_wait3A_191 = tpu.memref_squeeze %dma_wait3A_190 : memref<1x32xi32, #tpu.memory_space<vmem>> -> memref<32xi32, #tpu.memory_space<vmem>>
          %dma_wait3A_192 = arith.constant 0 : i32
          %dma_wait3A_193 = arith.constant 0 : i32
          %dma_wait3A_194 = tpu.memref_slice %arg2[%dma_wait3A_192, %dma_wait3A_193] : memref<10000x128xf32, #tpu.memory_space<hbm>> -> memref<10000x128xf32, #tpu.memory_space<hbm>>
          tpu.wait_indirect_dma semaphore(%arg18 : memref<!tpu.dma_semaphore, #tpu.memory_space<semaphore_mem>>) src(%dma_wait3A_194 : memref<10000x128xf32, #tpu.memory_space<hbm>>) dst(%arg14 : memref<32x128xf32, #tpu.memory_space<vmem>>)
          %add3A_195 = arith.constant 1 : i32
          %add3A_196 = arith.addi %add3A_165, %add3A_195 : i32
          %dma_start3A_197 = arith.constant 0 : i32
          %dma_start3A_198 = tpu.memref_slice %arg10[%add3A_196, %dma_start3A_197] : memref<40x32xi32, #tpu.memory_space<vmem>> -> memref<1x32xi32, #tpu.memory_space<vmem>>
          %dma_start3A_199 = tpu.memref_squeeze %dma_start3A_198 : memref<1x32xi32, #tpu.memory_space<vmem>> -> memref<32xi32, #tpu.memory_space<vmem>>
          %dma_start3A_200 = arith.constant 0 : i32
          %dma_start3A_201 = arith.constant 0 : i32
          %dma_start3A_202 = tpu.memref_slice %arg12[%dma_start3A_200, %dma_start3A_201] : memref<10000x128xf32, #tpu.memory_space<vmem_shared>> -> memref<10000x128xf32, #tpu.memory_space<vmem_shared>>
          tpu.enqueue_indirect_dma source(%arg14 : memref<32x128xf32, #tpu.memory_space<vmem>>) target(%dma_start3A_202 : memref<10000x128xf32, #tpu.memory_space<vmem_shared>>) offsets(%dma_start3A_199 : memref<32xi32, #tpu.memory_space<vmem>>) semaphore(%arg22 : memref<!tpu.dma_semaphore, #tpu.memory_space<semaphore_mem>>) {add = true}
          %add3A_203 = arith.constant 1 : i32
          %add3A_204 = arith.addi %add3A_165, %add3A_203 : i32
          %scan3A_205 = arith.constant 0 : i32
          %scan3A_206 = arith.constant 2 : i32
          %scan3A_207 = arith.addi %scan3A_205, %scan3A_206 : i32
          %scan3A_208 = arith.constant 1 : i32
          scf.for %scan3A_290 = %scan3A_205 to %scan3A_207 step %scan3A_208  : i32 {
            %mul3A_291 = arith.constant 16 : i32
            %mul3A_292 = arith.muli %scan3A_290, %mul3A_291 : i32
            %add3A_293 = arith.constant 0 : i32
            %add3A_294 = arith.addi %add3A_293, %mul3A_292 : i32
            %get3A = arith.index_cast %add3A_204 : i32 to index
            %get3A_295 = arith.index_cast %add3A_294 : i32 to index
            %get3A_296 = tpu.vector_load %arg10[%get3A, %get3A_295] {strides = array<i32>} : memref<40x32xi32, #tpu.memory_space<vmem>>, vector<16xi32>,
            tpu.vector_store_idx %arg28[%get3A_296], %broadcast_in_dim3A_2 {add = true} : memref<10000xf32, #tpu.memory_space<vmem>>[vector<16xi32>], vector<16xf32>,
          }
          %scan3A_209 = arith.constant 2 : i32
          %dma_wait3A_210 = arith.constant 0 : i32
          %dma_wait3A_211 = arith.constant 0 : i32
          %dma_wait3A_212 = tpu.memref_slice %arg9[%dma_wait3A_210, %dma_wait3A_211] : memref<40x32xi32, #tpu.memory_space<vmem>> -> memref<1x32xi32, #tpu.memory_space<vmem>>
          %dma_wait3A_213 = tpu.memref_squeeze %dma_wait3A_212 : memref<1x32xi32, #tpu.memory_space<vmem>> -> memref<32xi32, #tpu.memory_space<vmem>>
          %dma_wait3A_214 = arith.constant 0 : i32
          %dma_wait3A_215 = arith.constant 0 : i32
          %dma_wait3A_216 = tpu.memref_slice %arg2[%dma_wait3A_214, %dma_wait3A_215] : memref<10000x128xf32, #tpu.memory_space<hbm>> -> memref<10000x128xf32, #tpu.memory_space<hbm>>
          tpu.wait_indirect_dma semaphore(%arg19 : memref<!tpu.dma_semaphore, #tpu.memory_space<semaphore_mem>>) src(%dma_wait3A_216 : memref<10000x128xf32, #tpu.memory_space<hbm>>) dst(%arg15 : memref<32x128xf32, #tpu.memory_space<vmem>>)
          %add3A_217 = arith.constant 2 : i32
          %add3A_218 = arith.addi %add3A_165, %add3A_217 : i32
          %dma_start3A_219 = arith.constant 0 : i32
          %dma_start3A_220 = tpu.memref_slice %arg10[%add3A_218, %dma_start3A_219] : memref<40x32xi32, #tpu.memory_space<vmem>> -> memref<1x32xi32, #tpu.memory_space<vmem>>
          %dma_start3A_221 = tpu.memref_squeeze %dma_start3A_220 : memref<1x32xi32, #tpu.memory_space<vmem>> -> memref<32xi32, #tpu.memory_space<vmem>>
          %dma_start3A_222 = arith.constant 0 : i32
          %dma_start3A_223 = arith.constant 0 : i32
          %dma_start3A_224 = tpu.memref_slice %arg12[%dma_start3A_222, %dma_start3A_223] : memref<10000x128xf32, #tpu.memory_space<vmem_shared>> -> memref<10000x128xf32, #tpu.memory_space<vmem_shared>>
          tpu.enqueue_indirect_dma source(%arg15 : memref<32x128xf32, #tpu.memory_space<vmem>>) target(%dma_start3A_224 : memref<10000x128xf32, #tpu.memory_space<vmem_shared>>) offsets(%dma_start3A_221 : memref<32xi32, #tpu.memory_space<vmem>>) semaphore(%arg23 : memref<!tpu.dma_semaphore, #tpu.memory_space<semaphore_mem>>) {add = true}
          %add3A_225 = arith.constant 2 : i32
          %add3A_226 = arith.addi %add3A_165, %add3A_225 : i32
          %scan3A_227 = arith.constant 0 : i32
          %scan3A_228 = arith.constant 2 : i32
          %scan3A_229 = arith.addi %scan3A_227, %scan3A_228 : i32
          %scan3A_230 = arith.constant 1 : i32
          scf.for %scan3A_290 = %scan3A_227 to %scan3A_229 step %scan3A_230  : i32 {
            %mul3A_291 = arith.constant 16 : i32
            %mul3A_292 = arith.muli %scan3A_290, %mul3A_291 : i32
            %add3A_293 = arith.constant 0 : i32
            %add3A_294 = arith.addi %add3A_293, %mul3A_292 : i32
            %get3A = arith.index_cast %add3A_226 : i32 to index
            %get3A_295 = arith.index_cast %add3A_294 : i32 to index
            %get3A_296 = tpu.vector_load %arg10[%get3A, %get3A_295] {strides = array<i32>} : memref<40x32xi32, #tpu.memory_space<vmem>>, vector<16xi32>,
            tpu.vector_store_idx %arg28[%get3A_296], %broadcast_in_dim3A_2 {add = true} : memref<10000xf32, #tpu.memory_space<vmem>>[vector<16xi32>], vector<16xf32>,
          }
          %scan3A_231 = arith.constant 2 : i32
          %dma_wait3A_232 = arith.constant 0 : i32
          %dma_wait3A_233 = arith.constant 0 : i32
          %dma_wait3A_234 = tpu.memref_slice %arg9[%dma_wait3A_232, %dma_wait3A_233] : memref<40x32xi32, #tpu.memory_space<vmem>> -> memref<1x32xi32, #tpu.memory_space<vmem>>
          %dma_wait3A_235 = tpu.memref_squeeze %dma_wait3A_234 : memref<1x32xi32, #tpu.memory_space<vmem>> -> memref<32xi32, #tpu.memory_space<vmem>>
          %dma_wait3A_236 = arith.constant 0 : i32
          %dma_wait3A_237 = arith.constant 0 : i32
          %dma_wait3A_238 = tpu.memref_slice %arg2[%dma_wait3A_236, %dma_wait3A_237] : memref<10000x128xf32, #tpu.memory_space<hbm>> -> memref<10000x128xf32, #tpu.memory_space<hbm>>
          tpu.wait_indirect_dma semaphore(%arg20 : memref<!tpu.dma_semaphore, #tpu.memory_space<semaphore_mem>>) src(%dma_wait3A_238 : memref<10000x128xf32, #tpu.memory_space<hbm>>) dst(%arg16 : memref<32x128xf32, #tpu.memory_space<vmem>>)
          %add3A_239 = arith.constant 3 : i32
          %add3A_240 = arith.addi %add3A_165, %add3A_239 : i32
          %dma_start3A_241 = arith.constant 0 : i32
          %dma_start3A_242 = tpu.memref_slice %arg10[%add3A_240, %dma_start3A_241] : memref<40x32xi32, #tpu.memory_space<vmem>> -> memref<1x32xi32, #tpu.memory_space<vmem>>
          %dma_start3A_243 = tpu.memref_squeeze %dma_start3A_242 : memref<1x32xi32, #tpu.memory_space<vmem>> -> memref<32xi32, #tpu.memory_space<vmem>>
          %dma_start3A_244 = arith.constant 0 : i32
          %dma_start3A_245 = arith.constant 0 : i32
          %dma_start3A_246 = tpu.memref_slice %arg12[%dma_start3A_244, %dma_start3A_245] : memref<10000x128xf32, #tpu.memory_space<vmem_shared>> -> memref<10000x128xf32, #tpu.memory_space<vmem_shared>>
          tpu.enqueue_indirect_dma source(%arg16 : memref<32x128xf32, #tpu.memory_space<vmem>>) target(%dma_start3A_246 : memref<10000x128xf32, #tpu.memory_space<vmem_shared>>) offsets(%dma_start3A_243 : memref<32xi32, #tpu.memory_space<vmem>>) semaphore(%arg24 : memref<!tpu.dma_semaphore, #tpu.memory_space<semaphore_mem>>) {add = true}
          %add3A_247 = arith.constant 3 : i32
          %add3A_248 = arith.addi %add3A_165, %add3A_247 : i32
          %scan3A_249 = arith.constant 0 : i32
          %scan3A_250 = arith.constant 2 : i32
          %scan3A_251 = arith.addi %scan3A_249, %scan3A_250 : i32
          %scan3A_252 = arith.constant 1 : i32
          scf.for %scan3A_290 = %scan3A_249 to %scan3A_251 step %scan3A_252  : i32 {
            %mul3A_291 = arith.constant 16 : i32
            %mul3A_292 = arith.muli %scan3A_290, %mul3A_291 : i32
            %add3A_293 = arith.constant 0 : i32
            %add3A_294 = arith.addi %add3A_293, %mul3A_292 : i32
            %get3A = arith.index_cast %add3A_248 : i32 to index
            %get3A_295 = arith.index_cast %add3A_294 : i32 to index
            %get3A_296 = tpu.vector_load %arg10[%get3A, %get3A_295] {strides = array<i32>} : memref<40x32xi32, #tpu.memory_space<vmem>>, vector<16xi32>,
            tpu.vector_store_idx %arg28[%get3A_296], %broadcast_in_dim3A_2 {add = true} : memref<10000xf32, #tpu.memory_space<vmem>>[vector<16xi32>], vector<16xf32>,
          }
          %scan3A_253 = arith.constant 2 : i32
          %add3A_254 = arith.constant 4 : i32
          %add3A_255 = arith.addi %add3A_165, %add3A_254 : i32
          %add3A_256 = arith.constant 0 : i32
          %add3A_257 = arith.addi %add3A_255, %add3A_256 : i32
          %lt3A_258 = arith.constant 40 : i32
          %lt3A_259 = arith.cmpi slt, %add3A_257, %lt3A_258 : i32
          %convert_element_type3A_260 = arith.extui %lt3A_259 : i1 to i32
          %cond3A_261 = arith.constant 0 : i32
          %cond3A_262 = arith.cmpi ne, %convert_element_type3A_260, %cond3A_261 : i32
          scf.if %cond3A_262 {
            %dma_wait3A_290 = arith.constant 0 : i32
            %dma_wait3A_291 = arith.constant 0 : i32
            %dma_wait3A_292 = tpu.memref_slice %arg10[%dma_wait3A_290, %dma_wait3A_291] : memref<40x32xi32, #tpu.memory_space<vmem>> -> memref<1x32xi32, #tpu.memory_space<vmem>>
            %dma_wait3A_293 = tpu.memref_squeeze %dma_wait3A_292 : memref<1x32xi32, #tpu.memory_space<vmem>> -> memref<32xi32, #tpu.memory_space<vmem>>
            %dma_wait3A_294 = arith.constant 0 : i32
            %dma_wait3A_295 = arith.constant 0 : i32
            %dma_wait3A_296 = tpu.memref_slice %arg12[%dma_wait3A_294, %dma_wait3A_295] : memref<10000x128xf32, #tpu.memory_space<vmem_shared>> -> memref<10000x128xf32, #tpu.memory_space<vmem_shared>>
            tpu.wait_indirect_dma semaphore(%arg21 : memref<!tpu.dma_semaphore, #tpu.memory_space<semaphore_mem>>) src(%arg13 : memref<32x128xf32, #tpu.memory_space<vmem>>) dst(%dma_wait3A_296 : memref<10000x128xf32, #tpu.memory_space<vmem_shared>>)
            %add3A_297 = arith.constant 4 : i32
            %add3A_298 = arith.addi %add3A_165, %add3A_297 : i32
            %add3A_299 = arith.constant 0 : i32
            %add3A_300 = arith.addi %add3A_298, %add3A_299 : i32
            %dma_start3A_301 = arith.constant 0 : i32
            %dma_start3A_302 = tpu.memref_slice %arg9[%add3A_300, %dma_start3A_301] : memref<40x32xi32, #tpu.memory_space<vmem>> -> memref<1x32xi32, #tpu.memory_space<vmem>>
            %dma_start3A_303 = tpu.memref_squeeze %dma_start3A_302 : memref<1x32xi32, #tpu.memory_space<vmem>> -> memref<32xi32, #tpu.memory_space<vmem>>
            %dma_start3A_304 = arith.constant 0 : i32
            %dma_start3A_305 = arith.constant 0 : i32
            %dma_start3A_306 = tpu.memref_slice %arg2[%dma_start3A_304, %dma_start3A_305] : memref<10000x128xf32, #tpu.memory_space<hbm>> -> memref<10000x128xf32, #tpu.memory_space<hbm>>
            tpu.enqueue_indirect_dma source(%dma_start3A_306 : memref<10000x128xf32, #tpu.memory_space<hbm>>) target(%arg13 : memref<32x128xf32, #tpu.memory_space<vmem>>) offsets(%dma_start3A_303 : memref<32xi32, #tpu.memory_space<vmem>>) semaphore(%arg17 : memref<!tpu.dma_semaphore, #tpu.memory_space<semaphore_mem>>)
          } else {
          }
          %add3A_263 = arith.constant 4 : i32
          %add3A_264 = arith.addi %add3A_165, %add3A_263 : i32
          %add3A_265 = arith.constant 1 : i32
          %add3A_266 = arith.addi %add3A_264, %add3A_265 : i32
          %lt3A_267 = arith.constant 40 : i32
          %lt3A_268 = arith.cmpi slt, %add3A_266, %lt3A_267 : i32
          %convert_element_type3A_269 = arith.extui %lt3A_268 : i1 to i32
          %cond3A_270 = arith.constant 0 : i32
          %cond3A_271 = arith.cmpi ne, %convert_element_type3A_269, %cond3A_270 : i32
          scf.if %cond3A_271 {
            %dma_wait3A_290 = arith.constant 0 : i32
            %dma_wait3A_291 = arith.constant 0 : i32
            %dma_wait3A_292 = tpu.memref_slice %arg10[%dma_wait3A_290, %dma_wait3A_291] : memref<40x32xi32, #tpu.memory_space<vmem>> -> memref<1x32xi32, #tpu.memory_space<vmem>>
            %dma_wait3A_293 = tpu.memref_squeeze %dma_wait3A_292 : memref<1x32xi32, #tpu.memory_space<vmem>> -> memref<32xi32, #tpu.memory_space<vmem>>
            %dma_wait3A_294 = arith.constant 0 : i32
            %dma_wait3A_295 = arith.constant 0 : i32
            %dma_wait3A_296 = tpu.memref_slice %arg12[%dma_wait3A_294, %dma_wait3A_295] : memref<10000x128xf32, #tpu.memory_space<vmem_shared>> -> memref<10000x128xf32, #tpu.memory_space<vmem_shared>>
            tpu.wait_indirect_dma semaphore(%arg22 : memref<!tpu.dma_semaphore, #tpu.memory_space<semaphore_mem>>) src(%arg14 : memref<32x128xf32, #tpu.memory_space<vmem>>) dst(%dma_wait3A_296 : memref<10000x128xf32, #tpu.memory_space<vmem_shared>>)
            %add3A_297 = arith.constant 4 : i32
            %add3A_298 = arith.addi %add3A_165, %add3A_297 : i32
            %add3A_299 = arith.constant 1 : i32
            %add3A_300 = arith.addi %add3A_298, %add3A_299 : i32
            %dma_start3A_301 = arith.constant 0 : i32
            %dma_start3A_302 = tpu.memref_slice %arg9[%add3A_300, %dma_start3A_301] : memref<40x32xi32, #tpu.memory_space<vmem>> -> memref<1x32xi32, #tpu.memory_space<vmem>>
            %dma_start3A_303 = tpu.memref_squeeze %dma_start3A_302 : memref<1x32xi32, #tpu.memory_space<vmem>> -> memref<32xi32, #tpu.memory_space<vmem>>
            %dma_start3A_304 = arith.constant 0 : i32
            %dma_start3A_305 = arith.constant 0 : i32
            %dma_start3A_306 = tpu.memref_slice %arg2[%dma_start3A_304, %dma_start3A_305] : memref<10000x128xf32, #tpu.memory_space<hbm>> -> memref<10000x128xf32, #tpu.memory_space<hbm>>
            tpu.enqueue_indirect_dma source(%dma_start3A_306 : memref<10000x128xf32, #tpu.memory_space<hbm>>) target(%arg14 : memref<32x128xf32, #tpu.memory_space<vmem>>) offsets(%dma_start3A_303 : memref<32xi32, #tpu.memory_space<vmem>>) semaphore(%arg18 : memref<!tpu.dma_semaphore, #tpu.memory_space<semaphore_mem>>)
          } else {
          }
          %add3A_272 = arith.constant 4 : i32
          %add3A_273 = arith.addi %add3A_165, %add3A_272 : i32
          %add3A_274 = arith.constant 2 : i32
          %add3A_275 = arith.addi %add3A_273, %add3A_274 : i32
          %lt3A_276 = arith.constant 40 : i32
          %lt3A_277 = arith.cmpi slt, %add3A_275, %lt3A_276 : i32
          %convert_element_type3A_278 = arith.extui %lt3A_277 : i1 to i32
          %cond3A_279 = arith.constant 0 : i32
          %cond3A_280 = arith.cmpi ne, %convert_element_type3A_278, %cond3A_279 : i32
          scf.if %cond3A_280 {
            %dma_wait3A_290 = arith.constant 0 : i32
            %dma_wait3A_291 = arith.constant 0 : i32
            %dma_wait3A_292 = tpu.memref_slice %arg10[%dma_wait3A_290, %dma_wait3A_291] : memref<40x32xi32, #tpu.memory_space<vmem>> -> memref<1x32xi32, #tpu.memory_space<vmem>>
            %dma_wait3A_293 = tpu.memref_squeeze %dma_wait3A_292 : memref<1x32xi32, #tpu.memory_space<vmem>> -> memref<32xi32, #tpu.memory_space<vmem>>
            %dma_wait3A_294 = arith.constant 0 : i32
            %dma_wait3A_295 = arith.constant 0 : i32
            %dma_wait3A_296 = tpu.memref_slice %arg12[%dma_wait3A_294, %dma_wait3A_295] : memref<10000x128xf32, #tpu.memory_space<vmem_shared>> -> memref<10000x128xf32, #tpu.memory_space<vmem_shared>>
            tpu.wait_indirect_dma semaphore(%arg23 : memref<!tpu.dma_semaphore, #tpu.memory_space<semaphore_mem>>) src(%arg15 : memref<32x128xf32, #tpu.memory_space<vmem>>) dst(%dma_wait3A_296 : memref<10000x128xf32, #tpu.memory_space<vmem_shared>>)
            %add3A_297 = arith.constant 4 : i32
            %add3A_298 = arith.addi %add3A_165, %add3A_297 : i32
            %add3A_299 = arith.constant 2 : i32
            %add3A_300 = arith.addi %add3A_298, %add3A_299 : i32
            %dma_start3A_301 = arith.constant 0 : i32
            %dma_start3A_302 = tpu.memref_slice %arg9[%add3A_300, %dma_start3A_301] : memref<40x32xi32, #tpu.memory_space<vmem>> -> memref<1x32xi32, #tpu.memory_space<vmem>>
            %dma_start3A_303 = tpu.memref_squeeze %dma_start3A_302 : memref<1x32xi32, #tpu.memory_space<vmem>> -> memref<32xi32, #tpu.memory_space<vmem>>
            %dma_start3A_304 = arith.constant 0 : i32
            %dma_start3A_305 = arith.constant 0 : i32
            %dma_start3A_306 = tpu.memref_slice %arg2[%dma_start3A_304, %dma_start3A_305] : memref<10000x128xf32, #tpu.memory_space<hbm>> -> memref<10000x128xf32, #tpu.memory_space<hbm>>
            tpu.enqueue_indirect_dma source(%dma_start3A_306 : memref<10000x128xf32, #tpu.memory_space<hbm>>) target(%arg15 : memref<32x128xf32, #tpu.memory_space<vmem>>) offsets(%dma_start3A_303 : memref<32xi32, #tpu.memory_space<vmem>>) semaphore(%arg19 : memref<!tpu.dma_semaphore, #tpu.memory_space<semaphore_mem>>)
          } else {
          }
          %add3A_281 = arith.constant 4 : i32
          %add3A_282 = arith.addi %add3A_165, %add3A_281 : i32
          %add3A_283 = arith.constant 3 : i32
          %add3A_284 = arith.addi %add3A_282, %add3A_283 : i32
          %lt3A_285 = arith.constant 40 : i32
          %lt3A_286 = arith.cmpi slt, %add3A_284, %lt3A_285 : i32
          %convert_element_type3A_287 = arith.extui %lt3A_286 : i1 to i32
          %cond3A_288 = arith.constant 0 : i32
          %cond3A_289 = arith.cmpi ne, %convert_element_type3A_287, %cond3A_288 : i32
          scf.if %cond3A_289 {
            %dma_wait3A_290 = arith.constant 0 : i32
            %dma_wait3A_291 = arith.constant 0 : i32
            %dma_wait3A_292 = tpu.memref_slice %arg10[%dma_wait3A_290, %dma_wait3A_291] : memref<40x32xi32, #tpu.memory_space<vmem>> -> memref<1x32xi32, #tpu.memory_space<vmem>>
            %dma_wait3A_293 = tpu.memref_squeeze %dma_wait3A_292 : memref<1x32xi32, #tpu.memory_space<vmem>> -> memref<32xi32, #tpu.memory_space<vmem>>
            %dma_wait3A_294 = arith.constant 0 : i32
            %dma_wait3A_295 = arith.constant 0 : i32
            %dma_wait3A_296 = tpu.memref_slice %arg12[%dma_wait3A_294, %dma_wait3A_295] : memref<10000x128xf32, #tpu.memory_space<vmem_shared>> -> memref<10000x128xf32, #tpu.memory_space<vmem_shared>>
            tpu.wait_indirect_dma semaphore(%arg24 : memref<!tpu.dma_semaphore, #tpu.memory_space<semaphore_mem>>) src(%arg16 : memref<32x128xf32, #tpu.memory_space<vmem>>) dst(%dma_wait3A_296 : memref<10000x128xf32, #tpu.memory_space<vmem_shared>>)
            %add3A_297 = arith.constant 4 : i32
            %add3A_298 = arith.addi %add3A_165, %add3A_297 : i32
            %add3A_299 = arith.constant 3 : i32
            %add3A_300 = arith.addi %add3A_298, %add3A_299 : i32
            %dma_start3A_301 = arith.constant 0 : i32
            %dma_start3A_302 = tpu.memref_slice %arg9[%add3A_300, %dma_start3A_301] : memref<40x32xi32, #tpu.memory_space<vmem>> -> memref<1x32xi32, #tpu.memory_space<vmem>>
            %dma_start3A_303 = tpu.memref_squeeze %dma_start3A_302 : memref<1x32xi32, #tpu.memory_space<vmem>> -> memref<32xi32, #tpu.memory_space<vmem>>
            %dma_start3A_304 = arith.constant 0 : i32
            %dma_start3A_305 = arith.constant 0 : i32
            %dma_start3A_306 = tpu.memref_slice %arg2[%dma_start3A_304, %dma_start3A_305] : memref<10000x128xf32, #tpu.memory_space<hbm>> -> memref<10000x128xf32, #tpu.memory_space<hbm>>
            tpu.enqueue_indirect_dma source(%dma_start3A_306 : memref<10000x128xf32, #tpu.memory_space<hbm>>) target(%arg16 : memref<32x128xf32, #tpu.memory_space<vmem>>) offsets(%dma_start3A_303 : memref<32xi32, #tpu.memory_space<vmem>>) semaphore(%arg20 : memref<!tpu.dma_semaphore, #tpu.memory_space<semaphore_mem>>)
          } else {
          }
        }
        %scan3A_132 = arith.constant 10 : i32
        %dma_wait3A_133 = arith.constant 0 : i32
        %dma_wait3A_134 = arith.constant 0 : i32
        %dma_wait3A_135 = tpu.memref_slice %arg10[%dma_wait3A_133, %dma_wait3A_134] : memref<40x32xi32, #tpu.memory_space<vmem>> -> memref<1x32xi32, #tpu.memory_space<vmem>>
        %dma_wait3A_136 = tpu.memref_squeeze %dma_wait3A_135 : memref<1x32xi32, #tpu.memory_space<vmem>> -> memref<32xi32, #tpu.memory_space<vmem>>
        %dma_wait3A_137 = arith.constant 0 : i32
        %dma_wait3A_138 = arith.constant 0 : i32
        %dma_wait3A_139 = tpu.memref_slice %arg12[%dma_wait3A_137, %dma_wait3A_138] : memref<10000x128xf32, #tpu.memory_space<vmem_shared>> -> memref<10000x128xf32, #tpu.memory_space<vmem_shared>>
        tpu.wait_indirect_dma semaphore(%arg21 : memref<!tpu.dma_semaphore, #tpu.memory_space<semaphore_mem>>) src(%arg13 : memref<32x128xf32, #tpu.memory_space<vmem>>) dst(%dma_wait3A_139 : memref<10000x128xf32, #tpu.memory_space<vmem_shared>>)
        %dma_wait3A_140 = arith.constant 0 : i32
        %dma_wait3A_141 = arith.constant 0 : i32
        %dma_wait3A_142 = tpu.memref_slice %arg10[%dma_wait3A_140, %dma_wait3A_141] : memref<40x32xi32, #tpu.memory_space<vmem>> -> memref<1x32xi32, #tpu.memory_space<vmem>>
        %dma_wait3A_143 = tpu.memref_squeeze %dma_wait3A_142 : memref<1x32xi32, #tpu.memory_space<vmem>> -> memref<32xi32, #tpu.memory_space<vmem>>
        %dma_wait3A_144 = arith.constant 0 : i32
        %dma_wait3A_145 = arith.constant 0 : i32
        %dma_wait3A_146 = tpu.memref_slice %arg12[%dma_wait3A_144, %dma_wait3A_145] : memref<10000x128xf32, #tpu.memory_space<vmem_shared>> -> memref<10000x128xf32, #tpu.memory_space<vmem_shared>>
        tpu.wait_indirect_dma semaphore(%arg22 : memref<!tpu.dma_semaphore, #tpu.memory_space<semaphore_mem>>) src(%arg14 : memref<32x128xf32, #tpu.memory_space<vmem>>) dst(%dma_wait3A_146 : memref<10000x128xf32, #tpu.memory_space<vmem_shared>>)
        %dma_wait3A_147 = arith.constant 0 : i32
        %dma_wait3A_148 = arith.constant 0 : i32
        %dma_wait3A_149 = tpu.memref_slice %arg10[%dma_wait3A_147, %dma_wait3A_148] : memref<40x32xi32, #tpu.memory_space<vmem>> -> memref<1x32xi32, #tpu.memory_space<vmem>>
        %dma_wait3A_150 = tpu.memref_squeeze %dma_wait3A_149 : memref<1x32xi32, #tpu.memory_space<vmem>> -> memref<32xi32, #tpu.memory_space<vmem>>
        %dma_wait3A_151 = arith.constant 0 : i32
        %dma_wait3A_152 = arith.constant 0 : i32
        %dma_wait3A_153 = tpu.memref_slice %arg12[%dma_wait3A_151, %dma_wait3A_152] : memref<10000x128xf32, #tpu.memory_space<vmem_shared>> -> memref<10000x128xf32, #tpu.memory_space<vmem_shared>>
        tpu.wait_indirect_dma semaphore(%arg23 : memref<!tpu.dma_semaphore, #tpu.memory_space<semaphore_mem>>) src(%arg15 : memref<32x128xf32, #tpu.memory_space<vmem>>) dst(%dma_wait3A_153 : memref<10000x128xf32, #tpu.memory_space<vmem_shared>>)
        %dma_wait3A_154 = arith.constant 0 : i32
        %dma_wait3A_155 = arith.constant 0 : i32
        %dma_wait3A_156 = tpu.memref_slice %arg10[%dma_wait3A_154, %dma_wait3A_155] : memref<40x32xi32, #tpu.memory_space<vmem>> -> memref<1x32xi32, #tpu.memory_space<vmem>>
        %dma_wait3A_157 = tpu.memref_squeeze %dma_wait3A_156 : memref<1x32xi32, #tpu.memory_space<vmem>> -> memref<32xi32, #tpu.memory_space<vmem>>
        %dma_wait3A_158 = arith.constant 0 : i32
        %dma_wait3A_159 = arith.constant 0 : i32
        %dma_wait3A_160 = tpu.memref_slice %arg12[%dma_wait3A_158, %dma_wait3A_159] : memref<10000x128xf32, #tpu.memory_space<vmem_shared>> -> memref<10000x128xf32, #tpu.memory_space<vmem_shared>>
        tpu.wait_indirect_dma semaphore(%arg24 : memref<!tpu.dma_semaphore, #tpu.memory_space<semaphore_mem>>) src(%arg16 : memref<32x128xf32, #tpu.memory_space<vmem>>) dst(%dma_wait3A_160 : memref<10000x128xf32, #tpu.memory_space<vmem_shared>>)
      } else {
      }
    }
    %scan3A_42 = arith.constant 4 : i32
    %barrier3A_43 = arith.constant 0 : index
    tpu.barrier barrier_id(%barrier3A_43)
    "tpu.region"() ({
      %run_scoped3A = tpu.sem_alloc : memref<!tpu.dma_semaphore, #tpu.memory_space<semaphore_mem>>
      %dma_start3A_54 = arith.constant 0 : i32
      %dma_start3A_55 = arith.constant 0 : i32
      %dma_start3A_56 = tpu.memref_slice %arg5[%arg0, %dma_start3A_54, %dma_start3A_55] : memref<2x10000x128xf32, #tpu.memory_space<hbm>> -> memref<1x10000x128xf32, #tpu.memory_space<hbm>>
      %dma_start3A_57 = tpu.memref_squeeze %dma_start3A_56 : memref<1x10000x128xf32, #tpu.memory_space<hbm>> -> memref<10000x128xf32, #tpu.memory_space<hbm>>
      %dma_start3A_58 = arith.constant 0 : i32
      %dma_start3A_59 = tpu.memref_slice %dma_start3A_57[%mul3A_7, %dma_start3A_58] : memref<10000x128xf32, #tpu.memory_space<hbm>> -> memref<624x128xf32, #tpu.memory_space<hbm>>
      %dma_start3A_60 = arith.constant 0 : i32
      %dma_start3A_61 = tpu.memref_slice %arg12[%mul3A_7, %dma_start3A_60] : memref<10000x128xf32, #tpu.memory_space<vmem_shared>> -> memref<624x128xf32, #tpu.memory_space<vmem_shared>>
      tpu.enqueue_dma source(%dma_start3A_61 : memref<624x128xf32, #tpu.memory_space<vmem_shared>>) target(%dma_start3A_59 : memref<624x128xf32, #tpu.memory_space<hbm>>) target_semaphore(%run_scoped3A : memref<!tpu.dma_semaphore, #tpu.memory_space<semaphore_mem>>)
      %dma_wait3A = arith.constant 0 : i32
      %dma_wait3A_62 = arith.constant 0 : i32
      %dma_wait3A_63 = tpu.memref_slice %arg5[%arg0, %dma_wait3A, %dma_wait3A_62] : memref<2x10000x128xf32, #tpu.memory_space<hbm>> -> memref<1x10000x128xf32, #tpu.memory_space<hbm>>
      %dma_wait3A_64 = tpu.memref_squeeze %dma_wait3A_63 : memref<1x10000x128xf32, #tpu.memory_space<hbm>> -> memref<10000x128xf32, #tpu.memory_space<hbm>>
      %dma_wait3A_65 = arith.constant 0 : i32
      %dma_wait3A_66 = tpu.memref_slice %dma_wait3A_64[%mul3A_7, %dma_wait3A_65] : memref<10000x128xf32, #tpu.memory_space<hbm>> -> memref<624x128xf32, #tpu.memory_space<hbm>>
      %dma_wait3A_67 = arith.constant 0 : i32
      %dma_wait3A_68 = tpu.memref_slice %arg12[%mul3A_7, %dma_wait3A_67] : memref<10000x128xf32, #tpu.memory_space<vmem_shared>> -> memref<624x128xf32, #tpu.memory_space<vmem_shared>>
      tpu.wait_dma2 semaphore(%run_scoped3A : memref<!tpu.dma_semaphore, #tpu.memory_space<semaphore_mem>>) src(%dma_wait3A_68 : memref<624x128xf32, #tpu.memory_space<vmem_shared>>) dst(%dma_wait3A_66 : memref<624x128xf32, #tpu.memory_space<hbm>>)
      tpu.yield
    }) : () -> ()
    %eq3A_44 = arith.constant 15 : i32
    %eq3A_45 = arith.cmpi eq, %arg1, %eq3A_44 : i32
    %convert_element_type3A_46 = arith.extui %eq3A_45 : i1 to i32
    %cond3A_47 = arith.constant 0 : i32
    %cond3A_48 = arith.cmpi ne, %convert_element_type3A_46, %cond3A_47 : i32
    scf.if %cond3A_48 {
      "tpu.region"() ({
        %run_scoped3A = tpu.sem_alloc : memref<!tpu.dma_semaphore, #tpu.memory_space<semaphore_mem>>
        %dma_start3A_54 = arith.constant 0 : i32
        %dma_start3A_55 = arith.constant 0 : i32
        %dma_start3A_56 = tpu.memref_slice %arg5[%arg0, %dma_start3A_54, %dma_start3A_55] : memref<2x10000x128xf32, #tpu.memory_space<hbm>> -> memref<1x10000x128xf32, #tpu.memory_space<hbm>>
        %dma_start3A_57 = tpu.memref_squeeze %dma_start3A_56 : memref<1x10000x128xf32, #tpu.memory_space<hbm>> -> memref<10000x128xf32, #tpu.memory_space<hbm>>
        %dma_start3A_58 = arith.constant 9984 : i32
        %dma_start3A_59 = arith.constant 0 : i32
        %dma_start3A_60 = tpu.memref_slice %dma_start3A_57[%dma_start3A_58, %dma_start3A_59] : memref<10000x128xf32, #tpu.memory_space<hbm>> -> memref<16x128xf32, #tpu.memory_space<hbm>>
        %dma_start3A_61 = arith.constant 9984 : i32
        %dma_start3A_62 = arith.constant 0 : i32
        %dma_start3A_63 = tpu.memref_slice %arg12[%dma_start3A_61, %dma_start3A_62] : memref<10000x128xf32, #tpu.memory_space<vmem_shared>> -> memref<16x128xf32, #tpu.memory_space<vmem_shared>>
        tpu.enqueue_dma source(%dma_start3A_63 : memref<16x128xf32, #tpu.memory_space<vmem_shared>>) target(%dma_start3A_60 : memref<16x128xf32, #tpu.memory_space<hbm>>) target_semaphore(%run_scoped3A : memref<!tpu.dma_semaphore, #tpu.memory_space<semaphore_mem>>)
        %dma_wait3A = arith.constant 0 : i32
        %dma_wait3A_64 = arith.constant 0 : i32
        %dma_wait3A_65 = tpu.memref_slice %arg5[%arg0, %dma_wait3A, %dma_wait3A_64] : memref<2x10000x128xf32, #tpu.memory_space<hbm>> -> memref<1x10000x128xf32, #tpu.memory_space<hbm>>
        %dma_wait3A_66 = tpu.memref_squeeze %dma_wait3A_65 : memref<1x10000x128xf32, #tpu.memory_space<hbm>> -> memref<10000x128xf32, #tpu.memory_space<hbm>>
        %dma_wait3A_67 = arith.constant 9984 : i32
        %dma_wait3A_68 = arith.constant 0 : i32
        %dma_wait3A_69 = tpu.memref_slice %dma_wait3A_66[%dma_wait3A_67, %dma_wait3A_68] : memref<10000x128xf32, #tpu.memory_space<hbm>> -> memref<16x128xf32, #tpu.memory_space<hbm>>
        %dma_wait3A_70 = arith.constant 9984 : i32
        %dma_wait3A_71 = arith.constant 0 : i32
        %dma_wait3A_72 = tpu.memref_slice %arg12[%dma_wait3A_70, %dma_wait3A_71] : memref<10000x128xf32, #tpu.memory_space<vmem_shared>> -> memref<16x128xf32, #tpu.memory_space<vmem_shared>>
        tpu.wait_dma2 semaphore(%run_scoped3A : memref<!tpu.dma_semaphore, #tpu.memory_space<semaphore_mem>>) src(%dma_wait3A_72 : memref<16x128xf32, #tpu.memory_space<vmem_shared>>) dst(%dma_wait3A_69 : memref<16x128xf32, #tpu.memory_space<hbm>>)
        tpu.yield
      }) : () -> ()
    } else {
    }
    %mul3A_49 = arith.constant 2 : i32
    %mul3A_50 = arith.muli %arg1, %mul3A_49 : i32
    %add3A_51 = arith.addi %mul3A_50, %arg0 : i32
    %mul3A_52 = arith.constant 10000 : i32
    %mul3A_53 = arith.muli %add3A_51, %mul3A_52 : i32
    "tpu.region"() ({
      %run_scoped3A = tpu.sem_alloc : memref<!tpu.dma_semaphore, #tpu.memory_space<semaphore_mem>>
      %dma_start3A_54 = tpu.memref_slice %arg6[%mul3A_53] : memref<320000xf32, #tpu.memory_space<hbm>> -> memref<10000xf32, #tpu.memory_space<hbm>>
      %dma_start3A_55 = tpu.memref_slice %arg6[%mul3A_53] : memref<320000xf32, #tpu.memory_space<hbm>> -> memref<10000xf32, #tpu.memory_space<hbm>>
      tpu.enqueue_dma source(%arg28 : memref<10000xf32, #tpu.memory_space<vmem>>) target(%dma_start3A_55 : memref<10000xf32, #tpu.memory_space<hbm>>) target_semaphore(%run_scoped3A : memref<!tpu.dma_semaphore, #tpu.memory_space<semaphore_mem>>)
      %dma_wait3A = tpu.memref_slice %arg6[%mul3A_53] : memref<320000xf32, #tpu.memory_space<hbm>> -> memref<10000xf32, #tpu.memory_space<hbm>>
      %dma_wait3A_56 = tpu.memref_slice %arg6[%mul3A_53] : memref<320000xf32, #tpu.memory_space<hbm>> -> memref<10000xf32, #tpu.memory_space<hbm>>
      tpu.wait_dma2 semaphore(%run_scoped3A : memref<!tpu.dma_semaphore, #tpu.memory_space<semaphore_mem>>) src(%arg28 : memref<10000xf32, #tpu.memory_space<vmem>>) dst(%dma_wait3A_56 : memref<10000xf32, #tpu.memory_space<hbm>>)
      tpu.yield
    }) : () -> ()
    return
  }
}

module attributes {stable_mosaic.version = 14 : i64} {
  func.func @_tc1a_body(%arg0: i32, %arg1: memref<1000x128xf32, #tpu.memory_space<vmem>>, %arg2: memref<128x256xf32, #tpu.memory_space<vmem>>, %arg3: memref<1x256xf32, #tpu.memory_space<vmem>>, %arg4: memref<1000x256xf32, #tpu.memory_space<vmem>>) attributes {dimension_semantics = [#tpu.dimension_semantics<arbitrary>], iteration_bounds = array<i64: 10>, scalar_prefetch = 0 : i64, scratch_operands = 0 : i64, tpu.core_type = #tpu.core_type<tc>, window_params = [{transform_indices = @transform_0, window_bounds = array<i64: 1000, 128>}, {pipeline_mode = #tpu.pipeline_mode<synchronous>, transform_indices = @transform_1, window_bounds = array<i64: 128, 256>}, {pipeline_mode = #tpu.pipeline_mode<synchronous>, transform_indices = @transform_2, window_bounds = array<i64: 1, 256>}, {transform_indices = @transform_3, window_bounds = array<i64: 1000, 256>}]} {
    %get3A = arith.constant 0 : index
    %get3A_0 = arith.constant 0 : index
    %get3A_1 = vector.load %arg1[%get3A, %get3A_0] : memref<1000x128xf32, #tpu.memory_space<vmem>>, vector<1000x128xf32>
    %get3A_2 = arith.constant 0 : index
    %get3A_3 = arith.constant 0 : index
    %get3A_4 = vector.load %arg2[%get3A_2, %get3A_3] : memref<128x256xf32, #tpu.memory_space<vmem>>, vector<128x256xf32>
    %dot_general3A = arith.constant dense<0.000000e+00> : vector<1000x256xf32>
    %dot_general3A_5 = tpu.matmul %get3A_1, %get3A_4, %dot_general3A {dimension_numbers = #tpu.dot_dimension_numbers<[1], [0], [0], [1], [0, 0, 1, 1], [], []>, transpose_lhs_hint = false} : vector<1000x128xf32>, vector<128x256xf32>, vector<1000x256xf32> -> vector<1000x256xf32>
    %get3A_6 = arith.constant 0 : index
    %get3A_7 = arith.constant 0 : index
    %get3A_8 = vector.load %arg3[%get3A_6, %get3A_7] : memref<1x256xf32, #tpu.memory_space<vmem>>, vector<1x256xf32>
    %add3A = vector.broadcast %get3A_8 : vector<1x256xf32> to vector<1000x256xf32>
    %add3A_9 = arith.addf %dot_general3A_5, %add3A : vector<1000x256xf32>
    %swap3A = arith.constant 0 : index
    %swap3A_10 = arith.constant 0 : index
    %swap3A_11 = vector.load %arg4[%swap3A, %swap3A_10] : memref<1000x256xf32, #tpu.memory_space<vmem>>, vector<1000x256xf32>
    tpu.vector_store %arg4[%swap3A, %swap3A_10], %add3A_9 {strides = array<i32>} : memref<1000x256xf32, #tpu.memory_space<vmem>>, vector<1000x256xf32>,
    return
  }
  func.func @transform_0(%arg0: i32) -> (i32, i32) {
    %c0_i32 = arith.constant 0 : i32
    %c0_i32_0 = arith.constant 0 : i32
    return %arg0, %c0_i32 : i32, i32
  }
  func.func @transform_1(%arg0: i32) -> (i32, i32) {
    %c0_i32 = arith.constant 0 : i32
    %c0_i32_0 = arith.constant 0 : i32
    %c0_i32_1 = arith.constant 0 : i32
    return %c0_i32, %c0_i32_0 : i32, i32
  }
  func.func @transform_2(%arg0: i32) -> (i32, i32) {
    %c0_i32 = arith.constant 0 : i32
    %c0_i32_0 = arith.constant 0 : i32
    %c0_i32_1 = arith.constant 0 : i32
    return %c0_i32, %c0_i32_0 : i32, i32
  }
  func.func @transform_3(%arg0: i32) -> (i32, i32) {
    %c0_i32 = arith.constant 0 : i32
    %c0_i32_0 = arith.constant 0 : i32
    return %arg0, %c0_i32 : i32, i32
  }
}

module attributes {stable_mosaic.version = 14 : i64} {
  func.func @_tc1b_body(%arg0: i32, %arg1: memref<2x1000x128xf32, #tpu.memory_space<vmem>>, %arg2: memref<1000x32xf32, #tpu.memory_space<vmem>>, %arg3: memref<1000x256xf32, #tpu.memory_space<vmem>>, %arg4: memref<128x256xf32, #tpu.memory_space<vmem>>, %arg5: memref<2x1000x128xf32, #tpu.memory_space<vmem>>) attributes {dimension_semantics = [#tpu.dimension_semantics<arbitrary>], iteration_bounds = array<i64: 10>, scalar_prefetch = 0 : i64, scratch_operands = 0 : i64, tpu.core_type = #tpu.core_type<tc>, window_params = [{transform_indices = @transform_0, window_bounds = array<i64: 2, 1000, 128>}, {transform_indices = @transform_1, window_bounds = array<i64: 1000, 32>}, {transform_indices = @transform_2, window_bounds = array<i64: 1000, 256>}, {pipeline_mode = #tpu.pipeline_mode<synchronous>, transform_indices = @transform_3, window_bounds = array<i64: 128, 256>}, {transform_indices = @transform_4, window_bounds = array<i64: 2, 1000, 128>}]} {
    %get3A = arith.constant 0 : index
    %get3A_0 = arith.constant 0 : index
    %get3A_1 = vector.load %arg2[%get3A, %get3A_0] : memref<1000x32xf32, #tpu.memory_space<vmem>>, vector<1000x32xf32>
    %reduce_sum3A = arith.constant dense<0.000000e+00> : vector<1000xf32>
    %reduce_sum3A_2 = vector.multi_reduction <add>, %get3A_1, %reduce_sum3A [1] : vector<1000x32xf32> to vector<1000xf32>
    %max3A = arith.constant 1.000000e+00 : f32
    %max3A_3 = vector.broadcast %max3A : f32 to vector<1000xf32>
    %max3A_4 = arith.maximumf %reduce_sum3A_2, %max3A_3 : vector<1000xf32>
    %div3A = arith.constant 1.000000e+00 : f32
    %div3A_5 = vector.broadcast %div3A : f32 to vector<1000xf32>
    %div3A_6 = arith.divf %div3A_5, %max3A_4 : vector<1000xf32>
    %get3A_7 = arith.constant 0 : index
    %get3A_8 = arith.constant 0 : index
    %get3A_9 = arith.constant 0 : index
    %get3A_10 = vector.load %arg1[%get3A_7, %get3A_8, %get3A_9] : memref<2x1000x128xf32, #tpu.memory_space<vmem>>, vector<1x1000x128xf32>
    %get3A_11 = vector.shape_cast %get3A_10 : vector<1x1000x128xf32> to vector<1000x128xf32>
    %get3A_12 = arith.constant 1 : index
    %get3A_13 = arith.constant 0 : index
    %get3A_14 = arith.constant 0 : index
    %get3A_15 = vector.load %arg1[%get3A_12, %get3A_13, %get3A_14] : memref<2x1000x128xf32, #tpu.memory_space<vmem>>, vector<1x1000x128xf32>
    %get3A_16 = vector.shape_cast %get3A_15 : vector<1x1000x128xf32> to vector<1000x128xf32>
    %add3A = arith.addf %get3A_11, %get3A_16 : vector<1000x128xf32>
    %broadcast_in_dim3A = vector.shape_cast %div3A_6 : vector<1000xf32> to vector<1000x1xf32>
    %mul3A = vector.broadcast %broadcast_in_dim3A : vector<1000x1xf32> to vector<1000x128xf32>
    %mul3A_17 = arith.mulf %add3A, %mul3A : vector<1000x128xf32>
    %get3A_18 = arith.constant 0 : index
    %get3A_19 = arith.constant 0 : index
    %get3A_20 = vector.load %arg4[%get3A_18, %get3A_19] : memref<128x256xf32, #tpu.memory_space<vmem>>, vector<128x256xf32>
    %dot_general3A = arith.constant dense<0.000000e+00> : vector<1000x256xf32>
    %dot_general3A_21 = tpu.matmul %mul3A_17, %get3A_20, %dot_general3A {dimension_numbers = #tpu.dot_dimension_numbers<[1], [0], [0], [1], [0, 0, 1, 1], [], []>, transpose_lhs_hint = false} : vector<1000x128xf32>, vector<128x256xf32>, vector<1000x256xf32> -> vector<1000x256xf32>
    %get3A_22 = arith.constant 0 : index
    %get3A_23 = arith.constant 0 : index
    %get3A_24 = vector.load %arg3[%get3A_22, %get3A_23] : memref<1000x256xf32, #tpu.memory_space<vmem>>, vector<1000x256xf32>
    %add3A_25 = arith.addf %dot_general3A_21, %get3A_24 : vector<1000x256xf32>
    %max3A_26 = arith.constant 0.000000e+00 : f32
    %max3A_27 = vector.broadcast %max3A_26 : f32 to vector<1000x256xf32>
    %max3A_28 = arith.maximumf %add3A_25, %max3A_27 : vector<1000x256xf32>
    %slice3A = vector.extract_strided_slice %max3A_28 {offsets = [0, 0], sizes = [1000, 128], strides = [1, 1]} : vector<1000x256xf32> to vector<1000x128xf32>
    %swap3A = arith.constant 0 : index
    %swap3A_29 = arith.constant 0 : index
    %swap3A_30 = arith.constant 0 : index
    %swap3A_31 = vector.load %arg5[%swap3A, %swap3A_29, %swap3A_30] : memref<2x1000x128xf32, #tpu.memory_space<vmem>>, vector<1x1000x128xf32>
    %swap3A_32 = vector.shape_cast %swap3A_31 : vector<1x1000x128xf32> to vector<1000x128xf32>
    %swap3A_33 = vector.shape_cast %slice3A : vector<1000x128xf32> to vector<1x1000x128xf32>
    tpu.vector_store %arg5[%swap3A, %swap3A_29, %swap3A_30], %swap3A_33 {strides = array<i32>} : memref<2x1000x128xf32, #tpu.memory_space<vmem>>, vector<1x1000x128xf32>,
    %slice3A_34 = vector.extract_strided_slice %max3A_28 {offsets = [0, 128], sizes = [1000, 128], strides = [1, 1]} : vector<1000x256xf32> to vector<1000x128xf32>
    %swap3A_35 = arith.constant 1 : index
    %swap3A_36 = arith.constant 0 : index
    %swap3A_37 = arith.constant 0 : index
    %swap3A_38 = vector.load %arg5[%swap3A_35, %swap3A_36, %swap3A_37] : memref<2x1000x128xf32, #tpu.memory_space<vmem>>, vector<1x1000x128xf32>
    %swap3A_39 = vector.shape_cast %swap3A_38 : vector<1x1000x128xf32> to vector<1000x128xf32>
    %swap3A_40 = vector.shape_cast %slice3A_34 : vector<1000x128xf32> to vector<1x1000x128xf32>
    tpu.vector_store %arg5[%swap3A_35, %swap3A_36, %swap3A_37], %swap3A_40 {strides = array<i32>} : memref<2x1000x128xf32, #tpu.memory_space<vmem>>, vector<1x1000x128xf32>,
    return
  }
  func.func @transform_0(%arg0: i32) -> (i32, i32, i32) {
    %c0_i32 = arith.constant 0 : i32
    %c0_i32_0 = arith.constant 0 : i32
    %c0_i32_1 = arith.constant 0 : i32
    return %c0_i32, %arg0, %c0_i32_0 : i32, i32, i32
  }
  func.func @transform_1(%arg0: i32) -> (i32, i32) {
    %c0_i32 = arith.constant 0 : i32
    %c0_i32_0 = arith.constant 0 : i32
    return %arg0, %c0_i32 : i32, i32
  }
  func.func @transform_2(%arg0: i32) -> (i32, i32) {
    %c0_i32 = arith.constant 0 : i32
    %c0_i32_0 = arith.constant 0 : i32
    return %arg0, %c0_i32 : i32, i32
  }
  func.func @transform_3(%arg0: i32) -> (i32, i32) {
    %c0_i32 = arith.constant 0 : i32
    %c0_i32_0 = arith.constant 0 : i32
    %c0_i32_1 = arith.constant 0 : i32
    return %c0_i32, %c0_i32_0 : i32, i32
  }
  func.func @transform_4(%arg0: i32) -> (i32, i32, i32) {
    %c0_i32 = arith.constant 0 : i32
    %c0_i32_0 = arith.constant 0 : i32
    %c0_i32_1 = arith.constant 0 : i32
    return %c0_i32, %arg0, %c0_i32_0 : i32, i32, i32
  }
}

module attributes {stable_mosaic.version = 14 : i64} {
  func.func @_tc2a_body(%arg0: i32, %arg1: memref<2x1000x128xf32, #tpu.memory_space<vmem>>, %arg2: memref<128x256xf32, #tpu.memory_space<vmem>>, %arg3: memref<128x256xf32, #tpu.memory_space<vmem>>, %arg4: memref<1x256xf32, #tpu.memory_space<vmem>>, %arg5: memref<1000x256xf32, #tpu.memory_space<vmem>>) attributes {dimension_semantics = [#tpu.dimension_semantics<arbitrary>], iteration_bounds = array<i64: 10>, scalar_prefetch = 0 : i64, scratch_operands = 0 : i64, tpu.core_type = #tpu.core_type<tc>, window_params = [{transform_indices = @transform_0, window_bounds = array<i64: 2, 1000, 128>}, {pipeline_mode = #tpu.pipeline_mode<synchronous>, transform_indices = @transform_1, window_bounds = array<i64: 128, 256>}, {pipeline_mode = #tpu.pipeline_mode<synchronous>, transform_indices = @transform_2, window_bounds = array<i64: 128, 256>}, {pipeline_mode = #tpu.pipeline_mode<synchronous>, transform_indices = @transform_3, window_bounds = array<i64: 1, 256>}, {transform_indices = @transform_4, window_bounds = array<i64: 1000, 256>}]} {
    %get3A = arith.constant 0 : index
    %get3A_0 = arith.constant 0 : index
    %get3A_1 = arith.constant 0 : index
    %get3A_2 = vector.load %arg1[%get3A, %get3A_0, %get3A_1] : memref<2x1000x128xf32, #tpu.memory_space<vmem>>, vector<1x1000x128xf32>
    %get3A_3 = vector.shape_cast %get3A_2 : vector<1x1000x128xf32> to vector<1000x128xf32>
    %get3A_4 = arith.constant 0 : index
    %get3A_5 = arith.constant 0 : index
    %get3A_6 = vector.load %arg2[%get3A_4, %get3A_5] : memref<128x256xf32, #tpu.memory_space<vmem>>, vector<128x256xf32>
    %dot_general3A = arith.constant dense<0.000000e+00> : vector<1000x256xf32>
    %dot_general3A_7 = tpu.matmul %get3A_3, %get3A_6, %dot_general3A {dimension_numbers = #tpu.dot_dimension_numbers<[1], [0], [0], [1], [0, 0, 1, 1], [], []>, transpose_lhs_hint = false} : vector<1000x128xf32>, vector<128x256xf32>, vector<1000x256xf32> -> vector<1000x256xf32>
    %get3A_8 = arith.constant 1 : index
    %get3A_9 = arith.constant 0 : index
    %get3A_10 = arith.constant 0 : index
    %get3A_11 = vector.load %arg1[%get3A_8, %get3A_9, %get3A_10] : memref<2x1000x128xf32, #tpu.memory_space<vmem>>, vector<1x1000x128xf32>
    %get3A_12 = vector.shape_cast %get3A_11 : vector<1x1000x128xf32> to vector<1000x128xf32>
    %get3A_13 = arith.constant 0 : index
    %get3A_14 = arith.constant 0 : index
    %get3A_15 = vector.load %arg3[%get3A_13, %get3A_14] : memref<128x256xf32, #tpu.memory_space<vmem>>, vector<128x256xf32>
    %dot_general3A_16 = arith.constant dense<0.000000e+00> : vector<1000x256xf32>
    %dot_general3A_17 = tpu.matmul %get3A_12, %get3A_15, %dot_general3A_16 {dimension_numbers = #tpu.dot_dimension_numbers<[1], [0], [0], [1], [0, 0, 1, 1], [], []>, transpose_lhs_hint = false} : vector<1000x128xf32>, vector<128x256xf32>, vector<1000x256xf32> -> vector<1000x256xf32>
    %add3A = arith.addf %dot_general3A_7, %dot_general3A_17 : vector<1000x256xf32>
    %get3A_18 = arith.constant 0 : index
    %get3A_19 = arith.constant 0 : index
    %get3A_20 = vector.load %arg4[%get3A_18, %get3A_19] : memref<1x256xf32, #tpu.memory_space<vmem>>, vector<1x256xf32>
    %add3A_21 = vector.broadcast %get3A_20 : vector<1x256xf32> to vector<1000x256xf32>
    %add3A_22 = arith.addf %add3A, %add3A_21 : vector<1000x256xf32>
    %swap3A = arith.constant 0 : index
    %swap3A_23 = arith.constant 0 : index
    %swap3A_24 = vector.load %arg5[%swap3A, %swap3A_23] : memref<1000x256xf32, #tpu.memory_space<vmem>>, vector<1000x256xf32>
    tpu.vector_store %arg5[%swap3A, %swap3A_23], %add3A_22 {strides = array<i32>} : memref<1000x256xf32, #tpu.memory_space<vmem>>, vector<1000x256xf32>,
    return
  }
  func.func @transform_0(%arg0: i32) -> (i32, i32, i32) {
    %c0_i32 = arith.constant 0 : i32
    %c0_i32_0 = arith.constant 0 : i32
    %c0_i32_1 = arith.constant 0 : i32
    return %c0_i32, %arg0, %c0_i32_0 : i32, i32, i32
  }
  func.func @transform_1(%arg0: i32) -> (i32, i32) {
    %c0_i32 = arith.constant 0 : i32
    %c0_i32_0 = arith.constant 0 : i32
    %c0_i32_1 = arith.constant 0 : i32
    return %c0_i32, %c0_i32_0 : i32, i32
  }
  func.func @transform_2(%arg0: i32) -> (i32, i32) {
    %c0_i32 = arith.constant 0 : i32
    %c0_i32_0 = arith.constant 0 : i32
    %c0_i32_1 = arith.constant 0 : i32
    return %c0_i32, %c0_i32_0 : i32, i32
  }
  func.func @transform_3(%arg0: i32) -> (i32, i32) {
    %c0_i32 = arith.constant 0 : i32
    %c0_i32_0 = arith.constant 0 : i32
    %c0_i32_1 = arith.constant 0 : i32
    return %c0_i32, %c0_i32_0 : i32, i32
  }
  func.func @transform_4(%arg0: i32) -> (i32, i32) {
    %c0_i32 = arith.constant 0 : i32
    %c0_i32_0 = arith.constant 0 : i32
    return %arg0, %c0_i32 : i32, i32
  }
}

module attributes {stable_mosaic.version = 14 : i64} {
  func.func @_tc2b_body(%arg0: i32, %arg1: memref<2x1000x128xf32, #tpu.memory_space<vmem>>, %arg2: memref<1000x32xf32, #tpu.memory_space<vmem>>, %arg3: memref<1000x256xf32, #tpu.memory_space<vmem>>, %arg4: memref<128x256xf32, #tpu.memory_space<vmem>>, %arg5: memref<128x256xf32, #tpu.memory_space<vmem>>, %arg6: memref<256x2xf32, #tpu.memory_space<vmem>>, %arg7: memref<1x2xf32, #tpu.memory_space<vmem>>, %arg8: memref<1000x2xf32, #tpu.memory_space<vmem>>) attributes {dimension_semantics = [#tpu.dimension_semantics<arbitrary>], iteration_bounds = array<i64: 10>, scalar_prefetch = 0 : i64, scratch_operands = 0 : i64, tpu.core_type = #tpu.core_type<tc>, window_params = [{transform_indices = @transform_0, window_bounds = array<i64: 2, 1000, 128>}, {transform_indices = @transform_1, window_bounds = array<i64: 1000, 32>}, {transform_indices = @transform_2, window_bounds = array<i64: 1000, 256>}, {pipeline_mode = #tpu.pipeline_mode<synchronous>, transform_indices = @transform_3, window_bounds = array<i64: 128, 256>}, {pipeline_mode = #tpu.pipeline_mode<synchronous>, transform_indices = @transform_4, window_bounds = array<i64: 128, 256>}, {pipeline_mode = #tpu.pipeline_mode<synchronous>, transform_indices = @transform_5, window_bounds = array<i64: 256, 2>}, {pipeline_mode = #tpu.pipeline_mode<synchronous>, transform_indices = @transform_6, window_bounds = array<i64: 1, 2>}, {transform_indices = @transform_7, window_bounds = array<i64: 1000, 2>}]} {
    %get3A = arith.constant 0 : index
    %get3A_0 = arith.constant 0 : index
    %get3A_1 = vector.load %arg2[%get3A, %get3A_0] : memref<1000x32xf32, #tpu.memory_space<vmem>>, vector<1000x32xf32>
    %reduce_sum3A = arith.constant dense<0.000000e+00> : vector<1000xf32>
    %reduce_sum3A_2 = vector.multi_reduction <add>, %get3A_1, %reduce_sum3A [1] : vector<1000x32xf32> to vector<1000xf32>
    %max3A = arith.constant 1.000000e+00 : f32
    %max3A_3 = vector.broadcast %max3A : f32 to vector<1000xf32>
    %max3A_4 = arith.maximumf %reduce_sum3A_2, %max3A_3 : vector<1000xf32>
    %div3A = arith.constant 1.000000e+00 : f32
    %div3A_5 = vector.broadcast %div3A : f32 to vector<1000xf32>
    %div3A_6 = arith.divf %div3A_5, %max3A_4 : vector<1000xf32>
    %get3A_7 = arith.constant 0 : index
    %get3A_8 = arith.constant 0 : index
    %get3A_9 = arith.constant 0 : index
    %get3A_10 = vector.load %arg1[%get3A_7, %get3A_8, %get3A_9] : memref<2x1000x128xf32, #tpu.memory_space<vmem>>, vector<1x1000x128xf32>
    %get3A_11 = vector.shape_cast %get3A_10 : vector<1x1000x128xf32> to vector<1000x128xf32>
    %broadcast_in_dim3A = vector.shape_cast %div3A_6 : vector<1000xf32> to vector<1000x1xf32>
    %mul3A = vector.broadcast %broadcast_in_dim3A : vector<1000x1xf32> to vector<1000x128xf32>
    %mul3A_12 = arith.mulf %get3A_11, %mul3A : vector<1000x128xf32>
    %get3A_13 = arith.constant 0 : index
    %get3A_14 = arith.constant 0 : index
    %get3A_15 = vector.load %arg4[%get3A_13, %get3A_14] : memref<128x256xf32, #tpu.memory_space<vmem>>, vector<128x256xf32>
    %dot_general3A = arith.constant dense<0.000000e+00> : vector<1000x256xf32>
    %dot_general3A_16 = tpu.matmul %mul3A_12, %get3A_15, %dot_general3A {dimension_numbers = #tpu.dot_dimension_numbers<[1], [0], [0], [1], [0, 0, 1, 1], [], []>, transpose_lhs_hint = false} : vector<1000x128xf32>, vector<128x256xf32>, vector<1000x256xf32> -> vector<1000x256xf32>
    %get3A_17 = arith.constant 1 : index
    %get3A_18 = arith.constant 0 : index
    %get3A_19 = arith.constant 0 : index
    %get3A_20 = vector.load %arg1[%get3A_17, %get3A_18, %get3A_19] : memref<2x1000x128xf32, #tpu.memory_space<vmem>>, vector<1x1000x128xf32>
    %get3A_21 = vector.shape_cast %get3A_20 : vector<1x1000x128xf32> to vector<1000x128xf32>
    %broadcast_in_dim3A_22 = vector.shape_cast %div3A_6 : vector<1000xf32> to vector<1000x1xf32>
    %mul3A_23 = vector.broadcast %broadcast_in_dim3A_22 : vector<1000x1xf32> to vector<1000x128xf32>
    %mul3A_24 = arith.mulf %get3A_21, %mul3A_23 : vector<1000x128xf32>
    %get3A_25 = arith.constant 0 : index
    %get3A_26 = arith.constant 0 : index
    %get3A_27 = vector.load %arg5[%get3A_25, %get3A_26] : memref<128x256xf32, #tpu.memory_space<vmem>>, vector<128x256xf32>
    %dot_general3A_28 = arith.constant dense<0.000000e+00> : vector<1000x256xf32>
    %dot_general3A_29 = tpu.matmul %mul3A_24, %get3A_27, %dot_general3A_28 {dimension_numbers = #tpu.dot_dimension_numbers<[1], [0], [0], [1], [0, 0, 1, 1], [], []>, transpose_lhs_hint = false} : vector<1000x128xf32>, vector<128x256xf32>, vector<1000x256xf32> -> vector<1000x256xf32>
    %add3A = arith.addf %dot_general3A_16, %dot_general3A_29 : vector<1000x256xf32>
    %get3A_30 = arith.constant 0 : index
    %get3A_31 = arith.constant 0 : index
    %get3A_32 = vector.load %arg3[%get3A_30, %get3A_31] : memref<1000x256xf32, #tpu.memory_space<vmem>>, vector<1000x256xf32>
    %add3A_33 = arith.addf %add3A, %get3A_32 : vector<1000x256xf32>
    %max3A_34 = arith.constant 0.000000e+00 : f32
    %max3A_35 = vector.broadcast %max3A_34 : f32 to vector<1000x256xf32>
    %max3A_36 = arith.maximumf %add3A_33, %max3A_35 : vector<1000x256xf32>
    %get3A_37 = arith.constant 0 : index
    %get3A_38 = arith.constant 0 : index
    %get3A_39 = vector.load %arg6[%get3A_37, %get3A_38] : memref<256x2xf32, #tpu.memory_space<vmem>>, vector<256x2xf32>
    %dot_general3A_40 = arith.constant dense<0.000000e+00> : vector<1000x2xf32>
    %dot_general3A_41 = tpu.matmul %max3A_36, %get3A_39, %dot_general3A_40 {dimension_numbers = #tpu.dot_dimension_numbers<[1], [0], [0], [1], [0, 0, 1, 1], [], []>, transpose_lhs_hint = false} : vector<1000x256xf32>, vector<256x2xf32>, vector<1000x2xf32> -> vector<1000x2xf32>
    %get3A_42 = arith.constant 0 : index
    %get3A_43 = arith.constant 0 : index
    %get3A_44 = vector.load %arg7[%get3A_42, %get3A_43] : memref<1x2xf32, #tpu.memory_space<vmem>>, vector<1x2xf32>
    %add3A_45 = vector.broadcast %get3A_44 : vector<1x2xf32> to vector<1000x2xf32>
    %add3A_46 = arith.addf %dot_general3A_41, %add3A_45 : vector<1000x2xf32>
    %swap3A = arith.constant 0 : index
    %swap3A_47 = arith.constant 0 : index
    %swap3A_48 = vector.load %arg8[%swap3A, %swap3A_47] : memref<1000x2xf32, #tpu.memory_space<vmem>>, vector<1000x2xf32>
    tpu.vector_store %arg8[%swap3A, %swap3A_47], %add3A_46 {strides = array<i32>} : memref<1000x2xf32, #tpu.memory_space<vmem>>, vector<1000x2xf32>,
    return
  }
  func.func @transform_0(%arg0: i32) -> (i32, i32, i32) {
    %c0_i32 = arith.constant 0 : i32
    %c0_i32_0 = arith.constant 0 : i32
    %c0_i32_1 = arith.constant 0 : i32
    return %c0_i32, %arg0, %c0_i32_0 : i32, i32, i32
  }
  func.func @transform_1(%arg0: i32) -> (i32, i32) {
    %c0_i32 = arith.constant 0 : i32
    %c0_i32_0 = arith.constant 0 : i32
    return %arg0, %c0_i32 : i32, i32
  }
  func.func @transform_2(%arg0: i32) -> (i32, i32) {
    %c0_i32 = arith.constant 0 : i32
    %c0_i32_0 = arith.constant 0 : i32
    return %arg0, %c0_i32 : i32, i32
  }
  func.func @transform_3(%arg0: i32) -> (i32, i32) {
    %c0_i32 = arith.constant 0 : i32
    %c0_i32_0 = arith.constant 0 : i32
    %c0_i32_1 = arith.constant 0 : i32
    return %c0_i32, %c0_i32_0 : i32, i32
  }
  func.func @transform_4(%arg0: i32) -> (i32, i32) {
    %c0_i32 = arith.constant 0 : i32
    %c0_i32_0 = arith.constant 0 : i32
    %c0_i32_1 = arith.constant 0 : i32
    return %c0_i32, %c0_i32_0 : i32, i32
  }
  func.func @transform_5(%arg0: i32) -> (i32, i32) {
    %c0_i32 = arith.constant 0 : i32
    %c0_i32_0 = arith.constant 0 : i32
    %c0_i32_1 = arith.constant 0 : i32
    return %c0_i32, %c0_i32_0 : i32, i32
  }
  func.func @transform_6(%arg0: i32) -> (i32, i32) {
    %c0_i32 = arith.constant 0 : i32
    %c0_i32_0 = arith.constant 0 : i32
    %c0_i32_1 = arith.constant 0 : i32
    return %c0_i32, %c0_i32_0 : i32, i32
  }
  func.func @transform_7(%arg0: i32) -> (i32, i32) {
    %c0_i32 = arith.constant 0 : i32
    %c0_i32_0 = arith.constant 0 : i32
    return %arg0, %c0_i32 : i32, i32
  }
}

</mosaic_0001>

<sc_bundles>
// kernel: kernel.11.cloned.1.call-start
scs
__scs_entry_jumppad:
0x0: {  	(pc) =	sbr.rel $0x88, $3  }
0x1: {  	(tag) =	ssettag $0x0;
	lr =	simm.s32 $0x1  }
0x2: {  	[smem:$0x3F97] =	sst lr;
	_ =	strace $0xD0000000  }
0x3: {  	_ = 	snop  }
0x4: {  	_ = 	snop  }
0x5: {  	_ = 	snop  }
0x6: {  	_ = 	snop  }
0x7: {  	_ = 	snop  }
__scs_overlays_trampoline_lowered:
0x8: {  	[smem:$0x3FA6] =	sst s0  }
0x9: {  	[smem:$0x3FA7] =	sst s1  }
0xa: {  	[smem:$0x3FA8] =	sst s2  }
0xb: {  	[smem:$0x3FA9] =	sst s3  }
0xc: {  	[smem:$0x3FAA] =	sst s4  }
0xd: {  	[smem:$0x3FAB] =	sst s5  }
0xe: {  	[smem:$0x3FAC] =	sst s6  }
0xf: {  	[smem:$0x3FAD] =	sst s7  }
0x10: {  	[smem:$0x3FAE] =	sst s8  }
0x11: {  	[smem:$0x3FAF] =	sst s9;
	s0 =	simm.s32 @!p0 $0x0  }
0x12: {  	s1 =	sld [smem:$0x3F95];
	s0 =	simm.s32 @p0 $0x1  }
0x13: {  	[smem:$0x3FB0] =	sst s0;
	s0 =	simm.s32 @!p1 $0x0  }
0x14: {  	s2 =	sld [smem:$0x3F94];
	s0 =	simm.s32 @p1 $0x1  }
0x15: {  	[smem:$0x3FB1] =	sst s0;
	s0 =	simm.s32 @!p2 $0x0  }
0x16: {  	s3 =	sld [smem:$0x3FDB];
	s0 =	simm.s32 @p2 $0x1  }
0x17: {  	s4 =	simm.s32 $0x1BF5;
	[smem:$0x3FB3] =	sst s0  }
0x18: {  	s0 =	sld [smem:$0x3F96];
	_ =	swait.ge [sflag:s4], $0x0  }
0x19: {  	s7 =	sld [smem:$0x3F97]  }
0x1a: {  	s8 =	sadd.s32 $0xFFFFE003, lr  }
0x1b: {  	s9 =	sadd.s32 $0xFFFFFEF7, lr;
	s5 =	simm.s32 $0xFFFFFFFF;
	p2 =	slt.u32 s8, $0xFFFFF086  }
0x1c: {  	p1 =	slt.u32 s9, $0xF7A;
	s5 =	simm.s32 @!p2 $0x0  }
0x1d: {  	s5 =	simm.s32 @p1 $0x1;
	p0 =	seq.s32 s7, s2  }
0x1e: {  	s7 =	smul.u32 @!p0 $0xF7A, s2;
	p2 =	seq.s32 @!p0 s5, $0x0  }
0x1f: {  	s9 =	smul.u32 $0xF7A, s1;
	s8 =	simm.s32 @!p0 $0x1BF5;
	p2 =	por !p2, p0  }
0x20: {  	[sflag:s8] =	ssyncset.s32 @!p0 $0xFFFFF086;
	s6 =	sadd.s32 @!p0 s3, s7;
	s7 =	simm.s32 @!p0 $0x108  }
0x21: {  	s3 =	sadd.s32 s3, s9;
	s6 =	sadd.s32 @!p0 $0x88, s6;
	s7 =	simm.s32 @p2 $0x1082  }
0x22: {  	[simem:s7], [sflag:s8] =	dma.local @!p0 [hbm:s6], $0xF7A  }
0x23: {  	s9 =	sor.u32 $0xD0000000, s2;
	s6 =	simm.s32 $0x108;
	_ =	swait.ge @!p0 [sflag:s8], $0x0  }
0x24: {  	s3 =	sadd.s32 $0x88, s3;
	s6 =	simm.s32 @!p1 $0x1082;
	[sflag:s4] =	ssyncset.s32 $0xFFFFF086  }
0x25: {  	[simem:s6], [sflag:s4] =	dma.local [hbm:s3], $0xF7A  }
0x26: {  	[smem:$0x3F97] =	sst s1;
	(tag) =	ssettag s2;
	_ =	strace s9  }
0x27: {  	s1 =	sld [smem:$0x3FA7]  }
0x28: {  	s2 =	sld [smem:$0x3FA8]  }
0x29: {  	s4 =	sld [smem:$0x3FAA]  }
0x2a: {  	p0 =	seq.s32 s5, $0x0;
	s5 =	sld [smem:$0x3FAB]  }
0x2b: {  	s6 =	sld [smem:$0x3FAC]  }
0x2c: {  	s7 =	sld [smem:$0x3FAD]  }
0x2d: {  	s3 =	simm.s32 $0x108;
	s8 =	sld [smem:$0x3FAE]  }
0x2e: {  	s3 =	simm.s32 @!p0 $0x1082;
	s9 =	sld [smem:$0x3FAF]  }
0x2f: {  	lr =	sadd.s32 s0, s3;
	s0 =	sld [smem:$0x3FA6]  }
0x30: {  	s3 =	sld [smem:$0x3FA9]  }
0x31: {  	[smem:$0x3FB2] =	sst s10  }
0x32: {  	s10 =	sld [smem:$0x3FB0];
	_ =	sdelay $0x3  }
0x33: {  	p0 =	seq.s32 s10, $0x1;
	s10 =	sld [smem:$0x3FB2];
	_ =	sdelay $0x3  }
0x34: {  	[smem:$0x3FB2] =	sst s10  }
0x35: {  	s10 =	sld [smem:$0x3FB1];
	_ =	sdelay $0x3  }
0x36: {  	p1 =	seq.s32 s10, $0x1;
	s10 =	sld [smem:$0x3FB2];
	_ =	sdelay $0x3  }
0x37: {  	[smem:$0x3FB2] =	sst s10  }
0x38: {  	s10 =	sld [smem:$0x3FB3]  }
0x39: {  	_ = 	snop;
	(pc) =	sbr.ind lr, $3  }
0x3a: {  	_ = 	snop  }
0x3b: {  	_ = 	snop  }
0x3c: {  	p2 =	seq.s32 s10, $0x1;
	s10 =	sld [smem:$0x3FB2]  }
0x3d: {  	_ =	shalt  }
0x3e: {  	_ =	shalt  }
0x3f: {  	_ =	shalt  }
0x40: {  	_ =	shalt  }
0x41: {  	_ =	shalt  }
0x42: {  	_ =	shalt  }
0x43: {  	_ =	shalt  }
0x44: {  	_ =	shalt  }
0x45: {  	_ =	shalt  }
0x46: {  	_ =	shalt  }
0x47: {  	_ =	shalt  }
0x48: {  	_ =	shalt  }
0x49: {  	_ =	shalt  }
0x4a: {  	_ =	shalt  }
0x4b: {  	_ =	shalt  }
0x4c: {  	_ =	shalt  }
0x4d: {  	_ =	shalt  }
0x4e: {  	_ =	shalt  }
0x4f: {  	_ =	shalt  }
0x50: {  	_ =	shalt  }
0x51: {  	_ =	shalt  }
0x52: {  	_ =	shalt  }
0x53: {  	_ =	shalt  }
0x54: {  	_ =	shalt  }
0x55: {  	_ =	shalt  }
0x56: {  	_ =	shalt  }
0x57: {  	_ =	shalt  }
0x58: {  	_ =	shalt  }
0x59: {  	_ =	shalt  }
0x5a: {  	_ =	shalt  }
0x5b: {  	_ =	shalt  }
0x5c: {  	_ =	shalt  }
0x5d: {  	_ =	shalt  }
0x5e: {  	_ =	shalt  }
0x5f: {  	_ =	shalt  }
0x60: {  	_ =	shalt  }
0x61: {  	_ =	shalt  }
0x62: {  	_ =	shalt  }
0x63: {  	_ =	shalt  }
0x64: {  	_ =	shalt  }
0x65: {  	_ =	shalt  }
0x66: {  	_ =	shalt  }
0x67: {  	_ =	shalt  }
0x68: {  	_ =	shalt  }
0x69: {  	_ =	shalt  }
0x6a: {  	_ =	shalt  }
0x6b: {  	_ =	shalt  }
0x6c: {  	_ =	shalt  }
0x6d: {  	_ =	shalt  }
0x6e: {  	_ =	shalt  }
0x6f: {  	_ =	shalt  }
0x70: {  	_ =	shalt  }
0x71: {  	_ =	shalt  }
0x72: {  	_ =	shalt  }
0x73: {  	_ =	shalt  }
0x74: {  	_ =	shalt  }
0x75: {  	_ =	shalt  }
0x76: {  	_ =	shalt  }
0x77: {  	_ =	shalt  }
0x78: {  	_ =	shalt  }
0x79: {  	_ =	shalt  }
0x7a: {  	_ =	shalt  }
0x7b: {  	_ =	shalt  }
0x7c: {  	_ =	shalt  }
0x7d: {  	_ =	shalt  }
0x7e: {  	_ =	shalt  }
0x7f: {  	_ =	shalt  }
0x80: {  	_ =	shalt  }
0x81: {  	_ =	shalt  }
0x82: {  	_ =	shalt  }
0x83: {  	_ =	shalt  }
0x84: {  	_ =	shalt  }
0x85: {  	_ =	shalt  }
0x86: {  	_ =	shalt  }
0x87: {  	_ =	shalt  }
.Lfunc_end0:
.L_simem_size_0:
called_computation.1_lowered:
.L_overlay_start_0:
0x88: {  	s2 =	sld [smem:$0x3FD9]  }
0x89: {  	s3 =	sld [smem:$0x3FFE];
	_ =	sdelay $0x1  }
0x8a: {  	s1 =	srdreg.scid  }
0x8b: {  	s0 =	sand.u32 $0x1, s1  }
0x8c: {  	s16 =	sshll.u32 s0, $0xA;
	s2 =	sadd.s32 s3, s2  }
0x8d: {  	s2 =	sadd.s32 s2, s16  }
0x8e: {  	[smem:$0x3FBE] =	sst s2  }
0x8f: {  	_ = 	snop  }
0x90: {  	(tm) =	ssettm $0x1  }
0x91: {  	s17 =	sld [smem:$0x3FFB];
	_ =	sdelay $0x3  }
0x92: {  	_ =	strace s17  }
0x93: {  	s2 =	sld [smem:$0x3FFC];
	_ =	sdelay $0x3  }
0x94: {  	_ =	strace s2  }
0x95: {  	s2 =	sld [smem:$0x3FFD];
	_ =	sdelay $0x3  }
0x96: {  	_ =	strace s2  }
0x97: {  	_ =	strace $0x8FFFFFFF  }
0x98: {  	s18 =	sld [smem:$0x3FDB];
	_ =	sdelay $0x1  }
0x99: {  	s19 =	simm.s32 $_scs_section_size  }
0x9a: {  	s4 =	simm.s32 $_size__tile_overlayer_lowered;
	s5 =	simm.s32 $_tile_overlayer_lowered  }
0x9b: {  	s22 =	simm.s32 $0x1BFF;
	s21 =	sshll.u32 s5, $0x1;
	s2 =	sadd.s32 s19, s18  }
0x9c: {  	s6 =	simm.s32 $0x0;
	s20 =	sshll.u32 s4, $0x1;
	s4 =	sadd.s32 s21, s2  }
0x9d: {  	[timem:s6], [sflag:s22] =	dma.local [hbm:s4], s20  }
0x9e: {  	_ =	swait.ge [sflag:s22], s20  }
0x9f: {  	s3 =	ssub.s32 $0x0, s20;
	[sflag:s22] =	ssyncset.done $0x0  }
0xa0: {  	[sflag:s22] =	ssyncadd.s32 s3;
	_ =	sdelay $0x1  }
0xa1: {  	s23 =	simm.s32 $0x1B8B  }
0xa2: {  	_ =	swait.ge [sflag:s23], $0x1  }
0xa3: {  	[sflag:s23] =	ssyncset.done $0x0  }
0xa4: {  	s25 =	simm.s32 $0x1B8E;
	s24 =	sld [smem:$0x3FFE];
	[sflag:s23] =	ssyncadd.s32 $0xFFFFFFFF  }
0xa5: {  	s26 =	simm.s32 $execute0_lowered;
	[smem:$0x3FD2] =	sst s25  }
0xa6: {  	s4 =	sshll.u32 s26, $0x1;
	_ =	strace $0x80000049;
	[dreg:$0x1] =	wrdreg $0xFFFFFFFF  }
0xa7: {  	s28 =	simm.s32 $_size_execute0_lowered;
	s2 =	sadd.s32 s2, s4;
	[dreg:$0x0] =	wrdreg $0x0  }
0xa8: {  	s4 =	sshll.u32 s28, $0x1;
	[dreg:$0x2] =	wrdreg s2  }
0xa9: {  	[dreg:$0x3] =	wrdreg s4  }
0xaa: {  	[dreg:$0x4] =	wrdreg $0xC0  }
0xab: {  	_ =	task [dreg:s6], $0x5FFFF  }
0xac: {  	[dreg:$0x1] =	wrdreg $0xFFFFFFFF  }
0xad: {  	[dreg:$0x0] =	wrdreg $0x60  }
0xae: {  	[dreg:$0x2] =	wrdreg s24  }
0xaf: {  	[dreg:$0x3] =	wrdreg $0x2C000  }
0xb0: {  	[dreg:$0x4] =	wrdreg $0x9  }
0xb1: {  	_ =	task.clear_ibuf [dreg:s6], $0x5FFFF;
	_ =	strace $0x90000049  }
0xb2: {  	s29 =	simm.s32 $0x9;
	_ =	strace $0x8000004B  }
0xb3: {  	_ =	swait.ge [sflag:s29], $0x1  }
0xb4: {  	[sflag:s29] =	ssyncadd.s32 $0xFFFFFFFF  }
0xb5: {  	_ =	strace $0x9000004B  }
0xb6: {  	_ =	sfence  }
0xb7: {  	s30 =	sld [smem:$0x0];
	_ =	sdelay $0x2  }
0xb8: {  	s31 =	sshll.u32 s1, $0xD;
	s1 =	sshrl.u32 s1, $0x2  }
0xb9: {  	s3 =	sand.u32 $0x4000, s31;
	s1 =	sadd.s32 s1, s30  }
0xba: {  	s0 =	sor.u32 s3, s0;
	s1 =	sshll.u32 s1, $0x11  }
0xbb: {  	s0 =	sor.u32 s1, s0  }
0xbc: {  	s0 =	sadd.s32 $0x8F2B, s0  }
0xbd: {  	[sflag:s0] =	ssyncadd.remote.s32 $0x1  }
0xbe: {  	_ =	sfence.sel $0xFFFF  }
0xbf: {  	[dreg:$0x0] =	wrdreg $0xFFFFFFFF;
	(pc) =	sbr.abs _section_cstart, $3  }
0xc0: {  	[dreg:$0x1] =	wrdreg $0xFFFFFFFF  }
0xc1: {  	_ =	task.clear_ibuf [dreg:s6], $0x2FFFF;
	_ =	strace $0x9FFFFFFF  }
0xc2: {  	(tm) =	ssettm $0x7FFFFFFF  }
0xc3: {  	_ =	shalt  }
tec
execute0_lowered:
.L_overlay_start_1:
0x0: {  	(tag) =	ssettag $0x1  }
0x1: {  	s0 =	rddreg [dreg:$0x0]  }
0x2: {  	s1 =	rddreg [dreg:$0x1];
	s13 =	simm.s32 $0x0;
	s2 =	srdreg.scid  }
0x3: {  	s10 =	stileid.u32;
	s15 =	simm.s32 $0x2800;
	s14 =	simm.s32 $0x9  }
0x4: {  	s16 =	simm.s32 $0xA;
	s17 =	simm.s32 $0x40;
	s18 =	simm.s32 $0x16480  }
0x5: {  	s20 =	simm.s32 $0x18480;
	s28 =	simm.s32 $0x2;
	s29 =	simm.s32 $0x3  }
0x6: {  	s30 =	simm.s32 $0x4;
	s31 =	simm.s32 $0x5;
	s11 =	simm.s32 $0x7  }
0x7: {  	s12 =	simm.s32 $0x8;
	[smem:$0x7FF] =	sst s13;
	s2 =	sand.u32 $0x1, s2  }
0x8: {  	s4 =	sadd.s32 $0x3400, s0;
	s8 =	smul.u32 $0x4E000, s10;
	s5 =	sadd.s32 $0xA9800, s0  }
0x9: {  	s6 =	sadd.s32 $0xBD200, s0;
	s23 =	ssub.s32 $0x8C, s10;
	s25 =	smul.u32 $0x2700, s10  }
0xa: {  	s19 =	sadd.s32 $0x138000, s1;
	s26 =	sadd.s32 $0x138400, s1;
	p0 =	sne.s32 s10, $0xF  }
0xb: {  	s10 =	simm.s32 $0x2700;
	_ =	strace $0x8000004A;
	s3 =	smul.u32 $0x27100, s2  }
0xc: {  	s7 =	ssub.s32 $0x2, s2;
	s2 =	smul.u32 $0x2710, s2;
	[dreg:$0x7] =	wrdreg s26  }
0xd: {  	s26 =	simm.s32 $0x1;
	[dreg:$0x5] =	wrdreg s19;
	s9 =	sshrl.u32 s7, $0x1  }
0xe: {  	s22 =	sshrl.u32 s8, $0x2;
	s8 =	sshrl.u32 s23, $0x4;
	s23 =	simm.s32 $0x180  }
0xf: {  	s0 =	sadd.s32 s3, s0;
	s21 =	ssub.s32 s7, s9;
	s7 =	sadd.s32 s22, s1  }
0x10: {  	s22 =	simm.s32 $0x1A480;
	s9 =	simm.s32 $0x2600;
	s3 =	smax.u32 s21, $0x1  }
0x11: {  	v0 =	vmov s2;
	s2 =	simm.s32 $0x2780;
	s24 =	sadd.s32 $0x51600, s0;
	[dreg:$0x6] =	wrdreg s3  }
0x12: {  	[dreg:$0x4] =	wrdreg s24;
	s0 =	sadd.s32 s25, s24;
	s25 =	simm.s32 $0x1C480  }
0x13: {  	v1 =	vimm.f32 $0.0e+00;
	s24 =	simm.s32 $0x2680;
	[dreg:$0x8] =	wrdreg s0;
	s0 =	simm.s32 $0x6  }
.LBB2_1:
0x14: {  	[tilespmem:$0x2800] =	vst v1  }
0x15: {  	[tilespmem:$0x2810] =	vst v1  }
0x16: {  	[tilespmem:$0x2820] =	vst v1  }
0x17: {  	[tilespmem:$0x2830] =	vst v1  }
0x18: {  	[tilespmem:$0x2840] =	vst v1  }
0x19: {  	[tilespmem:$0x2850] =	vst v1  }
0x1a: {  	[tilespmem:$0x2860] =	vst v1  }
0x1b: {  	[tilespmem:$0x2870] =	vst v1  }
0x1c: {  	[tilespmem:$0x2880] =	vst v1  }
0x1d: {  	[tilespmem:$0x2890] =	vst v1  }
0x1e: {  	[tilespmem:$0x28A0] =	vst v1  }
0x1f: {  	[tilespmem:$0x28B0] =	vst v1  }
0x20: {  	[tilespmem:$0x28C0] =	vst v1  }
0x21: {  	[tilespmem:$0x28D0] =	vst v1  }
0x22: {  	[tilespmem:$0x28E0] =	vst v1  }
0x23: {  	[tilespmem:$0x28F0] =	vst v1  }
0x24: {  	[tilespmem:$0x2900] =	vst v1  }
0x25: {  	[tilespmem:$0x2910] =	vst v1  }
0x26: {  	[tilespmem:$0x2920] =	vst v1  }
0x27: {  	[tilespmem:$0x2930] =	vst v1  }
0x28: {  	[tilespmem:$0x2940] =	vst v1  }
0x29: {  	[tilespmem:$0x2950] =	vst v1  }
0x2a: {  	[tilespmem:$0x2960] =	vst v1  }
0x2b: {  	[tilespmem:$0x2970] =	vst v1  }
0x2c: {  	[tilespmem:$0x2980] =	vst v1  }
0x2d: {  	[tilespmem:$0x2990] =	vst v1  }
0x2e: {  	[tilespmem:$0x29A0] =	vst v1  }
0x2f: {  	[tilespmem:$0x29B0] =	vst v1  }
0x30: {  	[tilespmem:$0x29C0] =	vst v1  }
0x31: {  	[tilespmem:$0x29D0] =	vst v1  }
0x32: {  	[tilespmem:$0x29E0] =	vst v1  }
0x33: {  	[tilespmem:$0x29F0] =	vst v1  }
0x34: {  	[tilespmem:$0x2A00] =	vst v1  }
0x35: {  	[tilespmem:$0x2A10] =	vst v1  }
0x36: {  	[tilespmem:$0x2A20] =	vst v1  }
0x37: {  	[tilespmem:$0x2A30] =	vst v1  }
0x38: {  	[tilespmem:$0x2A40] =	vst v1  }
0x39: {  	[tilespmem:$0x2A50] =	vst v1  }
0x3a: {  	[tilespmem:$0x2A60] =	vst v1  }
0x3b: {  	[tilespmem:$0x2A70] =	vst v1  }
0x3c: {  	[tilespmem:$0x2A80] =	vst v1  }
0x3d: {  	[tilespmem:$0x2A90] =	vst v1  }
0x3e: {  	[tilespmem:$0x2AA0] =	vst v1  }
0x3f: {  	[tilespmem:$0x2AB0] =	vst v1  }
0x40: {  	[tilespmem:$0x2AC0] =	vst v1  }
0x41: {  	[tilespmem:$0x2AD0] =	vst v1  }
0x42: {  	[tilespmem:$0x2AE0] =	vst v1  }
0x43: {  	[tilespmem:$0x2AF0] =	vst v1  }
0x44: {  	[tilespmem:$0x2B00] =	vst v1  }
0x45: {  	[tilespmem:$0x2B10] =	vst v1  }
0x46: {  	[tilespmem:$0x2B20] =	vst v1  }
0x47: {  	[tilespmem:$0x2B30] =	vst v1  }
0x48: {  	[tilespmem:$0x2B40] =	vst v1  }
0x49: {  	[tilespmem:$0x2B50] =	vst v1  }
0x4a: {  	[tilespmem:$0x2B60] =	vst v1  }
0x4b: {  	[tilespmem:$0x2B70] =	vst v1  }
0x4c: {  	[tilespmem:$0x2B80] =	vst v1  }
0x4d: {  	[tilespmem:$0x2B90] =	vst v1  }
0x4e: {  	[tilespmem:$0x2BA0] =	vst v1  }
0x4f: {  	[tilespmem:$0x2BB0] =	vst v1  }
0x50: {  	[tilespmem:$0x2BC0] =	vst v1  }
0x51: {  	[tilespmem:$0x2BD0] =	vst v1  }
0x52: {  	[tilespmem:$0x2BE0] =	vst v1  }
0x53: {  	[dreg:$0x3] =	wrdreg s13;
	[tilespmem:$0x2BF0] =	vst v1;
	s3 =	simm.s32 $0x0  }
.LBB2_2:
0x54: {  	p1 =	sne.s32 s3, $0x4D000  }
.Ltmp0:
0x55: {  	_ = 	snop;
	(pc) =	sbr.rel @p1 .LBB2_2-.Ltmp0, $4  }
0x56: {  	_ = 	snop  }
0x57: {  	s13 =	sshra.s32 s3, $0x2  }
0x58: {  	s3 =	sadd.s32 $0x1000, s3;
	s13 =	sadd.s32 s13, s7  }
0x59: {  	[spmem:s13] =	stream.linear.scatter [tilespmem:s15], [sflag:$0x9], $0x400, $0x38;
	[tilespmem:$0x1E480] =	vst v63  }
0x5a: {  	_ =	swait.ge [sflag:s14], $0x400  }
0x5b: {  	s3 =	simm.s32 $0x4D;
	[sflag:s14] =	ssyncset.done $0x0  }
.LBB2_4:
0x5c: {  	p1 =	sne.s32 s3, $0x1;
	s3 =	sadd.s32 $0xFFFFFFFF, s3;
	[sflag:s14] =	ssyncadd.s32 $0xFFFFFC00  }
.Ltmp1:
0x5d: {  	(pc) =	sbr.rel @p1 .LBB2_4-.Ltmp1, $3  }
0x5e: {  	_ =	sdelay $0x1  }
0x5f: {  	_ =	swait.ge [sflag:s14], $0x400  }
0x60: {  	[sflag:s14] =	ssyncset.done $0x0  }
0x61: {  	[sflag:s14] =	ssyncadd.s32 $0xFFFFFC00;
	s3 =	simm.s32 @!p0 $0x2800;
	s13 =	simm.s32 @!p0 $0xB  }
0x62: {  	[spmem:s19] =	stream.linear.scatter @!p0 [tilespmem:s3], [sflag:$0xB], $0x400, $0x38;
	[tilespmem:$0x1E480] =	vst v63  }
0x63: {  	_ =	swait.ge @!p0 [sflag:s13], $0x400  }
0x64: {  	[sflag:s13] =	ssyncset.done @!p0 $0x0  }
0x65: {  	s15 =	rddreg [dreg:$0x7];
	[sflag:s13] =	ssyncadd.s32 @!p0 $0xFFFFFC00  }
0x66: {  	[spmem:s15] =	stream.linear.scatter @!p0 [tilespmem:s3], [sflag:$0xB], $0x400, $0x38;
	[tilespmem:$0x1E480] =	vst v63  }
0x67: {  	_ =	swait.ge @!p0 [sflag:s13], $0x400  }
0x68: {  	[sflag:s13] =	ssyncset.done @!p0 $0x0  }
0x69: {  	[sflag:s13] =	ssyncadd.s32 @!p0 $0xFFFFFC00  }
0x6a: {  	s3 =	simm.s32 $0x0;
	s13 =	simm.s32 $0x0;
	[bflag:$0x0] =	sbarrier.arrive $0xFFFF  }
.LBB2_6:
0x6b: {  	s15 =	sshll.u32 s13, $0x4;
	s19 =	stileid.u32  }
0x6c: {  	s15 =	sor.u32 s19, s15  }
0x6d: {  	s15 =	smul.u32 $0x280, s15;
	_ =	sdelay $0x1  }
0x6e: {  	s21 =	sadd.s32 s5, s15  }
0x6f: {  	[tilespmem:s3], [sflag:$0xA] =	stream.linear.gather [hbm4b:s21+s3], $0x1400, $0x38;
	[tilespmem:$0x1E480] =	vst v63  }
0x70: {  	s15 =	sadd.s32 s6, s15;
	s21 =	simm.s32 $0x1400  }
0x71: {  	[tilespmem:s21], [sflag:$0xA] =	stream.linear.gather [hbm4b:s15+s3], $0x1400, $0x38;
	[tilespmem:$0x1E480] =	vst v63  }
0x72: {  	_ =	swait.ge [sflag:s16], $0x1400  }
0x73: {  	[sflag:s16] =	ssyncset.done $0x0  }
0x74: {  	[sflag:s16] =	ssyncadd.s32 $0xFFFFEC00  }
0x75: {  	_ =	swait.ge [sflag:s16], $0x1400  }
0x76: {  	[sflag:s16] =	ssyncset.done $0x0  }
0x77: {  	s15 =	simm.s32 $0x0;
	[sflag:s16] =	ssyncadd.s32 $0xFFFFEC00  }
0x78: {  	v4 =	vld [tilespmem:s15+$0x0]  }
0x79: {  	v3 =	vld [tilespmem:s15+$0x10]  }
0x7a: {  	s19 =	simm.s32 $0x200;
	v2 =	vld [tilespmem:s15+$0x20]  }
.LBB2_7:
0x7b: {  	p1 =	sne.s32 s19, $0x4E00;
	v5 =	vld [tilespmem:s15+$0x30];
	_ =	sdelay $0x1  }
.Ltmp2:
0x7c: {  	v4 =	vadd.s32 v0, v4;
	(pc) =	sbr.rel @p1 .LBB2_7-.Ltmp2, $4  }
0x7d: {  	s21 =	sshra.s32 s19, $0x2;
	[tilespmem:s15+$0x0] =	vst v4;
	v3 =	vadd.s32 v0, v3  }
0x7e: {  	v4 =	vld [tilespmem:s21+$0x0];
	[tilespmem:s15+$0x10] =	vst v3;
	v2 =	vadd.s32 v0, v2  }
0x7f: {  	v3 =	vld [tilespmem:s21+$0x10];
	[tilespmem:s15+$0x20] =	vst v2;
	v5 =	vadd.s32 v0, v5  }
0x80: {  	s19 =	sadd.s32 $0x200, s19;
	v2 =	vld [tilespmem:s21+$0x20];
	[tilespmem:s15+$0x30] =	vst v5;
	s15 =	smov.u32 s21  }
0x81: {  	v5 =	vld [tilespmem:s15+$0x30];
	_ =	sdelay $0x1  }
0x82: {  	v4 =	vadd.s32 v0, v4  }
0x83: {  	[tilespmem:s15+$0x0] =	vst v4;
	v3 =	vadd.s32 v0, v3  }
0x84: {  	[tilespmem:s15+$0x10] =	vst v3;
	v2 =	vadd.s32 v0, v2  }
0x85: {  	[tilespmem:s15+$0x20] =	vst v2;
	v2 =	vadd.s32 v0, v5  }
0x86: {  	s19 =	simm.s32 $0x0;
	[tilespmem:s15+$0x30] =	vst v2  }
0x87: {  	[tilespmem:s18], [sflag:$0x1] =	stream.indirect.gather [hbm4b:s4+s17], $0x80, s19, s17, $0xb8;
	[tilespmem:$0x1E480] =	vst v63  }
0x88: {  	s21 =	simm.s32 $0x80  }
0x89: {  	[tilespmem:s20], [sflag:$0x2] =	stream.indirect.gather [hbm4b:s4+s17], $0x80, s21, s17, $0xb8;
	[tilespmem:$0x1E480] =	vst v63  }
0x8a: {  	s19 =	simm.s32 $0x100  }
0x8b: {  	[tilespmem:s22], [sflag:$0x3] =	stream.indirect.gather [hbm4b:s4+s17], $0x80, s19, s17, $0xb8;
	[tilespmem:$0x1E480] =	vst v63  }
0x8c: {  	_ = 	snop  }
0x8d: {  	[tilespmem:s25], [sflag:$0x4] =	stream.indirect.gather [hbm4b:s4+s17], $0x80, s23, s17, $0xb8;
	[tilespmem:$0x1E480] =	vst v63  }
0x8e: {  	_ =	swait.ge [sflag:s26], $0x2000  }
0x8f: {  	[sflag:s26] =	ssyncset.done $0x0  }
0x90: {  	s21 =	simm.s32 $0x1400;
	[sflag:s26] =	ssyncadd.s32 $0xFFFFE000  }
0x91: {  	[spmem:s1] =	stream.indirect.scatter.add.f32 [tilespmem:s18], [sflag:$0x5], $0x80, s21, s17, $0xb8;
	[tilespmem:$0x1E480] =	vst v63  }
0x92: {  	_ =	swait.ge [sflag:s28], $0x2000  }
0x93: {  	[sflag:s28] =	ssyncset.done $0x0  }
0x94: {  	s19 =	simm.s32 $0x1480;
	[sflag:s28] =	ssyncadd.s32 $0xFFFFE000  }
0x95: {  	[spmem:s1] =	stream.indirect.scatter.add.f32 [tilespmem:s20], [sflag:$0x6], $0x80, s19, s17, $0xb8;
	[tilespmem:$0x1E480] =	vst v63  }
0x96: {  	_ =	swait.ge [sflag:s29], $0x2000  }
0x97: {  	[sflag:s29] =	ssyncset.done $0x0  }
0x98: {  	s21 =	simm.s32 $0x1500;
	[sflag:s29] =	ssyncadd.s32 $0xFFFFE000  }
0x99: {  	[spmem:s1] =	stream.indirect.scatter.add.f32 [tilespmem:s22], [sflag:$0x7], $0x80, s21, s17, $0xb8;
	[tilespmem:$0x1E480] =	vst v63  }
0x9a: {  	_ =	swait.ge [sflag:s30], $0x2000  }
0x9b: {  	[sflag:s30] =	ssyncset.done $0x0  }
0x9c: {  	s19 =	simm.s32 $0x1580;
	[sflag:s30] =	ssyncadd.s32 $0xFFFFE000  }
0x9d: {  	[spmem:s1] =	stream.indirect.scatter.add.f32 [tilespmem:s25], [sflag:$0x8], $0x80, s19, s17, $0xb8;
	[tilespmem:$0x1E480] =	vst v63  }
0x9e: {  	_ =	swait.ge [sflag:s31], $0x2000  }
0x9f: {  	[sflag:s31] =	ssyncset.done $0x0  }
0xa0: {  	s21 =	simm.s32 $0x200;
	[sflag:s31] =	ssyncadd.s32 $0xFFFFE000  }
0xa1: {  	[tilespmem:s18], [sflag:$0x1] =	stream.indirect.gather [hbm4b:s4+s17], $0x80, s21, s17, $0xb8;
	[tilespmem:$0x1E480] =	vst v63  }
0xa2: {  	_ =	swait.ge [sflag:s0], $0x2000  }
0xa3: {  	[sflag:s0] =	ssyncset.done $0x0  }
0xa4: {  	s19 =	simm.s32 $0x280;
	[sflag:s0] =	ssyncadd.s32 $0xFFFFE000  }
0xa5: {  	[tilespmem:s20], [sflag:$0x2] =	stream.indirect.gather [hbm4b:s4+s17], $0x80, s19, s17, $0xb8;
	[tilespmem:$0x1E480] =	vst v63  }
0xa6: {  	_ =	swait.ge [sflag:s11], $0x2000  }
0xa7: {  	[sflag:s11] =	ssyncset.done $0x0  }
0xa8: {  	s21 =	simm.s32 $0x300;
	[sflag:s11] =	ssyncadd.s32 $0xFFFFE000  }
0xa9: {  	[tilespmem:s22], [sflag:$0x3] =	stream.indirect.gather [hbm4b:s4+s17], $0x80, s21, s17, $0xb8;
	[tilespmem:$0x1E480] =	vst v63  }
0xaa: {  	_ =	swait.ge [sflag:s12], $0x2000  }
0xab: {  	[sflag:s12] =	ssyncset.done $0x0  }
0xac: {  	s15 =	simm.s32 $0x800;
	s19 =	simm.s32 $0x380;
	[sflag:s12] =	ssyncadd.s32 $0xFFFFE000  }
.LBB2_9:
0xad: {  	[tilespmem:s25], [sflag:$0x4] =	stream.indirect.gather [hbm4b:s4+s17], $0x80, s19, s17, $0xb8;
	[tilespmem:$0x1E480] =	vst v63  }
0xae: {  	s19 =	smov.u32 s15  }
0xaf: {  	p1 =	sne.s32 s15, $0x4000;
	s15 =	sadd.s32 $0x800, s15;
	_ =	swait.ge [sflag:s26], $0x2000  }
0xb0: {  	s19 =	sshra.s32 s19, $0x2;
	[sflag:s26] =	ssyncset.done $0x0  }
0xb1: {  	s21 =	sadd.s32 $0x1400, s19;
	[sflag:s26] =	ssyncadd.s32 $0xFFFFE000  }
0xb2: {  	[spmem:s1] =	stream.indirect.scatter.add.f32 [tilespmem:s18], [sflag:$0x5], $0x80, s21, s17, $0xb8;
	[tilespmem:$0x1E480] =	vst v63  }
0xb3: {  	_ =	swait.ge [sflag:s28], $0x2000  }
0xb4: {  	[sflag:s28] =	ssyncset.done $0x0  }
0xb5: {  	s21 =	sadd.s32 $0x1480, s19;
	[sflag:s28] =	ssyncadd.s32 $0xFFFFE000  }
0xb6: {  	[spmem:s1] =	stream.indirect.scatter.add.f32 [tilespmem:s20], [sflag:$0x6], $0x80, s21, s17, $0xb8;
	[tilespmem:$0x1E480] =	vst v63  }
0xb7: {  	_ =	swait.ge [sflag:s29], $0x2000  }
0xb8: {  	[sflag:s29] =	ssyncset.done $0x0  }
0xb9: {  	s21 =	sadd.s32 $0x1500, s19;
	[sflag:s29] =	ssyncadd.s32 $0xFFFFE000  }
0xba: {  	[spmem:s1] =	stream.indirect.scatter.add.f32 [tilespmem:s22], [sflag:$0x7], $0x80, s21, s17, $0xb8;
	[tilespmem:$0x1E480] =	vst v63  }
0xbb: {  	_ =	swait.ge [sflag:s30], $0x2000  }
0xbc: {  	[sflag:s30] =	ssyncset.done $0x0  }
0xbd: {  	s21 =	sadd.s32 $0x1580, s19;
	[sflag:s30] =	ssyncadd.s32 $0xFFFFE000  }
0xbe: {  	[spmem:s1] =	stream.indirect.scatter.add.f32 [tilespmem:s25], [sflag:$0x8], $0x80, s21, s17, $0xb8;
	[tilespmem:$0x1E480] =	vst v63  }
0xbf: {  	_ =	swait.ge [sflag:s31], $0x2000  }
0xc0: {  	[sflag:s31] =	ssyncset.done $0x0  }
0xc1: {  	s21 =	sadd.s32 $0x200, s19;
	[sflag:s31] =	ssyncadd.s32 $0xFFFFE000  }
0xc2: {  	[tilespmem:s18], [sflag:$0x1] =	stream.indirect.gather [hbm4b:s4+s17], $0x80, s21, s17, $0xb8;
	[tilespmem:$0x1E480] =	vst v63  }
0xc3: {  	_ =	swait.ge [sflag:s0], $0x2000  }
0xc4: {  	[sflag:s0] =	ssyncset.done $0x0  }
0xc5: {  	s21 =	sadd.s32 $0x280, s19;
	[sflag:s0] =	ssyncadd.s32 $0xFFFFE000  }
0xc6: {  	[tilespmem:s20], [sflag:$0x2] =	stream.indirect.gather [hbm4b:s4+s17], $0x80, s21, s17, $0xb8;
	[tilespmem:$0x1E480] =	vst v63  }
0xc7: {  	_ =	swait.ge [sflag:s11], $0x2000  }
0xc8: {  	[sflag:s11] =	ssyncset.done $0x0  }
.Ltmp3:
0xc9: {  	s21 =	sadd.s32 $0x300, s19;
	[sflag:s11] =	ssyncadd.s32 $0xFFFFE000;
	(pc) =	sbr.rel @p1 .LBB2_9-.Ltmp3, $4  }
0xca: {  	[tilespmem:s22], [sflag:$0x3] =	stream.indirect.gather [hbm4b:s4+s17], $0x80, s21, s17, $0xb8;
	[tilespmem:$0x1E480] =	vst v63  }
0xcb: {  	_ =	swait.ge [sflag:s12], $0x2000  }
0xcc: {  	[sflag:s12] =	ssyncset.done $0x0  }
0xcd: {  	s19 =	sadd.s32 $0x380, s19;
	[sflag:s12] =	ssyncadd.s32 $0xFFFFE000  }
0xce: {  	[tilespmem:s25], [sflag:$0x4] =	stream.indirect.gather [hbm4b:s4+s17], $0x80, s19, s17, $0xb8;
	[tilespmem:$0x1E480] =	vst v63  }
0xcf: {  	_ =	swait.ge [sflag:s26], $0x2000  }
0xd0: {  	[sflag:s26] =	ssyncset.done $0x0  }
0xd1: {  	[sflag:s26] =	ssyncadd.s32 $0xFFFFE000  }
0xd2: {  	[spmem:s1] =	stream.indirect.scatter.add.f32 [tilespmem:s18], [sflag:$0x5], $0x80, s9, s17, $0xb8;
	[tilespmem:$0x1E480] =	vst v63  }
0xd3: {  	_ =	swait.ge [sflag:s28], $0x2000  }
0xd4: {  	[sflag:s28] =	ssyncset.done $0x0  }
0xd5: {  	[sflag:s28] =	ssyncadd.s32 $0xFFFFE000  }
0xd6: {  	[spmem:s1] =	stream.indirect.scatter.add.f32 [tilespmem:s20], [sflag:$0x6], $0x80, s24, s17, $0xb8;
	[tilespmem:$0x1E480] =	vst v63  }
0xd7: {  	_ =	swait.ge [sflag:s29], $0x2000  }
0xd8: {  	[sflag:s29] =	ssyncset.done $0x0  }
0xd9: {  	[sflag:s29] =	ssyncadd.s32 $0xFFFFE000  }
0xda: {  	[spmem:s1] =	stream.indirect.scatter.add.f32 [tilespmem:s22], [sflag:$0x7], $0x80, s10, s17, $0xb8;
	[tilespmem:$0x1E480] =	vst v63  }
0xdb: {  	_ =	swait.ge [sflag:s30], $0x2000  }
0xdc: {  	[sflag:s30] =	ssyncset.done $0x0  }
0xdd: {  	[sflag:s30] =	ssyncadd.s32 $0xFFFFE000  }
0xde: {  	[spmem:s1] =	stream.indirect.scatter.add.f32 [tilespmem:s25], [sflag:$0x8], $0x80, s2, s17, $0xb8;
	[tilespmem:$0x1E480] =	vst v63  }
0xdf: {  	_ =	swait.ge [sflag:s31], $0x2000  }
0xe0: {  	[sflag:s31] =	ssyncset.done $0x0  }
0xe1: {  	[sflag:s31] =	ssyncadd.s32 $0xFFFFE000  }
0xe2: {  	_ =	swait.ge [sflag:s0], $0x2000  }
0xe3: {  	[sflag:s0] =	ssyncset.done $0x0  }
0xe4: {  	s13 =	sadd.s32 $0x1, s13;
	[sflag:s0] =	ssyncadd.s32 $0xFFFFE000  }
0xe5: {  	p1 =	sne.s32 s13, s8;
	_ =	swait.ge [sflag:s11], $0x2000  }
.Ltmp4:
0xe6: {  	[sflag:s11] =	ssyncset.done $0x0;
	(pc) =	sbr.rel @p1 .LBB2_6-.Ltmp4, $4  }
0xe7: {  	[sflag:s11] =	ssyncadd.s32 $0xFFFFE000  }
0xe8: {  	_ =	swait.ge [sflag:s12], $0x2000  }
0xe9: {  	[sflag:s12] =	ssyncset.done $0x0  }
0xea: {  	[sflag:s12] =	ssyncadd.s32 $0xFFFFE000  }
0xeb: {  	s3 =	stileid.u32  }
0xec: {  	[bflag:$0x0] =	sbarrier.arrive $0xFFFF;
	s13 =	sshrl.u32 s7, $0x3;
	s3 =	sshll.u32 s3, $0x6  }
0xed: {  	s21 =	simm.s32 $0xB;
	s15 =	rddreg [dreg:$0x8];
	s3 =	sor.u32 $0x1C0B, s3  }
0xee: {  	[hbm:s15], [sflag:s3] =	dma.local [spmem:s13], $0x2700  }
0xef: {  	_ =	swait.ge [sflag:s21], $0x2700  }
0xf0: {  	s13 =	rddreg [dreg:$0x4]  }
0xf1: {  	[sflag:s21] =	ssyncset.done $0x0;
	s19 =	rddreg [dreg:$0x5]  }
0xf2: {  	[sflag:s21] =	ssyncadd.s32 $0xFFFFD900;
	s13 =	sadd.s32 @!p0 $0x27000, s13;
	s15 =	sshrl.u32 @!p0 s19, $0x3  }
0xf3: {  	[hbm:s13], [sflag:s3] =	dma.local @!p0 [spmem:s15], $0x100  }
0xf4: {  	s3 =	simm.s32 @!p0 $0xB  }
0xf5: {  	_ =	swait.ge @!p0 [sflag:s3], $0x100  }
0xf6: {  	s15 =	rddreg [dreg:$0x3]  }
0xf7: {  	s21 =	rddreg [dreg:$0x6];
	s13 =	sadd.s32 $0x1, s15  }
0xf8: {  	p1 =	sne.s32 s13, s21  }
.Ltmp5:
0xf9: {  	_ = 	snop;
	(pc) =	sbr.rel @p1 .LBB2_1-.Ltmp5, $3  }
0xfa: {  	_ =	sdelay $0x1  }
0xfb: {  	[sflag:s3] =	ssyncset.done @!p0 $0x0  }
0xfc: {  	[sflag:s3] =	ssyncadd.s32 @!p0 $0xFFFFFF00;
	s15 =	simm.s32 $0x2800  }
0xfd: {  	_ =	sfence.sel $0x180000  }
0xfe: {  	[bflag:$0x0] =	sbarrier.arrive $0xFFFF  }
0xff: {  	_ =	strace $0x9000004A  }
0x100: {  	s0 =	stileid.u32;
	[bflag:$0x2] =	sbarrier.arrive $0xFFFF  }
0x101: {  	p0 =	sne.s32 s0, $0x0;
	s0 =	rddreg [dreg:$0x2]  }
0x102: {  	s0 =	sadd.s32 @!p0 $0x100000, s0  }
0x103: {  	[sflag:s0] =	ssyncadd.tile.s32 @!p0 $0x1;
	_ =	shalt  }
.Lfunc_end2:
_tile_overlayer_lowered:
.L_overlay_start_2:
0x104: {  	(tag) =	ssettag $0x2  }
0x105: {  	s0 =	rddreg [dreg:$0x0];
	s2 =	stileid.u32  }
0x106: {  	s1 =	rddreg [dreg:$0x1];
	p0 =	sne.s32 s2, $0x0  }
0x107: {  	s3 =	rddreg [dreg:$0x2];
	[bflag:$0x3] =	sbarrier.arrive $0xFFFF;
	s2 =	simm.s32 @!p0 $0x1C0B  }
0x108: {  	[timem:s3], [sflag:s2] =	dma.local @!p0 [hbm:s0], s1  }
0x109: {  	s0 =	simm.s32 @!p0 $0xB  }
0x10a: {  	_ =	swait.ge @!p0 [sflag:s0], s1  }
0x10b: {  	s1 =	ssub.s32 @!p0 $0x0, s1;
	[sflag:s0] =	ssyncset.done @!p0 $0x0  }
0x10c: {  	[sflag:s0] =	ssyncadd.s32 @!p0 s1  }
0x10d: {  	[bflag:$0x3] =	sbarrier.arrive $0xFFFF  }
0x10e: {  	_ =	shalt  }

// kernel: kernel.8.cloned.1.call-start
scs
__scs_entry_jumppad:
0x0: {  	(pc) =	sbr.rel $0x88, $3  }
0x1: {  	(tag) =	ssettag $0x0;
	lr =	simm.s32 $0x1  }
0x2: {  	[smem:$0x3F97] =	sst lr;
	_ =	strace $0xD0000000  }
0x3: {  	_ = 	snop  }
0x4: {  	_ = 	snop  }
0x5: {  	_ = 	snop  }
0x6: {  	_ = 	snop  }
0x7: {  	_ = 	snop  }
__scs_overlays_trampoline_lowered:
0x8: {  	[smem:$0x3FA6] =	sst s0  }
0x9: {  	[smem:$0x3FA7] =	sst s1  }
0xa: {  	[smem:$0x3FA8] =	sst s2  }
0xb: {  	[smem:$0x3FA9] =	sst s3  }
0xc: {  	[smem:$0x3FAA] =	sst s4  }
0xd: {  	[smem:$0x3FAB] =	sst s5  }
0xe: {  	[smem:$0x3FAC] =	sst s6  }
0xf: {  	[smem:$0x3FAD] =	sst s7  }
0x10: {  	[smem:$0x3FAE] =	sst s8  }
0x11: {  	[smem:$0x3FAF] =	sst s9;
	s0 =	simm.s32 @!p0 $0x0  }
0x12: {  	s1 =	sld [smem:$0x3F95];
	s0 =	simm.s32 @p0 $0x1  }
0x13: {  	[smem:$0x3FB0] =	sst s0;
	s0 =	simm.s32 @!p1 $0x0  }
0x14: {  	s2 =	sld [smem:$0x3F94];
	s0 =	simm.s32 @p1 $0x1  }
0x15: {  	[smem:$0x3FB1] =	sst s0;
	s0 =	simm.s32 @!p2 $0x0  }
0x16: {  	s3 =	sld [smem:$0x3FDB];
	s0 =	simm.s32 @p2 $0x1  }
0x17: {  	s4 =	simm.s32 $0x1BF5;
	[smem:$0x3FB3] =	sst s0  }
0x18: {  	s0 =	sld [smem:$0x3F96];
	_ =	swait.ge [sflag:s4], $0x0  }
0x19: {  	s7 =	sld [smem:$0x3F97]  }
0x1a: {  	s8 =	sadd.s32 $0xFFFFE003, lr  }
0x1b: {  	s9 =	sadd.s32 $0xFFFFFEF7, lr;
	s5 =	simm.s32 $0xFFFFFFFF;
	p2 =	slt.u32 s8, $0xFFFFF086  }
0x1c: {  	p1 =	slt.u32 s9, $0xF7A;
	s5 =	simm.s32 @!p2 $0x0  }
0x1d: {  	s5 =	simm.s32 @p1 $0x1;
	p0 =	seq.s32 s7, s2  }
0x1e: {  	s7 =	smul.u32 @!p0 $0xF7A, s2;
	p2 =	seq.s32 @!p0 s5, $0x0  }
0x1f: {  	s9 =	smul.u32 $0xF7A, s1;
	s8 =	simm.s32 @!p0 $0x1BF5;
	p2 =	por !p2, p0  }
0x20: {  	[sflag:s8] =	ssyncset.s32 @!p0 $0xFFFFF086;
	s6 =	sadd.s32 @!p0 s3, s7;
	s7 =	simm.s32 @!p0 $0x108  }
0x21: {  	s3 =	sadd.s32 s3, s9;
	s6 =	sadd.s32 @!p0 $0x88, s6;
	s7 =	simm.s32 @p2 $0x1082  }
0x22: {  	[simem:s7], [sflag:s8] =	dma.local @!p0 [hbm:s6], $0xF7A  }
0x23: {  	s9 =	sor.u32 $0xD0000000, s2;
	s6 =	simm.s32 $0x108;
	_ =	swait.ge @!p0 [sflag:s8], $0x0  }
0x24: {  	s3 =	sadd.s32 $0x88, s3;
	s6 =	simm.s32 @!p1 $0x1082;
	[sflag:s4] =	ssyncset.s32 $0xFFFFF086  }
0x25: {  	[simem:s6], [sflag:s4] =	dma.local [hbm:s3], $0xF7A  }
0x26: {  	[smem:$0x3F97] =	sst s1;
	(tag) =	ssettag s2;
	_ =	strace s9  }
0x27: {  	s1 =	sld [smem:$0x3FA7]  }
0x28: {  	s2 =	sld [smem:$0x3FA8]  }
0x29: {  	s4 =	sld [smem:$0x3FAA]  }
0x2a: {  	p0 =	seq.s32 s5, $0x0;
	s5 =	sld [smem:$0x3FAB]  }
0x2b: {  	s6 =	sld [smem:$0x3FAC]  }
0x2c: {  	s7 =	sld [smem:$0x3FAD]  }
0x2d: {  	s3 =	simm.s32 $0x108;
	s8 =	sld [smem:$0x3FAE]  }
0x2e: {  	s3 =	simm.s32 @!p0 $0x1082;
	s9 =	sld [smem:$0x3FAF]  }
0x2f: {  	lr =	sadd.s32 s0, s3;
	s0 =	sld [smem:$0x3FA6]  }
0x30: {  	s3 =	sld [smem:$0x3FA9]  }
0x31: {  	[smem:$0x3FB2] =	sst s10  }
0x32: {  	s10 =	sld [smem:$0x3FB0];
	_ =	sdelay $0x3  }
0x33: {  	p0 =	seq.s32 s10, $0x1;
	s10 =	sld [smem:$0x3FB2];
	_ =	sdelay $0x3  }
0x34: {  	[smem:$0x3FB2] =	sst s10  }
0x35: {  	s10 =	sld [smem:$0x3FB1];
	_ =	sdelay $0x3  }
0x36: {  	p1 =	seq.s32 s10, $0x1;
	s10 =	sld [smem:$0x3FB2];
	_ =	sdelay $0x3  }
0x37: {  	[smem:$0x3FB2] =	sst s10  }
0x38: {  	s10 =	sld [smem:$0x3FB3]  }
0x39: {  	_ = 	snop;
	(pc) =	sbr.ind lr, $3  }
0x3a: {  	_ = 	snop  }
0x3b: {  	_ = 	snop  }
0x3c: {  	p2 =	seq.s32 s10, $0x1;
	s10 =	sld [smem:$0x3FB2]  }
0x3d: {  	_ =	shalt  }
0x3e: {  	_ =	shalt  }
0x3f: {  	_ =	shalt  }
0x40: {  	_ =	shalt  }
0x41: {  	_ =	shalt  }
0x42: {  	_ =	shalt  }
0x43: {  	_ =	shalt  }
0x44: {  	_ =	shalt  }
0x45: {  	_ =	shalt  }
0x46: {  	_ =	shalt  }
0x47: {  	_ =	shalt  }
0x48: {  	_ =	shalt  }
0x49: {  	_ =	shalt  }
0x4a: {  	_ =	shalt  }
0x4b: {  	_ =	shalt  }
0x4c: {  	_ =	shalt  }
0x4d: {  	_ =	shalt  }
0x4e: {  	_ =	shalt  }
0x4f: {  	_ =	shalt  }
0x50: {  	_ =	shalt  }
0x51: {  	_ =	shalt  }
0x52: {  	_ =	shalt  }
0x53: {  	_ =	shalt  }
0x54: {  	_ =	shalt  }
0x55: {  	_ =	shalt  }
0x56: {  	_ =	shalt  }
0x57: {  	_ =	shalt  }
0x58: {  	_ =	shalt  }
0x59: {  	_ =	shalt  }
0x5a: {  	_ =	shalt  }
0x5b: {  	_ =	shalt  }
0x5c: {  	_ =	shalt  }
0x5d: {  	_ =	shalt  }
0x5e: {  	_ =	shalt  }
0x5f: {  	_ =	shalt  }
0x60: {  	_ =	shalt  }
0x61: {  	_ =	shalt  }
0x62: {  	_ =	shalt  }
0x63: {  	_ =	shalt  }
0x64: {  	_ =	shalt  }
0x65: {  	_ =	shalt  }
0x66: {  	_ =	shalt  }
0x67: {  	_ =	shalt  }
0x68: {  	_ =	shalt  }
0x69: {  	_ =	shalt  }
0x6a: {  	_ =	shalt  }
0x6b: {  	_ =	shalt  }
0x6c: {  	_ =	shalt  }
0x6d: {  	_ =	shalt  }
0x6e: {  	_ =	shalt  }
0x6f: {  	_ =	shalt  }
0x70: {  	_ =	shalt  }
0x71: {  	_ =	shalt  }
0x72: {  	_ =	shalt  }
0x73: {  	_ =	shalt  }
0x74: {  	_ =	shalt  }
0x75: {  	_ =	shalt  }
0x76: {  	_ =	shalt  }
0x77: {  	_ =	shalt  }
0x78: {  	_ =	shalt  }
0x79: {  	_ =	shalt  }
0x7a: {  	_ =	shalt  }
0x7b: {  	_ =	shalt  }
0x7c: {  	_ =	shalt  }
0x7d: {  	_ =	shalt  }
0x7e: {  	_ =	shalt  }
0x7f: {  	_ =	shalt  }
0x80: {  	_ =	shalt  }
0x81: {  	_ =	shalt  }
0x82: {  	_ =	shalt  }
0x83: {  	_ =	shalt  }
0x84: {  	_ =	shalt  }
0x85: {  	_ =	shalt  }
0x86: {  	_ =	shalt  }
0x87: {  	_ =	shalt  }
.Lfunc_end0:
.L_simem_size_0:
called_computation_lowered:
.L_overlay_start_0:
0x88: {  	s2 =	sld [smem:$0x3FD9]  }
0x89: {  	s3 =	sld [smem:$0x3FFE];
	_ =	sdelay $0x1  }
0x8a: {  	s1 =	srdreg.scid  }
0x8b: {  	s0 =	sand.u32 $0x1, s1  }
0x8c: {  	s17 =	sshll.u32 s0, $0xA;
	s2 =	sadd.s32 s3, s2  }
0x8d: {  	s2 =	sadd.s32 s2, s17  }
0x8e: {  	[smem:$0x3FBE] =	sst s2  }
0x8f: {  	_ = 	snop  }
0x90: {  	s2 =	sld [smem:$0x3FC9];
	(tm) =	ssettm $0x1  }
0x91: {  	s18 =	sld [smem:$0x3FFB];
	_ =	sdelay $0x3  }
0x92: {  	_ =	strace s18  }
0x93: {  	s3 =	sld [smem:$0x3FFC];
	_ =	sdelay $0x3  }
0x94: {  	_ =	strace s3  }
0x95: {  	s3 =	sld [smem:$0x3FFD];
	_ =	sdelay $0x3  }
0x96: {  	_ =	strace s3  }
0x97: {  	_ =	strace $0x8FFFFFFF  }
0x98: {  	s19 =	sld [smem:$0x3FDB];
	_ =	sdelay $0x1  }
0x99: {  	s4 =	simm.s32 $_scs_section_size  }
0x9a: {  	s5 =	simm.s32 $_size__tile_overlayer_lowered;
	s6 =	simm.s32 $_tile_overlayer_lowered  }
0x9b: {  	s22 =	simm.s32 $0x1BFF;
	s21 =	sshll.u32 s6, $0x1;
	s3 =	sadd.s32 s4, s19  }
0x9c: {  	s7 =	simm.s32 $0x0;
	s20 =	sshll.u32 s5, $0x1;
	s5 =	sadd.s32 s21, s3  }
0x9d: {  	[timem:s7], [sflag:s22] =	dma.local [hbm:s5], s20  }
0x9e: {  	_ =	swait.ge [sflag:s22], s20  }
0x9f: {  	s4 =	ssub.s32 $0x0, s20;
	[sflag:s22] =	ssyncset.done $0x0  }
0xa0: {  	[sflag:s22] =	ssyncadd.s32 s4;
	_ =	sdelay $0x1  }
0xa1: {  	s23 =	simm.s32 $0x1B8B  }
0xa2: {  	_ =	swait.ge [sflag:s23], $0x1  }
0xa3: {  	[sflag:s23] =	ssyncset.done $0x0  }
0xa4: {  	s25 =	simm.s32 $0x1B8E;
	s24 =	sld [smem:$0x3FFE];
	[sflag:s23] =	ssyncadd.s32 $0xFFFFFFFF  }
0xa5: {  	s26 =	simm.s32 $execute0_lowered;
	[smem:$0x3FD2] =	sst s25  }
0xa6: {  	s5 =	sshll.u32 s26, $0x1;
	_ =	strace $0x80000046;
	[dreg:$0x1] =	wrdreg $0xFFFFFFFF  }
0xa7: {  	s28 =	simm.s32 $_size_execute0_lowered;
	s3 =	sadd.s32 s3, s5;
	[dreg:$0x0] =	wrdreg $0x0  }
0xa8: {  	s5 =	sshll.u32 s28, $0x1;
	[dreg:$0x2] =	wrdreg s3  }
0xa9: {  	[dreg:$0x3] =	wrdreg s5  }
0xaa: {  	[dreg:$0x4] =	wrdreg $0xC0  }
0xab: {  	_ =	task [dreg:s7], $0x5FFFF  }
0xac: {  	[dreg:$0x1] =	wrdreg $0xFFFFFFFF  }
0xad: {  	[dreg:$0x0] =	wrdreg $0x60  }
0xae: {  	[dreg:$0x2] =	wrdreg s2  }
0xaf: {  	[dreg:$0x3] =	wrdreg s24  }
0xb0: {  	[dreg:$0x4] =	wrdreg $0x54000  }
0xb1: {  	[dreg:$0x5] =	wrdreg $0x9  }
0xb2: {  	_ =	task.clear_ibuf [dreg:s7], $0x6FFFF;
	_ =	strace $0x90000046  }
0xb3: {  	s29 =	simm.s32 $0x9;
	_ =	strace $0x80000048  }
0xb4: {  	_ =	swait.ge [sflag:s29], $0x1  }
0xb5: {  	[sflag:s29] =	ssyncadd.s32 $0xFFFFFFFF  }
0xb6: {  	_ =	strace $0x90000048  }
0xb7: {  	_ =	sfence  }
0xb8: {  	s30 =	sld [smem:$0x0];
	_ =	sdelay $0x2  }
0xb9: {  	s31 =	sshll.u32 s1, $0xD;
	s1 =	sshrl.u32 s1, $0x2  }
0xba: {  	s3 =	sand.u32 $0x4000, s31;
	s1 =	sadd.s32 s1, s30  }
0xbb: {  	s0 =	sor.u32 s3, s0;
	s1 =	sshll.u32 s1, $0x11  }
0xbc: {  	s0 =	sor.u32 s1, s0  }
0xbd: {  	s0 =	sadd.s32 $0x8F2B, s0  }
0xbe: {  	[sflag:s0] =	ssyncadd.remote.s32 $0x1  }
0xbf: {  	_ =	sfence.sel $0xFFFF  }
0xc0: {  	[dreg:$0x0] =	wrdreg $0xFFFFFFFF;
	(pc) =	sbr.abs _section_cstart, $3  }
0xc1: {  	[dreg:$0x1] =	wrdreg $0xFFFFFFFF  }
0xc2: {  	_ =	task.clear_ibuf [dreg:s7], $0x2FFFF;
	_ =	strace $0x9FFFFFFF  }
0xc3: {  	(tm) =	ssettm $0x7FFFFFFF  }
tec
execute0_lowered:
.L_overlay_start_1:
0x0: {  	(tag) =	ssettag $0x1  }
0x1: {  	s1 =	rddreg [dreg:$0x0]  }
0x2: {  	s0 =	rddreg [dreg:$0x1]  }
0x3: {  	s3 =	rddreg [dreg:$0x2];
	s2 =	srdreg.scid  }
0x4: {  	s12 =	stileid.u32;
	s5 =	simm.s32 $0x0;
	s19 =	simm.s32 $0xA  }
0x5: {  	s20 =	simm.s32 $0x20;
	s21 =	simm.s32 $0x18C80;
	s23 =	simm.s32 $0x19C80  }
0x6: {  	s29 =	simm.s32 $0x1BC80;
	s30 =	simm.s32 $0x1;
	s31 =	simm.s32 $0x1CC80  }
0x7: {  	s13 =	simm.s32 $0x0;
	s2 =	sand.u32 $0x1, s2;
	s4 =	sshll.u32 s12, $0x1  }
0x8: {  	[smem:$0x7FF] =	sst s5;
	s5 =	sadd.s32 $0x3400, s0;
	s9 =	smul.u32 $0x4E000, s12  }
0x9: {  	s6 =	sadd.s32 $0x2A600, s0;
	s22 =	smul.u32 $0x2700, s12;
	s24 =	sadd.s32 $0x138000, s3  }
0xa: {  	s26 =	sadd.s32 $0x138400, s3;
	p0 =	sne.s32 s12, $0xF;
	s12 =	simm.s32 $0x8  }
0xb: {  	s7 =	smul.u32 $0x27100, s2;
	s4 =	sor.u32 s2, s4;
	_ =	strace $0x80000047  }
0xc: {  	s2 =	ssub.s32 $0x2, s2;
	[dreg:$0xa] =	wrdreg s26;
	s26 =	simm.s32 $0x1AC80  }
0xd: {  	[dreg:$0x7] =	wrdreg s24;
	s8 =	smul.u32 $0x4E2, s4;
	s14 =	sshrl.u32 s2, $0x1  }
0xe: {  	s11 =	smul.u32 $0x280, s4;
	s15 =	sshrl.u32 s9, $0x2;
	s9 =	simm.s32 $0x7  }
0xf: {  	s10 =	sadd.s32 s7, s0;
	s2 =	ssub.s32 s2, s14;
	s7 =	sadd.s32 s15, s3  }
0x10: {  	s15 =	sor.u32 $0x20, s4;
	s4 =	simm.s32 $0x3;
	s0 =	sadd.s32 s8, s0  }
0x11: {  	s16 =	sadd.s32 s5, s11;
	s17 =	sadd.s32 s6, s11;
	s18 =	sadd.s32 $0x5B600, s10  }
0x12: {  	s25 =	smax.u32 s2, $0x1;
	s10 =	simm.s32 $0x5000;
	[dreg:$0x4] =	wrdreg s16  }
.Ltmp0:
0x13: {  	s2 =	simm.s32 $0x5;
	[dreg:$0x5] =	wrdreg s17;
	(pc) =	sbr.rel .LBB2_1-.Ltmp0, $4  }
0x14: {  	s8 =	simm.s32 $0x6;
	s11 =	simm.s32 $0xB;
	[dreg:$0x9] =	wrdreg s25  }
0x15: {  	s0 =	sadd.s32 $0x51800, s0;
	s17 =	simm.s32 $0x9;
	[dreg:$0x6] =	wrdreg s18  }
0x16: {  	s28 =	sadd.s32 s22, s18;
	s18 =	simm.s32 $0x4;
	[dreg:$0x8] =	wrdreg s0  }
0x17: {  	v0 =	vimm.f32 $0.0e+00;
	v1 =	vimm.f32 $1.000000000e+00;
	s25 =	simm.s32 $0x2780;
	[dreg:$0xb] =	wrdreg s28;
	s0 =	simm.s32 $0x2  }
.LBB2_15:
0x18: {  	s10 =	stileid.u32  }
0x19: {  	[bflag:$0x0] =	sbarrier.arrive $0xFFFF;
	s13 =	sshrl.u32 s7, $0x3;
	s10 =	sshll.u32 s10, $0x6  }
0x1a: {  	s16 =	simm.s32 $0xC;
	s14 =	rddreg [dreg:$0xb];
	s10 =	sor.u32 $0x1C0C, s10  }
0x1b: {  	[hbm:s14], [sflag:s10] =	dma.local [spmem:s13], $0x2700  }
0x1c: {  	_ =	swait.ge [sflag:s16], $0x2700  }
0x1d: {  	s13 =	rddreg [dreg:$0x6]  }
0x1e: {  	[sflag:s16] =	ssyncset.done $0x0;
	s24 =	rddreg [dreg:$0x7]  }
0x1f: {  	[sflag:s16] =	ssyncadd.s32 $0xFFFFD900;
	s13 =	sadd.s32 @!p0 $0x27000, s13;
	s14 =	sshrl.u32 @!p0 s24, $0x3  }
0x20: {  	[hbm:s13], [sflag:s10] =	dma.local @!p0 [spmem:s14], $0x100  }
0x21: {  	s10 =	simm.s32 @!p0 $0xC  }
0x22: {  	_ =	swait.ge @!p0 [sflag:s10], $0x100  }
0x23: {  	[sflag:s10] =	ssyncset.done @!p0 $0x0  }
0x24: {  	s13 =	simm.s32 $0x0;
	s14 =	rddreg [dreg:$0x8];
	[sflag:s10] =	ssyncadd.s32 @!p0 $0xFFFFFF00  }
0x25: {  	[hbm4b:s14+s13] =	stream.linear.scatter [tilespmem:s31], [sflag:$0xC], $0x2710, $0x38;
	[tilespmem:$0x1F400] =	vst v63  }
0x26: {  	_ =	swait.ge [sflag:s16], $0x2710  }
0x27: {  	s22 =	rddreg [dreg:$0xc]  }
0x28: {  	s28 =	rddreg [dreg:$0x9];
	s13 =	sadd.s32 $0x1, s22  }
0x29: {  	p1 =	sne.s32 s13, s28  }
.Ltmp1:
0x2a: {  	_ = 	snop;
	(pc) =	sbr.rel @!p1 .LBB2_16-.Ltmp1, $3  }
0x2b: {  	_ =	sdelay $0x1  }
0x2c: {  	[sflag:s16] =	ssyncset.done $0x0  }
0x2d: {  	s10 =	simm.s32 $0x5000;
	[sflag:s16] =	ssyncadd.s32 $0xFFFFD8F0  }
.LBB2_1:
0x2e: {  	[tilespmem:$0x5000] =	vst v0  }
0x2f: {  	[tilespmem:$0x5010] =	vst v0  }
0x30: {  	[tilespmem:$0x5020] =	vst v0  }
0x31: {  	[tilespmem:$0x5030] =	vst v0  }
0x32: {  	[tilespmem:$0x5040] =	vst v0  }
0x33: {  	[tilespmem:$0x5050] =	vst v0  }
0x34: {  	[tilespmem:$0x5060] =	vst v0  }
0x35: {  	[tilespmem:$0x5070] =	vst v0  }
0x36: {  	[tilespmem:$0x5080] =	vst v0  }
0x37: {  	[tilespmem:$0x5090] =	vst v0  }
0x38: {  	[tilespmem:$0x50A0] =	vst v0  }
0x39: {  	[tilespmem:$0x50B0] =	vst v0  }
0x3a: {  	[tilespmem:$0x50C0] =	vst v0  }
0x3b: {  	[tilespmem:$0x50D0] =	vst v0  }
0x3c: {  	[tilespmem:$0x50E0] =	vst v0  }
0x3d: {  	[tilespmem:$0x50F0] =	vst v0  }
0x3e: {  	[tilespmem:$0x5100] =	vst v0  }
0x3f: {  	[tilespmem:$0x5110] =	vst v0  }
0x40: {  	[tilespmem:$0x5120] =	vst v0  }
0x41: {  	[tilespmem:$0x5130] =	vst v0  }
0x42: {  	[tilespmem:$0x5140] =	vst v0  }
0x43: {  	[tilespmem:$0x5150] =	vst v0  }
0x44: {  	[tilespmem:$0x5160] =	vst v0  }
0x45: {  	[tilespmem:$0x5170] =	vst v0  }
0x46: {  	[tilespmem:$0x5180] =	vst v0  }
0x47: {  	[tilespmem:$0x5190] =	vst v0  }
0x48: {  	[tilespmem:$0x51A0] =	vst v0  }
0x49: {  	[tilespmem:$0x51B0] =	vst v0  }
0x4a: {  	[tilespmem:$0x51C0] =	vst v0  }
0x4b: {  	[tilespmem:$0x51D0] =	vst v0  }
0x4c: {  	[tilespmem:$0x51E0] =	vst v0  }
0x4d: {  	[tilespmem:$0x51F0] =	vst v0  }
0x4e: {  	[tilespmem:$0x5200] =	vst v0  }
0x4f: {  	[tilespmem:$0x5210] =	vst v0  }
0x50: {  	[tilespmem:$0x5220] =	vst v0  }
0x51: {  	[tilespmem:$0x5230] =	vst v0  }
0x52: {  	[tilespmem:$0x5240] =	vst v0  }
0x53: {  	[tilespmem:$0x5250] =	vst v0  }
0x54: {  	[tilespmem:$0x5260] =	vst v0  }
0x55: {  	[tilespmem:$0x5270] =	vst v0  }
0x56: {  	[tilespmem:$0x5280] =	vst v0  }
0x57: {  	[tilespmem:$0x5290] =	vst v0  }
0x58: {  	[tilespmem:$0x52A0] =	vst v0  }
0x59: {  	[tilespmem:$0x52B0] =	vst v0  }
0x5a: {  	[tilespmem:$0x52C0] =	vst v0  }
0x5b: {  	[tilespmem:$0x52D0] =	vst v0  }
0x5c: {  	[tilespmem:$0x52E0] =	vst v0  }
0x5d: {  	[tilespmem:$0x52F0] =	vst v0  }
0x5e: {  	[tilespmem:$0x5300] =	vst v0  }
0x5f: {  	[tilespmem:$0x5310] =	vst v0  }
0x60: {  	[tilespmem:$0x5320] =	vst v0  }
0x61: {  	[tilespmem:$0x5330] =	vst v0  }
0x62: {  	[tilespmem:$0x5340] =	vst v0  }
0x63: {  	[tilespmem:$0x5350] =	vst v0  }
0x64: {  	[tilespmem:$0x5360] =	vst v0  }
0x65: {  	[tilespmem:$0x5370] =	vst v0  }
0x66: {  	[tilespmem:$0x5380] =	vst v0  }
0x67: {  	[tilespmem:$0x5390] =	vst v0  }
0x68: {  	[tilespmem:$0x53A0] =	vst v0  }
0x69: {  	[tilespmem:$0x53B0] =	vst v0  }
0x6a: {  	[tilespmem:$0x53C0] =	vst v0  }
0x6b: {  	[tilespmem:$0x53D0] =	vst v0  }
0x6c: {  	[tilespmem:$0x53E0] =	vst v0  }
0x6d: {  	[tilespmem:$0x53F0] =	vst v0;
	s16 =	simm.s32 $0x0  }
.LBB2_2:
0x6e: {  	p1 =	sne.s32 s16, $0x4D000  }
.Ltmp2:
0x6f: {  	_ = 	snop;
	(pc) =	sbr.rel @p1 .LBB2_2-.Ltmp2, $4  }
0x70: {  	_ = 	snop  }
0x71: {  	s22 =	sshra.s32 s16, $0x2  }
0x72: {  	s16 =	sadd.s32 $0x1000, s16;
	s22 =	sadd.s32 s22, s7  }
0x73: {  	[spmem:s22] =	stream.linear.scatter [tilespmem:s10], [sflag:$0x9], $0x400, $0x38;
	[tilespmem:$0x1F400] =	vst v63  }
0x74: {  	_ =	swait.ge [sflag:s17], $0x400  }
0x75: {  	s16 =	simm.s32 $0x4D;
	[sflag:s17] =	ssyncset.done $0x0  }
.LBB2_4:
0x76: {  	p1 =	sne.s32 s16, $0x1;
	s16 =	sadd.s32 $0xFFFFFFFF, s16;
	[sflag:s17] =	ssyncadd.s32 $0xFFFFFC00  }
.Ltmp3:
0x77: {  	(pc) =	sbr.rel @p1 .LBB2_4-.Ltmp3, $3  }
0x78: {  	_ =	sdelay $0x1  }
0x79: {  	_ =	swait.ge [sflag:s17], $0x400  }
0x7a: {  	[sflag:s17] =	ssyncset.done $0x0  }
0x7b: {  	[dreg:$0xc] =	wrdreg s13  }
0x7c: {  	[sflag:s17] =	ssyncadd.s32 $0xFFFFFC00;
	s16 =	simm.s32 @!p0 $0x5000;
	s22 =	simm.s32 @!p0 $0xC  }
0x7d: {  	[spmem:s24] =	stream.linear.scatter @!p0 [tilespmem:s16], [sflag:$0xC], $0x400, $0x38;
	[tilespmem:$0x1F400] =	vst v63  }
0x7e: {  	_ =	swait.ge @!p0 [sflag:s22], $0x400  }
0x7f: {  	[sflag:s22] =	ssyncset.done @!p0 $0x0  }
0x80: {  	s10 =	rddreg [dreg:$0xa];
	[sflag:s22] =	ssyncadd.s32 @!p0 $0xFFFFFC00  }
0x81: {  	[spmem:s10] =	stream.linear.scatter @!p0 [tilespmem:s16], [sflag:$0xC], $0x400, $0x38;
	[tilespmem:$0x1F400] =	vst v63  }
0x82: {  	_ =	swait.ge @!p0 [sflag:s22], $0x400  }
0x83: {  	[sflag:s22] =	ssyncset.done @!p0 $0x0  }
0x84: {  	s16 =	simm.s32 $0x40;
	[sflag:s22] =	ssyncadd.s32 @!p0 $0xFFFFFC00;
	s22 =	simm.s32 $0x0  }
.LBB2_6:
0x85: {  	p1 =	sne.s32 s16, $0x9C00;
	[tilespmem:s22+$0x1CC80] =	vst v0;
	s22 =	smov.u32 s16;
	s16 =	sadd.s32 $0x40, s16  }
.Ltmp4:
0x86: {  	(pc) =	sbr.rel @p1 .LBB2_6-.Ltmp4, $2  }
0x87: {  	_ =	sdelay $0x2  }
0x88: {  	s22 =	sshra.s32 s22, $0x2  }
0x89: {  	[tilespmem:s22+$0x1CC80] =	vst v0  }
.Ltmp5:
0x8a: {  	[bflag:$0x0] =	sbarrier.arrive $0xFFFF;
	(pc) =	sbr.rel .LBB2_8-.Ltmp5, $4  }
0x8b: {  	s16 =	simm.s32 $0x0;
	s10 =	rddreg [dreg:$0x4]  }
0x8c: {  	[tilespmem:s16], [sflag:$0xA] =	stream.linear.gather [hbm4b:s10+s16], $0x1400, $0x38;
	[tilespmem:$0x1F400] =	vst v63  }
0x8d: {  	s13 =	simm.s32 $0x1400;
	s22 =	simm.s32 $0x0;
	s28 =	rddreg [dreg:$0x5]  }
0x8e: {  	[tilespmem:s13], [sflag:$0xA] =	stream.linear.gather [hbm4b:s28+s16], $0x1400, $0x38;
	[tilespmem:$0x1F400] =	vst v63  }
.LBB2_14:
0x8f: {  	s22 =	sadd.s32 $0x1, s22  }
0x90: {  	p1 =	sne.s32 s22, $0x4  }
.Ltmp6:
0x91: {  	_ = 	snop;
	(pc) =	sbr.rel @!p1 .LBB2_15-.Ltmp6, $1  }
0x92: {  	_ =	sdelay $0x3  }
.LBB2_8:
0x93: {  	_ =	swait.ge [sflag:s19], $0x1400;
	s24 =	sshll.u32 s22, $0x6  }
0x94: {  	[sflag:s19] =	ssyncset.done $0x0;
	s24 =	sor.u32 s15, s24  }
0x95: {  	[sflag:s19] =	ssyncadd.s32 $0xFFFFEC00;
	p1 =	sgt.u32 s24, $0xF9  }
0x96: {  	_ =	swait.ge [sflag:s19], $0x1400;
	s28 =	smul.u32 @!p1 $0x280, s24  }
0x97: {  	s14 =	simm.s32 @!p1 $0x0;
	[sflag:s19] =	ssyncset.done $0x0  }
0x98: {  	s10 =	simm.s32 @!p1 $0x2800;
	[sflag:s19] =	ssyncadd.s32 $0xFFFFEC00;
	s13 =	sadd.s32 @!p1 s5, s28  }
0x99: {  	[tilespmem:s10], [sflag:$0xB] =	stream.linear.gather @!p1 [hbm4b:s13+s14], $0x1400, $0x38;
	[tilespmem:$0x1F400] =	vst v63  }
0x9a: {  	s10 =	sadd.s32 @!p1 s6, s28;
	s13 =	simm.s32 @!p1 $0x3C00  }
0x9b: {  	[tilespmem:s13], [sflag:$0xB] =	stream.linear.gather @!p1 [hbm4b:s10+s14], $0x1400, $0x38;
	[tilespmem:$0x1F400] =	vst v63  }
0x9c: {  	_ = 	snop  }
0x9d: {  	[tilespmem:s21], [sflag:$0x1] =	stream.indirect.gather [hbm4b:s1+s20], $0x80, s16, s20, $0xb8;
	[tilespmem:$0x1F400] =	vst v63  }
0x9e: {  	s14 =	simm.s32 $0x80  }
0x9f: {  	[tilespmem:s23], [sflag:$0x2] =	stream.indirect.gather [hbm4b:s1+s20], $0x80, s14, s20, $0xb8;
	[tilespmem:$0x1F400] =	vst v63  }
0xa0: {  	s13 =	simm.s32 $0x100  }
0xa1: {  	[tilespmem:s26], [sflag:$0x3] =	stream.indirect.gather [hbm4b:s1+s20], $0x80, s13, s20, $0xb8;
	[tilespmem:$0x1F400] =	vst v63  }
0xa2: {  	s28 =	simm.s32 $0x0;
	s14 =	simm.s32 $0x180  }
0xa3: {  	[tilespmem:s29], [sflag:$0x4] =	stream.indirect.gather [hbm4b:s1+s20], $0x80, s14, s20, $0xb8;
	[tilespmem:$0x1F400] =	vst v63  }
.LBB2_9:
0xa4: {  	_ =	swait.ge [sflag:s30], $0x1000  }
0xa5: {  	s10 =	sshra.s32 s28, $0x2;
	[sflag:s30] =	ssyncset.done $0x0  }
0xa6: {  	s13 =	sadd.s32 $0x1400, s10;
	[sflag:s30] =	ssyncadd.s32 $0xFFFFF000  }
0xa7: {  	[spmem:s3] =	stream.indirect.scatter.add.f32 [tilespmem:s21], [sflag:$0x5], $0x80, s13, s20, $0xb8;
	[tilespmem:$0x1F400] =	vst v63  }
0xa8: {  	v2 =	vld [tilespmem:s10+$0x1400];
	_ =	sdelay $0x7  }
0xa9: {  	[tilespmem:v2+s31+$0x0] =	vst.idx.add.f32.msk $0xffff, v1  }
0xaa: {  	v2 =	vld [tilespmem:s10+$0x1410];
	_ =	sdelay $0x7  }
0xab: {  	[tilespmem:v2+s31+$0x0] =	vst.idx.add.f32.msk $0xffff, v1  }
0xac: {  	_ =	swait.ge [sflag:s0], $0x1000  }
0xad: {  	[sflag:s0] =	ssyncset.done $0x0  }
0xae: {  	s14 =	sadd.s32 $0x1480, s10;
	[sflag:s0] =	ssyncadd.s32 $0xFFFFF000  }
0xaf: {  	[spmem:s3] =	stream.indirect.scatter.add.f32 [tilespmem:s23], [sflag:$0x6], $0x80, s14, s20, $0xb8;
	[tilespmem:$0x1F400] =	vst v63  }
0xb0: {  	v2 =	vld [tilespmem:s10+$0x1480];
	_ =	sdelay $0x7  }
0xb1: {  	[tilespmem:v2+s31+$0x0] =	vst.idx.add.f32.msk $0xffff, v1  }
0xb2: {  	v2 =	vld [tilespmem:s10+$0x1490];
	_ =	sdelay $0x7  }
0xb3: {  	[tilespmem:v2+s31+$0x0] =	vst.idx.add.f32.msk $0xffff, v1  }
0xb4: {  	_ =	swait.ge [sflag:s4], $0x1000  }
0xb5: {  	[sflag:s4] =	ssyncset.done $0x0  }
0xb6: {  	s14 =	sadd.s32 $0x1500, s10;
	[sflag:s4] =	ssyncadd.s32 $0xFFFFF000  }
0xb7: {  	[spmem:s3] =	stream.indirect.scatter.add.f32 [tilespmem:s26], [sflag:$0x7], $0x80, s14, s20, $0xb8;
	[tilespmem:$0x1F400] =	vst v63  }
0xb8: {  	v2 =	vld [tilespmem:s10+$0x1500];
	_ =	sdelay $0x7  }
0xb9: {  	[tilespmem:v2+s31+$0x0] =	vst.idx.add.f32.msk $0xffff, v1  }
0xba: {  	v2 =	vld [tilespmem:s10+$0x1510];
	_ =	sdelay $0x7  }
0xbb: {  	[tilespmem:v2+s31+$0x0] =	vst.idx.add.f32.msk $0xffff, v1  }
0xbc: {  	_ =	swait.ge [sflag:s18], $0x1000  }
0xbd: {  	[sflag:s18] =	ssyncset.done $0x0  }
0xbe: {  	s14 =	sadd.s32 $0x1580, s10;
	[sflag:s18] =	ssyncadd.s32 $0xFFFFF000  }
0xbf: {  	[spmem:s3] =	stream.indirect.scatter.add.f32 [tilespmem:s29], [sflag:$0x8], $0x80, s14, s20, $0xb8;
	[tilespmem:$0x1F400] =	vst v63  }
0xc0: {  	v2 =	vld [tilespmem:s10+$0x1580];
	_ =	sdelay $0x7  }
0xc1: {  	[tilespmem:v2+s31+$0x0] =	vst.idx.add.f32.msk $0xffff, v1  }
0xc2: {  	v2 =	vld [tilespmem:s10+$0x1590];
	_ =	sdelay $0x7  }
0xc3: {  	[tilespmem:v2+s31+$0x0] =	vst.idx.add.f32.msk $0xffff, v1  }
0xc4: {  	_ =	swait.ge [sflag:s2], $0x1000  }
0xc5: {  	[sflag:s2] =	ssyncset.done $0x0  }
0xc6: {  	s14 =	sadd.s32 $0x200, s10;
	[sflag:s2] =	ssyncadd.s32 $0xFFFFF000  }
0xc7: {  	[tilespmem:s21], [sflag:$0x1] =	stream.indirect.gather [hbm4b:s1+s20], $0x80, s14, s20, $0xb8;
	[tilespmem:$0x1F400] =	vst v63  }
0xc8: {  	_ =	swait.ge [sflag:s8], $0x1000  }
0xc9: {  	[sflag:s8] =	ssyncset.done $0x0  }
0xca: {  	s14 =	sadd.s32 $0x280, s10;
	[sflag:s8] =	ssyncadd.s32 $0xFFFFF000  }
0xcb: {  	[tilespmem:s23], [sflag:$0x2] =	stream.indirect.gather [hbm4b:s1+s20], $0x80, s14, s20, $0xb8;
	[tilespmem:$0x1F400] =	vst v63  }
0xcc: {  	_ =	swait.ge [sflag:s9], $0x1000  }
0xcd: {  	[sflag:s9] =	ssyncset.done $0x0  }
0xce: {  	p2 =	sne.s32 s28, $0x4000;
	s14 =	sadd.s32 $0x300, s10;
	[sflag:s9] =	ssyncadd.s32 $0xFFFFF000  }
0xcf: {  	[tilespmem:s26], [sflag:$0x3] =	stream.indirect.gather [hbm4b:s1+s20], $0x80, s14, s20, $0xb8;
	[tilespmem:$0x1F400] =	vst v63  }
.Ltmp7:
0xd0: {  	_ = 	snop;
	(pc) =	sbr.rel @p2 .LBB2_9-.Ltmp7, $4  }
0xd1: {  	_ =	swait.ge [sflag:s12], $0x1000  }
0xd2: {  	[sflag:s12] =	ssyncset.done $0x0  }
0xd3: {  	s28 =	sadd.s32 $0x800, s28;
	s10 =	sadd.s32 $0x380, s10;
	[sflag:s12] =	ssyncadd.s32 $0xFFFFF000  }
0xd4: {  	[tilespmem:s29], [sflag:$0x4] =	stream.indirect.gather [hbm4b:s1+s20], $0x80, s10, s20, $0xb8;
	[tilespmem:$0x1F400] =	vst v63  }
0xd5: {  	_ =	swait.ge [sflag:s30], $0x1000  }
0xd6: {  	[sflag:s30] =	ssyncset.done $0x0  }
0xd7: {  	s10 =	simm.s32 $0x2600;
	[sflag:s30] =	ssyncadd.s32 $0xFFFFF000  }
0xd8: {  	[spmem:s3] =	stream.indirect.scatter.add.f32 [tilespmem:s21], [sflag:$0x5], $0x80, s10, s20, $0xb8;
	[tilespmem:$0x1F400] =	vst v63  }
0xd9: {  	v2 =	vld [tilespmem:$0x2600];
	_ =	sdelay $0x7  }
0xda: {  	[tilespmem:v2+s31+$0x0] =	vst.idx.add.f32.msk $0xffff, v1  }
0xdb: {  	v2 =	vld [tilespmem:$0x2610];
	_ =	sdelay $0x7  }
0xdc: {  	[tilespmem:v2+s31+$0x0] =	vst.idx.add.f32.msk $0xffff, v1  }
0xdd: {  	_ =	swait.ge [sflag:s0], $0x1000  }
0xde: {  	[sflag:s0] =	ssyncset.done $0x0  }
0xdf: {  	s14 =	simm.s32 $0x2680;
	[sflag:s0] =	ssyncadd.s32 $0xFFFFF000  }
0xe0: {  	[spmem:s3] =	stream.indirect.scatter.add.f32 [tilespmem:s23], [sflag:$0x6], $0x80, s14, s20, $0xb8;
	[tilespmem:$0x1F400] =	vst v63  }
0xe1: {  	v2 =	vld [tilespmem:$0x2680];
	_ =	sdelay $0x7  }
0xe2: {  	[tilespmem:v2+s31+$0x0] =	vst.idx.add.f32.msk $0xffff, v1  }
0xe3: {  	v2 =	vld [tilespmem:$0x2690];
	_ =	sdelay $0x7  }
0xe4: {  	[tilespmem:v2+s31+$0x0] =	vst.idx.add.f32.msk $0xffff, v1  }
0xe5: {  	_ =	swait.ge [sflag:s4], $0x1000  }
0xe6: {  	[sflag:s4] =	ssyncset.done $0x0  }
0xe7: {  	s28 =	simm.s32 $0x2700;
	[sflag:s4] =	ssyncadd.s32 $0xFFFFF000  }
0xe8: {  	[spmem:s3] =	stream.indirect.scatter.add.f32 [tilespmem:s26], [sflag:$0x7], $0x80, s28, s20, $0xb8;
	[tilespmem:$0x1F400] =	vst v63  }
0xe9: {  	v2 =	vld [tilespmem:$0x2700];
	_ =	sdelay $0x7  }
0xea: {  	[tilespmem:v2+s31+$0x0] =	vst.idx.add.f32.msk $0xffff, v1  }
0xeb: {  	v2 =	vld [tilespmem:$0x2710];
	_ =	sdelay $0x7  }
0xec: {  	[tilespmem:v2+s31+$0x0] =	vst.idx.add.f32.msk $0xffff, v1  }
0xed: {  	_ =	swait.ge [sflag:s18], $0x1000  }
0xee: {  	[sflag:s18] =	ssyncset.done $0x0  }
0xef: {  	[sflag:s18] =	ssyncadd.s32 $0xFFFFF000  }
0xf0: {  	[spmem:s3] =	stream.indirect.scatter.add.f32 [tilespmem:s29], [sflag:$0x8], $0x80, s25, s20, $0xb8;
	[tilespmem:$0x1F400] =	vst v63  }
0xf1: {  	v2 =	vld [tilespmem:$0x2780];
	_ =	sdelay $0x7  }
0xf2: {  	[tilespmem:v2+s31+$0x0] =	vst.idx.add.f32.msk $0xffff, v1  }
0xf3: {  	v2 =	vld [tilespmem:$0x2790];
	_ =	sdelay $0x7  }
0xf4: {  	[tilespmem:v2+s31+$0x0] =	vst.idx.add.f32.msk $0xffff, v1  }
0xf5: {  	_ =	swait.ge [sflag:s2], $0x1000  }
0xf6: {  	[sflag:s2] =	ssyncset.done $0x0  }
0xf7: {  	[sflag:s2] =	ssyncadd.s32 $0xFFFFF000  }
0xf8: {  	_ =	swait.ge [sflag:s8], $0x1000  }
0xf9: {  	[sflag:s8] =	ssyncset.done $0x0  }
0xfa: {  	[sflag:s8] =	ssyncadd.s32 $0xFFFFF000  }
0xfb: {  	_ =	swait.ge [sflag:s9], $0x1000  }
.Ltmp8:
0xfc: {  	[sflag:s9] =	ssyncset.done $0x0;
	(pc) =	sbr.rel @p1 .LBB2_14-.Ltmp8, $4  }
0xfd: {  	[sflag:s9] =	ssyncadd.s32 $0xFFFFF000  }
0xfe: {  	_ =	swait.ge [sflag:s12], $0x1000  }
0xff: {  	[sflag:s12] =	ssyncset.done $0x0  }
0x100: {  	[sflag:s12] =	ssyncadd.s32 $0xFFFFF000  }
0x101: {  	_ =	swait.ge [sflag:s11], $0x1400;
	p1 =	sgt.u32 s24, $0xD9  }
0x102: {  	[sflag:s11] =	ssyncset.done $0x0;
	s10 =	smul.u32 @!p1 $0x1400, s24  }
0x103: {  	[sflag:s11] =	ssyncadd.s32 $0xFFFFEC00  }
0x104: {  	_ =	swait.ge [sflag:s11], $0x1400;
	s10 =	sshrl.u32 @!p1 s10, $0x3  }
0x105: {  	[sflag:s11] =	ssyncset.done $0x0;
	s10 =	sadd.s32 @!p1 $0x5000, s10  }
0x106: {  	s14 =	simm.s32 @!p1 $0x0;
	[sflag:s11] =	ssyncadd.s32 $0xFFFFEC00;
	s13 =	sadd.s32 @!p1 s5, s10  }
0x107: {  	[tilespmem:s14], [sflag:$0xA] =	stream.linear.gather @!p1 [hbm4b:s13+s14], $0x1400, $0x38;
	[tilespmem:$0x1F400] =	vst v63  }
0x108: {  	s10 =	sadd.s32 @!p1 s6, s10;
	s13 =	simm.s32 @!p1 $0x1400  }
0x109: {  	[tilespmem:s13], [sflag:$0xA] =	stream.linear.gather @!p1 [hbm4b:s10+s14], $0x1400, $0x38;
	[tilespmem:$0x1F400] =	vst v63  }
0x10a: {  	s13 =	simm.s32 $0x2800  }
0x10b: {  	[tilespmem:s21], [sflag:$0x1] =	stream.indirect.gather [hbm4b:s1+s20], $0x80, s13, s20, $0xb8;
	[tilespmem:$0x1F400] =	vst v63  }
0x10c: {  	s14 =	simm.s32 $0x2880  }
0x10d: {  	[tilespmem:s23], [sflag:$0x2] =	stream.indirect.gather [hbm4b:s1+s20], $0x80, s14, s20, $0xb8;
	[tilespmem:$0x1F400] =	vst v63  }
0x10e: {  	s24 =	simm.s32 $0x2900  }
0x10f: {  	[tilespmem:s26], [sflag:$0x3] =	stream.indirect.gather [hbm4b:s1+s20], $0x80, s24, s20, $0xb8;
	[tilespmem:$0x1F400] =	vst v63  }
0x110: {  	s28 =	simm.s32 $0x2980;
	s24 =	simm.s32 $0x0  }
0x111: {  	[tilespmem:s29], [sflag:$0x4] =	stream.indirect.gather [hbm4b:s1+s20], $0x80, s28, s20, $0xb8;
	[tilespmem:$0x1F400] =	vst v63  }
.LBB2_12:
0x112: {  	_ =	swait.ge [sflag:s30], $0x1000  }
0x113: {  	s10 =	sshra.s32 s24, $0x2;
	[sflag:s30] =	ssyncset.done $0x0  }
0x114: {  	s13 =	sadd.s32 $0x3C00, s10;
	[sflag:s30] =	ssyncadd.s32 $0xFFFFF000  }
0x115: {  	[spmem:s3] =	stream.indirect.scatter.add.f32 [tilespmem:s21], [sflag:$0x5], $0x80, s13, s20, $0xb8;
	[tilespmem:$0x1F400] =	vst v63  }
0x116: {  	v2 =	vld [tilespmem:s10+$0x3C00];
	_ =	sdelay $0x7  }
0x117: {  	[tilespmem:v2+s31+$0x0] =	vst.idx.add.f32.msk $0xffff, v1  }
0x118: {  	v2 =	vld [tilespmem:s10+$0x3C10];
	_ =	sdelay $0x7  }
0x119: {  	[tilespmem:v2+s31+$0x0] =	vst.idx.add.f32.msk $0xffff, v1  }
0x11a: {  	_ =	swait.ge [sflag:s0], $0x1000  }
0x11b: {  	[sflag:s0] =	ssyncset.done $0x0  }
0x11c: {  	s14 =	sadd.s32 $0x3C80, s10;
	[sflag:s0] =	ssyncadd.s32 $0xFFFFF000  }
0x11d: {  	[spmem:s3] =	stream.indirect.scatter.add.f32 [tilespmem:s23], [sflag:$0x6], $0x80, s14, s20, $0xb8;
	[tilespmem:$0x1F400] =	vst v63  }
0x11e: {  	v2 =	vld [tilespmem:s10+$0x3C80];
	_ =	sdelay $0x7  }
0x11f: {  	[tilespmem:v2+s31+$0x0] =	vst.idx.add.f32.msk $0xffff, v1  }
0x120: {  	v2 =	vld [tilespmem:s10+$0x3C90];
	_ =	sdelay $0x7  }
0x121: {  	[tilespmem:v2+s31+$0x0] =	vst.idx.add.f32.msk $0xffff, v1  }
0x122: {  	_ =	swait.ge [sflag:s4], $0x1000  }
0x123: {  	[sflag:s4] =	ssyncset.done $0x0  }
0x124: {  	s28 =	sadd.s32 $0x3D00, s10;
	[sflag:s4] =	ssyncadd.s32 $0xFFFFF000  }
0x125: {  	[spmem:s3] =	stream.indirect.scatter.add.f32 [tilespmem:s26], [sflag:$0x7], $0x80, s28, s20, $0xb8;
	[tilespmem:$0x1F400] =	vst v63  }
0x126: {  	v2 =	vld [tilespmem:s10+$0x3D00];
	_ =	sdelay $0x7  }
0x127: {  	[tilespmem:v2+s31+$0x0] =	vst.idx.add.f32.msk $0xffff, v1  }
0x128: {  	v2 =	vld [tilespmem:s10+$0x3D10];
	_ =	sdelay $0x7  }
0x129: {  	[tilespmem:v2+s31+$0x0] =	vst.idx.add.f32.msk $0xffff, v1  }
0x12a: {  	_ =	swait.ge [sflag:s18], $0x1000  }
0x12b: {  	[sflag:s18] =	ssyncset.done $0x0  }
0x12c: {  	s14 =	sadd.s32 $0x3D80, s10;
	[sflag:s18] =	ssyncadd.s32 $0xFFFFF000  }
0x12d: {  	[spmem:s3] =	stream.indirect.scatter.add.f32 [tilespmem:s29], [sflag:$0x8], $0x80, s14, s20, $0xb8;
	[tilespmem:$0x1F400] =	vst v63  }
0x12e: {  	v2 =	vld [tilespmem:s10+$0x3D80];
	_ =	sdelay $0x7  }
0x12f: {  	[tilespmem:v2+s31+$0x0] =	vst.idx.add.f32.msk $0xffff, v1  }
0x130: {  	v2 =	vld [tilespmem:s10+$0x3D90];
	_ =	sdelay $0x7  }
0x131: {  	[tilespmem:v2+s31+$0x0] =	vst.idx.add.f32.msk $0xffff, v1  }
0x132: {  	_ =	swait.ge [sflag:s2], $0x1000  }
0x133: {  	[sflag:s2] =	ssyncset.done $0x0  }
0x134: {  	s28 =	sadd.s32 $0x2A00, s10;
	[sflag:s2] =	ssyncadd.s32 $0xFFFFF000  }
0x135: {  	[tilespmem:s21], [sflag:$0x1] =	stream.indirect.gather [hbm4b:s1+s20], $0x80, s28, s20, $0xb8;
	[tilespmem:$0x1F400] =	vst v63  }
0x136: {  	_ =	swait.ge [sflag:s8], $0x1000  }
0x137: {  	[sflag:s8] =	ssyncset.done $0x0  }
0x138: {  	s14 =	sadd.s32 $0x2A80, s10;
	[sflag:s8] =	ssyncadd.s32 $0xFFFFF000  }
0x139: {  	[tilespmem:s23], [sflag:$0x2] =	stream.indirect.gather [hbm4b:s1+s20], $0x80, s14, s20, $0xb8;
	[tilespmem:$0x1F400] =	vst v63  }
0x13a: {  	_ =	swait.ge [sflag:s9], $0x1000  }
0x13b: {  	[sflag:s9] =	ssyncset.done $0x0  }
0x13c: {  	p1 =	sne.s32 s24, $0x4000;
	s28 =	sadd.s32 $0x2B00, s10;
	[sflag:s9] =	ssyncadd.s32 $0xFFFFF000  }
0x13d: {  	[tilespmem:s26], [sflag:$0x3] =	stream.indirect.gather [hbm4b:s1+s20], $0x80, s28, s20, $0xb8;
	[tilespmem:$0x1F400] =	vst v63  }
.Ltmp9:
0x13e: {  	_ = 	snop;
	(pc) =	sbr.rel @p1 .LBB2_12-.Ltmp9, $4  }
0x13f: {  	_ =	swait.ge [sflag:s12], $0x1000  }
0x140: {  	[sflag:s12] =	ssyncset.done $0x0  }
0x141: {  	s24 =	sadd.s32 $0x800, s24;
	s10 =	sadd.s32 $0x2B80, s10;
	[sflag:s12] =	ssyncadd.s32 $0xFFFFF000  }
0x142: {  	[tilespmem:s29], [sflag:$0x4] =	stream.indirect.gather [hbm4b:s1+s20], $0x80, s10, s20, $0xb8;
	[tilespmem:$0x1F400] =	vst v63  }
0x143: {  	_ =	swait.ge [sflag:s30], $0x1000  }
0x144: {  	[sflag:s30] =	ssyncset.done $0x0  }
0x145: {  	s10 =	simm.s32 $0x4E00;
	[sflag:s30] =	ssyncadd.s32 $0xFFFFF000  }
0x146: {  	[spmem:s3] =	stream.indirect.scatter.add.f32 [tilespmem:s21], [sflag:$0x5], $0x80, s10, s20, $0xb8;
	[tilespmem:$0x1F400] =	vst v63  }
0x147: {  	v2 =	vld [tilespmem:$0x4E00];
	_ =	sdelay $0x7  }
0x148: {  	[tilespmem:v2+s31+$0x0] =	vst.idx.add.f32.msk $0xffff, v1  }
0x149: {  	v2 =	vld [tilespmem:$0x4E10];
	_ =	sdelay $0x7  }
0x14a: {  	[tilespmem:v2+s31+$0x0] =	vst.idx.add.f32.msk $0xffff, v1  }
0x14b: {  	_ =	swait.ge [sflag:s0], $0x1000  }
0x14c: {  	[sflag:s0] =	ssyncset.done $0x0  }
0x14d: {  	s14 =	simm.s32 $0x4E80;
	[sflag:s0] =	ssyncadd.s32 $0xFFFFF000  }
0x14e: {  	[spmem:s3] =	stream.indirect.scatter.add.f32 [tilespmem:s23], [sflag:$0x6], $0x80, s14, s20, $0xb8;
	[tilespmem:$0x1F400] =	vst v63  }
0x14f: {  	v2 =	vld [tilespmem:$0x4E80];
	_ =	sdelay $0x7  }
0x150: {  	[tilespmem:v2+s31+$0x0] =	vst.idx.add.f32.msk $0xffff, v1  }
0x151: {  	v2 =	vld [tilespmem:$0x4E90];
	_ =	sdelay $0x7  }
0x152: {  	[tilespmem:v2+s31+$0x0] =	vst.idx.add.f32.msk $0xffff, v1  }
0x153: {  	_ =	swait.ge [sflag:s4], $0x1000  }
0x154: {  	[sflag:s4] =	ssyncset.done $0x0  }
0x155: {  	s24 =	simm.s32 $0x4F00;
	[sflag:s4] =	ssyncadd.s32 $0xFFFFF000  }
0x156: {  	[spmem:s3] =	stream.indirect.scatter.add.f32 [tilespmem:s26], [sflag:$0x7], $0x80, s24, s20, $0xb8;
	[tilespmem:$0x1F400] =	vst v63  }
0x157: {  	v2 =	vld [tilespmem:$0x4F00];
	_ =	sdelay $0x7  }
0x158: {  	[tilespmem:v2+s31+$0x0] =	vst.idx.add.f32.msk $0xffff, v1  }
0x159: {  	v2 =	vld [tilespmem:$0x4F10];
	_ =	sdelay $0x7  }
0x15a: {  	[tilespmem:v2+s31+$0x0] =	vst.idx.add.f32.msk $0xffff, v1  }
0x15b: {  	_ =	swait.ge [sflag:s18], $0x1000  }
0x15c: {  	[sflag:s18] =	ssyncset.done $0x0  }
0x15d: {  	s28 =	simm.s32 $0x4F80;
	[sflag:s18] =	ssyncadd.s32 $0xFFFFF000  }
0x15e: {  	[spmem:s3] =	stream.indirect.scatter.add.f32 [tilespmem:s29], [sflag:$0x8], $0x80, s28, s20, $0xb8;
	[tilespmem:$0x1F400] =	vst v63  }
0x15f: {  	v2 =	vld [tilespmem:$0x4F80];
	_ =	sdelay $0x7  }
0x160: {  	[tilespmem:v2+s31+$0x0] =	vst.idx.add.f32.msk $0xffff, v1  }
0x161: {  	v2 =	vld [tilespmem:$0x4F90];
	_ =	sdelay $0x7  }
0x162: {  	[tilespmem:v2+s31+$0x0] =	vst.idx.add.f32.msk $0xffff, v1  }
0x163: {  	_ =	swait.ge [sflag:s2], $0x1000  }
0x164: {  	[sflag:s2] =	ssyncset.done $0x0  }
0x165: {  	[sflag:s2] =	ssyncadd.s32 $0xFFFFF000  }
0x166: {  	_ =	swait.ge [sflag:s8], $0x1000  }
0x167: {  	[sflag:s8] =	ssyncset.done $0x0  }
0x168: {  	[sflag:s8] =	ssyncadd.s32 $0xFFFFF000  }
0x169: {  	_ =	swait.ge [sflag:s9], $0x1000  }
.Ltmp10:
0x16a: {  	[sflag:s9] =	ssyncset.done $0x0;
	(pc) =	sbr.rel .LBB2_14-.Ltmp10, $4  }
0x16b: {  	[sflag:s9] =	ssyncadd.s32 $0xFFFFF000  }
0x16c: {  	_ =	swait.ge [sflag:s12], $0x1000  }
0x16d: {  	[sflag:s12] =	ssyncset.done $0x0  }
0x16e: {  	[sflag:s12] =	ssyncadd.s32 $0xFFFFF000  }
.LBB2_16:
0x16f: {  	_ =	sfence.sel $0x180000  }
0x170: {  	[bflag:$0x0] =	sbarrier.arrive $0xFFFF  }
0x171: {  	_ =	strace $0x90000047  }
0x172: {  	s0 =	stileid.u32;
	[bflag:$0x2] =	sbarrier.arrive $0xFFFF  }
0x173: {  	p0 =	sne.s32 s0, $0x0;
	s0 =	rddreg [dreg:$0x3]  }
0x174: {  	s0 =	sadd.s32 @!p0 $0x100000, s0  }
0x175: {  	[sflag:s0] =	ssyncadd.tile.s32 @!p0 $0x1;
	_ =	shalt  }
.Lfunc_end2:
_tile_overlayer_lowered:
.L_overlay_start_2:
0x176: {  	(tag) =	ssettag $0x2  }
0x177: {  	s0 =	rddreg [dreg:$0x0];
	s2 =	stileid.u32  }
0x178: {  	s1 =	rddreg [dreg:$0x1];
	p0 =	sne.s32 s2, $0x0  }
0x179: {  	s3 =	rddreg [dreg:$0x2];
	[bflag:$0x3] =	sbarrier.arrive $0xFFFF;
	s2 =	simm.s32 @!p0 $0x1C0C  }
0x17a: {  	[timem:s3], [sflag:s2] =	dma.local @!p0 [hbm:s0], s1  }
0x17b: {  	s0 =	simm.s32 @!p0 $0xC  }
0x17c: {  	_ =	swait.ge @!p0 [sflag:s0], s1  }
0x17d: {  	s1 =	ssub.s32 @!p0 $0x0, s1;
	[sflag:s0] =	ssyncset.done @!p0 $0x0  }
0x17e: {  	[sflag:s0] =	ssyncadd.s32 @!p0 s1  }
0x17f: {  	[bflag:$0x3] =	sbarrier.arrive $0xFFFF  }
0x180: {  	_ =	shalt  }

</sc_bundles>
